<compile_context>
chip_gen: v7x
topology: tpu7x:2x2x1
jax: 0.10.2.dev20260603
libtpu: 0.0.44.dev20260713+nightly
codegen_flags: <defaults>
</compile_context>

<pallas_src>
import jax
import jax.numpy as jnp
from jax import lax
from jax.experimental import pallas as pl
from jax.experimental.pallas import tpu as pltpu
from jax.experimental.pallas import tpu_sc as plsc

VOCAB = 1000000
EMBED = 64
SEQ = 200
BATCH = 4096

NC = 2
NS = 16
NW = NC * NS

TOTAL = BATCH * SEQ
ROWS_PER_W = TOTAL // NW
SEQS_PER_CHUNK = 4
CHUNK = SEQS_PER_CHUNK * SEQ
NCHUNK = ROWS_PER_W // CHUNK
NDMA = 8
ROWS_PER_DMA = CHUNK // NDMA


def _embed_kernel(idx_hbm, tok_hbm, pos_hbm, out_hbm,
                  idx0, idx1, rows0, rows1, pos_v,
                  sem_g0, sem_g1, sem_w0, sem_w1):
    wid = lax.axis_index("s") * NC + lax.axis_index("c")
    row0 = wid * ROWS_PER_W
    irow0 = wid * (ROWS_PER_W // ROWS_PER_DMA)
    idx_v = (idx0, idx1)
    rows_v = (rows0, rows1)
    sem_g = (sem_g0, sem_g1)
    sem_w = (sem_w0, sem_w1)

    pltpu.sync_copy(pos_hbm, pos_v)

    def gather_copies(b):
        return [
            pltpu.make_async_copy(
                tok_hbm.at[idx_v[b].at[j]],
                rows_v[b].at[pl.ds(j * ROWS_PER_DMA, ROWS_PER_DMA)],
                sem_g[b],
            )
            for j in range(NDMA)
        ]

    def copy_idx(b, c):
        pltpu.sync_copy(idx_hbm.at[pl.ds(irow0 + c * NDMA, NDMA)], idx_v[b])

    def wb_copy(b, c):
        return pltpu.make_async_copy(
            rows_v[b], out_hbm.at[pl.ds(row0 + c * CHUNK, CHUNK)], sem_w[b])

    def pos_add(b):
        def body(p, carry):
            for g in range(EMBED // 16):
                sl = pl.ds(g * 16, 16)
                pv = pos_v[p, sl]
                for s in range(SEQS_PER_CHUNK):
                    r = s * SEQ + p
                    rows_v[b][r, sl] = rows_v[b][r, sl] + pv
            return carry

        lax.fori_loop(0, SEQ, body, 0)

    copy_idx(0, 0)
    for cp in gather_copies(0):
        cp.start()

    def service(b, c, prep_next):
        if prep_next:
            copy_idx(1 - b, c + 1)
            for cp in gather_copies(1 - b):
                cp.start()
        for cp in gather_copies(b):
            cp.wait()
        pos_add(b)
        wb_copy(b, c).start()

    service(0, 0, True)

    def pair_body(g2, carry):
        for b in range(2):
            c = 1 + 2 * g2 + b
            bb = (1 + b) % 2
            wb_copy(1 - bb, c - 1).wait()
            service(bb, c, True)
        return carry

    lax.fori_loop(0, (NCHUNK - 2) // 2, pair_body, 0)

    wb_copy(0, NCHUNK - 2).wait()
    service(1, NCHUNK - 1, False)
    wb_copy(1, NCHUNK - 1).wait()


@jax.jit
def _embed(idx2d, token_table, position_table):
    mesh = plsc.VectorSubcoreMesh(core_axis_name="c", subcore_axis_name="s")
    return pl.kernel(
        _embed_kernel,
        mesh=mesh,
        out_type=jax.ShapeDtypeStruct((TOTAL, EMBED), jnp.float32),
        scratch_types=[
            pltpu.VMEM((NDMA, ROWS_PER_DMA), jnp.int32),
            pltpu.VMEM((NDMA, ROWS_PER_DMA), jnp.int32),
            pltpu.VMEM((CHUNK, EMBED), jnp.float32),
            pltpu.VMEM((CHUNK, EMBED), jnp.float32),
            pltpu.VMEM((SEQ, EMBED), jnp.float32),
            pltpu.SemaphoreType.DMA,
            pltpu.SemaphoreType.DMA,
            pltpu.SemaphoreType.DMA,
            pltpu.SemaphoreType.DMA,
        ],
        compiler_params=pltpu.CompilerParams(use_tc_tiling_on_sc=False),
    )(idx2d, token_table, position_table)


def kernel(x, token_table, position_table):
    idx2d = x.reshape(TOTAL // ROWS_PER_DMA, ROWS_PER_DMA)
    out = _embed(idx2d, token_table, position_table)
    return out.reshape(BATCH, SEQ, EMBED)

# --- scband reference (transcript-rebuilt; emitter-appended) ---
"""Pipeline reference for scband-embed-31731218382900 (READ-ONLY COPY).

The authoritative reference and input builder live on the scoring server;
editing this copy changes nothing except your own understanding.
"""

import jax, jax.numpy as jnp
import numpy as np

VOCAB = 1000000
EMBED = 64
MAX_CTX = 200
BATCH = 4096
SEQ = 200


def setup_inputs(seed: int = 0) -> dict:
    key = jax.random.key(seed)
    k_x, k_tok, k_pos = jax.random.split(key, 3)
    x = jax.random.randint(k_x, (BATCH, SEQ), 0, VOCAB, dtype=jnp.int64 if jax.config.jax_enable_x64 else jnp.int32).astype(jnp.int32)
    token_table = jax.random.normal(k_tok, (VOCAB, EMBED), dtype=jnp.float32)
    position_table = jax.random.normal(k_pos, (MAX_CTX, EMBED), dtype=jnp.float32)
    return {"x": x, "token_table": token_table, "position_table": position_table}


def reference(x, token_table, position_table):
    # tok_embeddings = self.token_embeddings(x)
    tok_embeddings = jnp.take(token_table, x, axis=0)  # [B, S, E]
    # pos_embeddings = self.position_embeddings(arange(x.size(1)))
    positions = jnp.arange(x.shape[1])
    pos_embeddings = jnp.take(position_table, positions, axis=0)  # [S, E]
    return tok_embeddings + pos_embeddings[None, :, :]

if __name__ == "__main__":
    import jax
    _d = setup_inputs()
    print(jax.jit(kernel)(*tuple(_d.values())))

</pallas_src>

<mosaic_0001>
#map = affine_map<(d0, d1) -> (0, 0)>
module attributes {stable_mosaic.version = 14 : i64} {
  func.func @_embed_kernel(%arg0: i32, %arg1: i32, %arg2: memref<8192x100xi32, #tpu.memory_space<hbm>>, %arg3: memref<1000000x64xf32, #tpu.memory_space<hbm>>, %arg4: memref<200x64xf32, #tpu.memory_space<hbm>>, %arg5: memref<819200x64xf32, #tpu.memory_space<hbm>>, %arg6: memref<8x100xi32, #tpu.memory_space<vmem>>, %arg7: memref<8x100xi32, #tpu.memory_space<vmem>>, %arg8: memref<800x64xf32, #tpu.memory_space<vmem>>, %arg9: memref<800x64xf32, #tpu.memory_space<vmem>>, %arg10: memref<200x64xf32, #tpu.memory_space<vmem>>, %arg11: memref<!tpu.dma_semaphore, #tpu.memory_space<semaphore_mem>>, %arg12: memref<!tpu.dma_semaphore, #tpu.memory_space<semaphore_mem>>, %arg13: memref<!tpu.dma_semaphore, #tpu.memory_space<semaphore_mem>>, %arg14: memref<!tpu.dma_semaphore, #tpu.memory_space<semaphore_mem>>) attributes {dimension_semantics = [#tpu.dimension_semantics<core_parallel>, #tpu.dimension_semantics<subcore_parallel>], iteration_bounds = array<i64: 2, 16>, scalar_prefetch = 0 : i64, scratch_operands = 9 : i64, tpu.core_type = #tpu.core_type<sc_vector_subcore>, window_params = [{transform_indices = #map}, {transform_indices = #map}, {transform_indices = #map}, {transform_indices = #map}]} {
    %mul3A = arith.constant 2 : i32
    %mul3A_0 = arith.muli %arg1, %mul3A : i32
    %add3A = arith.addi %mul3A_0, %arg0 : i32
    %mul3A_1 = arith.constant 25600 : i32
    %mul3A_2 = arith.muli %add3A, %mul3A_1 : i32
    %mul3A_3 = arith.constant 256 : i32
    %mul3A_4 = arith.muli %add3A, %mul3A_3 : i32
    "tpu.region"() ({
      %run_scoped3A = tpu.sem_alloc : memref<!tpu.dma_semaphore, #tpu.memory_space<semaphore_mem>>
      tpu.enqueue_dma source(%arg4 : memref<200x64xf32, #tpu.memory_space<hbm>>) target(%arg10 : memref<200x64xf32, #tpu.memory_space<vmem>>) target_semaphore(%run_scoped3A : memref<!tpu.dma_semaphore, #tpu.memory_space<semaphore_mem>>)
      tpu.wait_dma2 semaphore(%run_scoped3A : memref<!tpu.dma_semaphore, #tpu.memory_space<semaphore_mem>>) src(%arg4 : memref<200x64xf32, #tpu.memory_space<hbm>>) dst(%arg10 : memref<200x64xf32, #tpu.memory_space<vmem>>)
      tpu.yield
    }) : () -> ()
    %add3A_5 = arith.constant 0 : i32
    %add3A_6 = arith.addi %mul3A_4, %add3A_5 : i32
    "tpu.region"() ({
      %run_scoped3A = tpu.sem_alloc : memref<!tpu.dma_semaphore, #tpu.memory_space<semaphore_mem>>
      %dma_start3A_368 = arith.constant 0 : i32
      %dma_start3A_369 = tpu.memref_slice %arg2[%add3A_6, %dma_start3A_368] : memref<8192x100xi32, #tpu.memory_space<hbm>> -> memref<8x100xi32, #tpu.memory_space<hbm>>
      %dma_start3A_370 = arith.constant 0 : i32
      %dma_start3A_371 = tpu.memref_slice %arg2[%add3A_6, %dma_start3A_370] : memref<8192x100xi32, #tpu.memory_space<hbm>> -> memref<8x100xi32, #tpu.memory_space<hbm>>
      tpu.enqueue_dma source(%dma_start3A_371 : memref<8x100xi32, #tpu.memory_space<hbm>>) target(%arg6 : memref<8x100xi32, #tpu.memory_space<vmem>>) target_semaphore(%run_scoped3A : memref<!tpu.dma_semaphore, #tpu.memory_space<semaphore_mem>>)
      %dma_wait3A_372 = arith.constant 0 : i32
      %dma_wait3A_373 = tpu.memref_slice %arg2[%add3A_6, %dma_wait3A_372] : memref<8192x100xi32, #tpu.memory_space<hbm>> -> memref<8x100xi32, #tpu.memory_space<hbm>>
      %dma_wait3A_374 = arith.constant 0 : i32
      %dma_wait3A_375 = tpu.memref_slice %arg2[%add3A_6, %dma_wait3A_374] : memref<8192x100xi32, #tpu.memory_space<hbm>> -> memref<8x100xi32, #tpu.memory_space<hbm>>
      tpu.wait_dma2 semaphore(%run_scoped3A : memref<!tpu.dma_semaphore, #tpu.memory_space<semaphore_mem>>) src(%dma_wait3A_375 : memref<8x100xi32, #tpu.memory_space<hbm>>) dst(%arg6 : memref<8x100xi32, #tpu.memory_space<vmem>>)
      tpu.yield
    }) : () -> ()
    %dma_start3A = arith.constant 0 : i32
    %dma_start3A_7 = arith.constant 0 : i32
    %dma_start3A_8 = arith.constant 0 : i32
    %dma_start3A_9 = tpu.memref_slice %arg8[%dma_start3A_7, %dma_start3A_8] : memref<800x64xf32, #tpu.memory_space<vmem>> -> memref<100x64xf32, #tpu.memory_space<vmem>>
    %dma_start3A_10 = arith.constant 0 : i32
    %dma_start3A_11 = tpu.memref_slice %arg6[%dma_start3A, %dma_start3A_10] : memref<8x100xi32, #tpu.memory_space<vmem>> -> memref<1x100xi32, #tpu.memory_space<vmem>>
    %dma_start3A_12 = tpu.memref_squeeze %dma_start3A_11 : memref<1x100xi32, #tpu.memory_space<vmem>> -> memref<100xi32, #tpu.memory_space<vmem>>
    %dma_start3A_13 = arith.constant 0 : i32
    %dma_start3A_14 = arith.constant 0 : i32
    %dma_start3A_15 = tpu.memref_slice %arg3[%dma_start3A_13, %dma_start3A_14] : memref<1000000x64xf32, #tpu.memory_space<hbm>> -> memref<1000000x64xf32, #tpu.memory_space<hbm>>
    tpu.enqueue_indirect_dma source(%dma_start3A_15 : memref<1000000x64xf32, #tpu.memory_space<hbm>>) target(%dma_start3A_9 : memref<100x64xf32, #tpu.memory_space<vmem>>) offsets(%dma_start3A_12 : memref<100xi32, #tpu.memory_space<vmem>>) semaphore(%arg11 : memref<!tpu.dma_semaphore, #tpu.memory_space<semaphore_mem>>)
    %dma_start3A_16 = arith.constant 1 : i32
    %dma_start3A_17 = arith.constant 100 : i32
    %dma_start3A_18 = arith.constant 0 : i32
    %dma_start3A_19 = tpu.memref_slice %arg8[%dma_start3A_17, %dma_start3A_18] : memref<800x64xf32, #tpu.memory_space<vmem>> -> memref<100x64xf32, #tpu.memory_space<vmem>>
    %dma_start3A_20 = arith.constant 0 : i32
    %dma_start3A_21 = tpu.memref_slice %arg6[%dma_start3A_16, %dma_start3A_20] : memref<8x100xi32, #tpu.memory_space<vmem>> -> memref<1x100xi32, #tpu.memory_space<vmem>>
    %dma_start3A_22 = tpu.memref_squeeze %dma_start3A_21 : memref<1x100xi32, #tpu.memory_space<vmem>> -> memref<100xi32, #tpu.memory_space<vmem>>
    %dma_start3A_23 = arith.constant 0 : i32
    %dma_start3A_24 = arith.constant 0 : i32
    %dma_start3A_25 = tpu.memref_slice %arg3[%dma_start3A_23, %dma_start3A_24] : memref<1000000x64xf32, #tpu.memory_space<hbm>> -> memref<1000000x64xf32, #tpu.memory_space<hbm>>
    tpu.enqueue_indirect_dma source(%dma_start3A_25 : memref<1000000x64xf32, #tpu.memory_space<hbm>>) target(%dma_start3A_19 : memref<100x64xf32, #tpu.memory_space<vmem>>) offsets(%dma_start3A_22 : memref<100xi32, #tpu.memory_space<vmem>>) semaphore(%arg11 : memref<!tpu.dma_semaphore, #tpu.memory_space<semaphore_mem>>)
    %dma_start3A_26 = arith.constant 2 : i32
    %dma_start3A_27 = arith.constant 200 : i32
    %dma_start3A_28 = arith.constant 0 : i32
    %dma_start3A_29 = tpu.memref_slice %arg8[%dma_start3A_27, %dma_start3A_28] : memref<800x64xf32, #tpu.memory_space<vmem>> -> memref<100x64xf32, #tpu.memory_space<vmem>>
    %dma_start3A_30 = arith.constant 0 : i32
    %dma_start3A_31 = tpu.memref_slice %arg6[%dma_start3A_26, %dma_start3A_30] : memref<8x100xi32, #tpu.memory_space<vmem>> -> memref<1x100xi32, #tpu.memory_space<vmem>>
    %dma_start3A_32 = tpu.memref_squeeze %dma_start3A_31 : memref<1x100xi32, #tpu.memory_space<vmem>> -> memref<100xi32, #tpu.memory_space<vmem>>
    %dma_start3A_33 = arith.constant 0 : i32
    %dma_start3A_34 = arith.constant 0 : i32
    %dma_start3A_35 = tpu.memref_slice %arg3[%dma_start3A_33, %dma_start3A_34] : memref<1000000x64xf32, #tpu.memory_space<hbm>> -> memref<1000000x64xf32, #tpu.memory_space<hbm>>
    tpu.enqueue_indirect_dma source(%dma_start3A_35 : memref<1000000x64xf32, #tpu.memory_space<hbm>>) target(%dma_start3A_29 : memref<100x64xf32, #tpu.memory_space<vmem>>) offsets(%dma_start3A_32 : memref<100xi32, #tpu.memory_space<vmem>>) semaphore(%arg11 : memref<!tpu.dma_semaphore, #tpu.memory_space<semaphore_mem>>)
    %dma_start3A_36 = arith.constant 3 : i32
    %dma_start3A_37 = arith.constant 300 : i32
    %dma_start3A_38 = arith.constant 0 : i32
    %dma_start3A_39 = tpu.memref_slice %arg8[%dma_start3A_37, %dma_start3A_38] : memref<800x64xf32, #tpu.memory_space<vmem>> -> memref<100x64xf32, #tpu.memory_space<vmem>>
    %dma_start3A_40 = arith.constant 0 : i32
    %dma_start3A_41 = tpu.memref_slice %arg6[%dma_start3A_36, %dma_start3A_40] : memref<8x100xi32, #tpu.memory_space<vmem>> -> memref<1x100xi32, #tpu.memory_space<vmem>>
    %dma_start3A_42 = tpu.memref_squeeze %dma_start3A_41 : memref<1x100xi32, #tpu.memory_space<vmem>> -> memref<100xi32, #tpu.memory_space<vmem>>
    %dma_start3A_43 = arith.constant 0 : i32
    %dma_start3A_44 = arith.constant 0 : i32
    %dma_start3A_45 = tpu.memref_slice %arg3[%dma_start3A_43, %dma_start3A_44] : memref<1000000x64xf32, #tpu.memory_space<hbm>> -> memref<1000000x64xf32, #tpu.memory_space<hbm>>
    tpu.enqueue_indirect_dma source(%dma_start3A_45 : memref<1000000x64xf32, #tpu.memory_space<hbm>>) target(%dma_start3A_39 : memref<100x64xf32, #tpu.memory_space<vmem>>) offsets(%dma_start3A_42 : memref<100xi32, #tpu.memory_space<vmem>>) semaphore(%arg11 : memref<!tpu.dma_semaphore, #tpu.memory_space<semaphore_mem>>)
    %dma_start3A_46 = arith.constant 4 : i32
    %dma_start3A_47 = arith.constant 400 : i32
    %dma_start3A_48 = arith.constant 0 : i32
    %dma_start3A_49 = tpu.memref_slice %arg8[%dma_start3A_47, %dma_start3A_48] : memref<800x64xf32, #tpu.memory_space<vmem>> -> memref<100x64xf32, #tpu.memory_space<vmem>>
    %dma_start3A_50 = arith.constant 0 : i32
    %dma_start3A_51 = tpu.memref_slice %arg6[%dma_start3A_46, %dma_start3A_50] : memref<8x100xi32, #tpu.memory_space<vmem>> -> memref<1x100xi32, #tpu.memory_space<vmem>>
    %dma_start3A_52 = tpu.memref_squeeze %dma_start3A_51 : memref<1x100xi32, #tpu.memory_space<vmem>> -> memref<100xi32, #tpu.memory_space<vmem>>
    %dma_start3A_53 = arith.constant 0 : i32
    %dma_start3A_54 = arith.constant 0 : i32
    %dma_start3A_55 = tpu.memref_slice %arg3[%dma_start3A_53, %dma_start3A_54] : memref<1000000x64xf32, #tpu.memory_space<hbm>> -> memref<1000000x64xf32, #tpu.memory_space<hbm>>
    tpu.enqueue_indirect_dma source(%dma_start3A_55 : memref<1000000x64xf32, #tpu.memory_space<hbm>>) target(%dma_start3A_49 : memref<100x64xf32, #tpu.memory_space<vmem>>) offsets(%dma_start3A_52 : memref<100xi32, #tpu.memory_space<vmem>>) semaphore(%arg11 : memref<!tpu.dma_semaphore, #tpu.memory_space<semaphore_mem>>)
    %dma_start3A_56 = arith.constant 5 : i32
    %dma_start3A_57 = arith.constant 500 : i32
    %dma_start3A_58 = arith.constant 0 : i32
    %dma_start3A_59 = tpu.memref_slice %arg8[%dma_start3A_57, %dma_start3A_58] : memref<800x64xf32, #tpu.memory_space<vmem>> -> memref<100x64xf32, #tpu.memory_space<vmem>>
    %dma_start3A_60 = arith.constant 0 : i32
    %dma_start3A_61 = tpu.memref_slice %arg6[%dma_start3A_56, %dma_start3A_60] : memref<8x100xi32, #tpu.memory_space<vmem>> -> memref<1x100xi32, #tpu.memory_space<vmem>>
    %dma_start3A_62 = tpu.memref_squeeze %dma_start3A_61 : memref<1x100xi32, #tpu.memory_space<vmem>> -> memref<100xi32, #tpu.memory_space<vmem>>
    %dma_start3A_63 = arith.constant 0 : i32
    %dma_start3A_64 = arith.constant 0 : i32
    %dma_start3A_65 = tpu.memref_slice %arg3[%dma_start3A_63, %dma_start3A_64] : memref<1000000x64xf32, #tpu.memory_space<hbm>> -> memref<1000000x64xf32, #tpu.memory_space<hbm>>
    tpu.enqueue_indirect_dma source(%dma_start3A_65 : memref<1000000x64xf32, #tpu.memory_space<hbm>>) target(%dma_start3A_59 : memref<100x64xf32, #tpu.memory_space<vmem>>) offsets(%dma_start3A_62 : memref<100xi32, #tpu.memory_space<vmem>>) semaphore(%arg11 : memref<!tpu.dma_semaphore, #tpu.memory_space<semaphore_mem>>)
    %dma_start3A_66 = arith.constant 6 : i32
    %dma_start3A_67 = arith.constant 600 : i32
    %dma_start3A_68 = arith.constant 0 : i32
    %dma_start3A_69 = tpu.memref_slice %arg8[%dma_start3A_67, %dma_start3A_68] : memref<800x64xf32, #tpu.memory_space<vmem>> -> memref<100x64xf32, #tpu.memory_space<vmem>>
    %dma_start3A_70 = arith.constant 0 : i32
    %dma_start3A_71 = tpu.memref_slice %arg6[%dma_start3A_66, %dma_start3A_70] : memref<8x100xi32, #tpu.memory_space<vmem>> -> memref<1x100xi32, #tpu.memory_space<vmem>>
    %dma_start3A_72 = tpu.memref_squeeze %dma_start3A_71 : memref<1x100xi32, #tpu.memory_space<vmem>> -> memref<100xi32, #tpu.memory_space<vmem>>
    %dma_start3A_73 = arith.constant 0 : i32
    %dma_start3A_74 = arith.constant 0 : i32
    %dma_start3A_75 = tpu.memref_slice %arg3[%dma_start3A_73, %dma_start3A_74] : memref<1000000x64xf32, #tpu.memory_space<hbm>> -> memref<1000000x64xf32, #tpu.memory_space<hbm>>
    tpu.enqueue_indirect_dma source(%dma_start3A_75 : memref<1000000x64xf32, #tpu.memory_space<hbm>>) target(%dma_start3A_69 : memref<100x64xf32, #tpu.memory_space<vmem>>) offsets(%dma_start3A_72 : memref<100xi32, #tpu.memory_space<vmem>>) semaphore(%arg11 : memref<!tpu.dma_semaphore, #tpu.memory_space<semaphore_mem>>)
    %dma_start3A_76 = arith.constant 7 : i32
    %dma_start3A_77 = arith.constant 700 : i32
    %dma_start3A_78 = arith.constant 0 : i32
    %dma_start3A_79 = tpu.memref_slice %arg8[%dma_start3A_77, %dma_start3A_78] : memref<800x64xf32, #tpu.memory_space<vmem>> -> memref<100x64xf32, #tpu.memory_space<vmem>>
    %dma_start3A_80 = arith.constant 0 : i32
    %dma_start3A_81 = tpu.memref_slice %arg6[%dma_start3A_76, %dma_start3A_80] : memref<8x100xi32, #tpu.memory_space<vmem>> -> memref<1x100xi32, #tpu.memory_space<vmem>>
    %dma_start3A_82 = tpu.memref_squeeze %dma_start3A_81 : memref<1x100xi32, #tpu.memory_space<vmem>> -> memref<100xi32, #tpu.memory_space<vmem>>
    %dma_start3A_83 = arith.constant 0 : i32
    %dma_start3A_84 = arith.constant 0 : i32
    %dma_start3A_85 = tpu.memref_slice %arg3[%dma_start3A_83, %dma_start3A_84] : memref<1000000x64xf32, #tpu.memory_space<hbm>> -> memref<1000000x64xf32, #tpu.memory_space<hbm>>
    tpu.enqueue_indirect_dma source(%dma_start3A_85 : memref<1000000x64xf32, #tpu.memory_space<hbm>>) target(%dma_start3A_79 : memref<100x64xf32, #tpu.memory_space<vmem>>) offsets(%dma_start3A_82 : memref<100xi32, #tpu.memory_space<vmem>>) semaphore(%arg11 : memref<!tpu.dma_semaphore, #tpu.memory_space<semaphore_mem>>)
    %add3A_86 = arith.constant 8 : i32
    %add3A_87 = arith.addi %mul3A_4, %add3A_86 : i32
    "tpu.region"() ({
      %run_scoped3A = tpu.sem_alloc : memref<!tpu.dma_semaphore, #tpu.memory_space<semaphore_mem>>
      %dma_start3A_368 = arith.constant 0 : i32
      %dma_start3A_369 = tpu.memref_slice %arg2[%add3A_87, %dma_start3A_368] : memref<8192x100xi32, #tpu.memory_space<hbm>> -> memref<8x100xi32, #tpu.memory_space<hbm>>
      %dma_start3A_370 = arith.constant 0 : i32
      %dma_start3A_371 = tpu.memref_slice %arg2[%add3A_87, %dma_start3A_370] : memref<8192x100xi32, #tpu.memory_space<hbm>> -> memref<8x100xi32, #tpu.memory_space<hbm>>
      tpu.enqueue_dma source(%dma_start3A_371 : memref<8x100xi32, #tpu.memory_space<hbm>>) target(%arg7 : memref<8x100xi32, #tpu.memory_space<vmem>>) target_semaphore(%run_scoped3A : memref<!tpu.dma_semaphore, #tpu.memory_space<semaphore_mem>>)
      %dma_wait3A_372 = arith.constant 0 : i32
      %dma_wait3A_373 = tpu.memref_slice %arg2[%add3A_87, %dma_wait3A_372] : memref<8192x100xi32, #tpu.memory_space<hbm>> -> memref<8x100xi32, #tpu.memory_space<hbm>>
      %dma_wait3A_374 = arith.constant 0 : i32
      %dma_wait3A_375 = tpu.memref_slice %arg2[%add3A_87, %dma_wait3A_374] : memref<8192x100xi32, #tpu.memory_space<hbm>> -> memref<8x100xi32, #tpu.memory_space<hbm>>
      tpu.wait_dma2 semaphore(%run_scoped3A : memref<!tpu.dma_semaphore, #tpu.memory_space<semaphore_mem>>) src(%dma_wait3A_375 : memref<8x100xi32, #tpu.memory_space<hbm>>) dst(%arg7 : memref<8x100xi32, #tpu.memory_space<vmem>>)
      tpu.yield
    }) : () -> ()
    %dma_start3A_88 = arith.constant 0 : i32
    %dma_start3A_89 = arith.constant 0 : i32
    %dma_start3A_90 = arith.constant 0 : i32
    %dma_start3A_91 = tpu.memref_slice %arg9[%dma_start3A_89, %dma_start3A_90] : memref<800x64xf32, #tpu.memory_space<vmem>> -> memref<100x64xf32, #tpu.memory_space<vmem>>
    %dma_start3A_92 = arith.constant 0 : i32
    %dma_start3A_93 = tpu.memref_slice %arg7[%dma_start3A_88, %dma_start3A_92] : memref<8x100xi32, #tpu.memory_space<vmem>> -> memref<1x100xi32, #tpu.memory_space<vmem>>
    %dma_start3A_94 = tpu.memref_squeeze %dma_start3A_93 : memref<1x100xi32, #tpu.memory_space<vmem>> -> memref<100xi32, #tpu.memory_space<vmem>>
    %dma_start3A_95 = arith.constant 0 : i32
    %dma_start3A_96 = arith.constant 0 : i32
    %dma_start3A_97 = tpu.memref_slice %arg3[%dma_start3A_95, %dma_start3A_96] : memref<1000000x64xf32, #tpu.memory_space<hbm>> -> memref<1000000x64xf32, #tpu.memory_space<hbm>>
    tpu.enqueue_indirect_dma source(%dma_start3A_97 : memref<1000000x64xf32, #tpu.memory_space<hbm>>) target(%dma_start3A_91 : memref<100x64xf32, #tpu.memory_space<vmem>>) offsets(%dma_start3A_94 : memref<100xi32, #tpu.memory_space<vmem>>) semaphore(%arg12 : memref<!tpu.dma_semaphore, #tpu.memory_space<semaphore_mem>>)
    %dma_start3A_98 = arith.constant 1 : i32
    %dma_start3A_99 = arith.constant 100 : i32
    %dma_start3A_100 = arith.constant 0 : i32
    %dma_start3A_101 = tpu.memref_slice %arg9[%dma_start3A_99, %dma_start3A_100] : memref<800x64xf32, #tpu.memory_space<vmem>> -> memref<100x64xf32, #tpu.memory_space<vmem>>
    %dma_start3A_102 = arith.constant 0 : i32
    %dma_start3A_103 = tpu.memref_slice %arg7[%dma_start3A_98, %dma_start3A_102] : memref<8x100xi32, #tpu.memory_space<vmem>> -> memref<1x100xi32, #tpu.memory_space<vmem>>
    %dma_start3A_104 = tpu.memref_squeeze %dma_start3A_103 : memref<1x100xi32, #tpu.memory_space<vmem>> -> memref<100xi32, #tpu.memory_space<vmem>>
    %dma_start3A_105 = arith.constant 0 : i32
    %dma_start3A_106 = arith.constant 0 : i32
    %dma_start3A_107 = tpu.memref_slice %arg3[%dma_start3A_105, %dma_start3A_106] : memref<1000000x64xf32, #tpu.memory_space<hbm>> -> memref<1000000x64xf32, #tpu.memory_space<hbm>>
    tpu.enqueue_indirect_dma source(%dma_start3A_107 : memref<1000000x64xf32, #tpu.memory_space<hbm>>) target(%dma_start3A_101 : memref<100x64xf32, #tpu.memory_space<vmem>>) offsets(%dma_start3A_104 : memref<100xi32, #tpu.memory_space<vmem>>) semaphore(%arg12 : memref<!tpu.dma_semaphore, #tpu.memory_space<semaphore_mem>>)
    %dma_start3A_108 = arith.constant 2 : i32
    %dma_start3A_109 = arith.constant 200 : i32
    %dma_start3A_110 = arith.constant 0 : i32
    %dma_start3A_111 = tpu.memref_slice %arg9[%dma_start3A_109, %dma_start3A_110] : memref<800x64xf32, #tpu.memory_space<vmem>> -> memref<100x64xf32, #tpu.memory_space<vmem>>
    %dma_start3A_112 = arith.constant 0 : i32
    %dma_start3A_113 = tpu.memref_slice %arg7[%dma_start3A_108, %dma_start3A_112] : memref<8x100xi32, #tpu.memory_space<vmem>> -> memref<1x100xi32, #tpu.memory_space<vmem>>
    %dma_start3A_114 = tpu.memref_squeeze %dma_start3A_113 : memref<1x100xi32, #tpu.memory_space<vmem>> -> memref<100xi32, #tpu.memory_space<vmem>>
    %dma_start3A_115 = arith.constant 0 : i32
    %dma_start3A_116 = arith.constant 0 : i32
    %dma_start3A_117 = tpu.memref_slice %arg3[%dma_start3A_115, %dma_start3A_116] : memref<1000000x64xf32, #tpu.memory_space<hbm>> -> memref<1000000x64xf32, #tpu.memory_space<hbm>>
    tpu.enqueue_indirect_dma source(%dma_start3A_117 : memref<1000000x64xf32, #tpu.memory_space<hbm>>) target(%dma_start3A_111 : memref<100x64xf32, #tpu.memory_space<vmem>>) offsets(%dma_start3A_114 : memref<100xi32, #tpu.memory_space<vmem>>) semaphore(%arg12 : memref<!tpu.dma_semaphore, #tpu.memory_space<semaphore_mem>>)
    %dma_start3A_118 = arith.constant 3 : i32
    %dma_start3A_119 = arith.constant 300 : i32
    %dma_start3A_120 = arith.constant 0 : i32
    %dma_start3A_121 = tpu.memref_slice %arg9[%dma_start3A_119, %dma_start3A_120] : memref<800x64xf32, #tpu.memory_space<vmem>> -> memref<100x64xf32, #tpu.memory_space<vmem>>
    %dma_start3A_122 = arith.constant 0 : i32
    %dma_start3A_123 = tpu.memref_slice %arg7[%dma_start3A_118, %dma_start3A_122] : memref<8x100xi32, #tpu.memory_space<vmem>> -> memref<1x100xi32, #tpu.memory_space<vmem>>
    %dma_start3A_124 = tpu.memref_squeeze %dma_start3A_123 : memref<1x100xi32, #tpu.memory_space<vmem>> -> memref<100xi32, #tpu.memory_space<vmem>>
    %dma_start3A_125 = arith.constant 0 : i32
    %dma_start3A_126 = arith.constant 0 : i32
    %dma_start3A_127 = tpu.memref_slice %arg3[%dma_start3A_125, %dma_start3A_126] : memref<1000000x64xf32, #tpu.memory_space<hbm>> -> memref<1000000x64xf32, #tpu.memory_space<hbm>>
    tpu.enqueue_indirect_dma source(%dma_start3A_127 : memref<1000000x64xf32, #tpu.memory_space<hbm>>) target(%dma_start3A_121 : memref<100x64xf32, #tpu.memory_space<vmem>>) offsets(%dma_start3A_124 : memref<100xi32, #tpu.memory_space<vmem>>) semaphore(%arg12 : memref<!tpu.dma_semaphore, #tpu.memory_space<semaphore_mem>>)
    %dma_start3A_128 = arith.constant 4 : i32
    %dma_start3A_129 = arith.constant 400 : i32
    %dma_start3A_130 = arith.constant 0 : i32
    %dma_start3A_131 = tpu.memref_slice %arg9[%dma_start3A_129, %dma_start3A_130] : memref<800x64xf32, #tpu.memory_space<vmem>> -> memref<100x64xf32, #tpu.memory_space<vmem>>
    %dma_start3A_132 = arith.constant 0 : i32
    %dma_start3A_133 = tpu.memref_slice %arg7[%dma_start3A_128, %dma_start3A_132] : memref<8x100xi32, #tpu.memory_space<vmem>> -> memref<1x100xi32, #tpu.memory_space<vmem>>
    %dma_start3A_134 = tpu.memref_squeeze %dma_start3A_133 : memref<1x100xi32, #tpu.memory_space<vmem>> -> memref<100xi32, #tpu.memory_space<vmem>>
    %dma_start3A_135 = arith.constant 0 : i32
    %dma_start3A_136 = arith.constant 0 : i32
    %dma_start3A_137 = tpu.memref_slice %arg3[%dma_start3A_135, %dma_start3A_136] : memref<1000000x64xf32, #tpu.memory_space<hbm>> -> memref<1000000x64xf32, #tpu.memory_space<hbm>>
    tpu.enqueue_indirect_dma source(%dma_start3A_137 : memref<1000000x64xf32, #tpu.memory_space<hbm>>) target(%dma_start3A_131 : memref<100x64xf32, #tpu.memory_space<vmem>>) offsets(%dma_start3A_134 : memref<100xi32, #tpu.memory_space<vmem>>) semaphore(%arg12 : memref<!tpu.dma_semaphore, #tpu.memory_space<semaphore_mem>>)
    %dma_start3A_138 = arith.constant 5 : i32
    %dma_start3A_139 = arith.constant 500 : i32
    %dma_start3A_140 = arith.constant 0 : i32
    %dma_start3A_141 = tpu.memref_slice %arg9[%dma_start3A_139, %dma_start3A_140] : memref<800x64xf32, #tpu.memory_space<vmem>> -> memref<100x64xf32, #tpu.memory_space<vmem>>
    %dma_start3A_142 = arith.constant 0 : i32
    %dma_start3A_143 = tpu.memref_slice %arg7[%dma_start3A_138, %dma_start3A_142] : memref<8x100xi32, #tpu.memory_space<vmem>> -> memref<1x100xi32, #tpu.memory_space<vmem>>
    %dma_start3A_144 = tpu.memref_squeeze %dma_start3A_143 : memref<1x100xi32, #tpu.memory_space<vmem>> -> memref<100xi32, #tpu.memory_space<vmem>>
    %dma_start3A_145 = arith.constant 0 : i32
    %dma_start3A_146 = arith.constant 0 : i32
    %dma_start3A_147 = tpu.memref_slice %arg3[%dma_start3A_145, %dma_start3A_146] : memref<1000000x64xf32, #tpu.memory_space<hbm>> -> memref<1000000x64xf32, #tpu.memory_space<hbm>>
    tpu.enqueue_indirect_dma source(%dma_start3A_147 : memref<1000000x64xf32, #tpu.memory_space<hbm>>) target(%dma_start3A_141 : memref<100x64xf32, #tpu.memory_space<vmem>>) offsets(%dma_start3A_144 : memref<100xi32, #tpu.memory_space<vmem>>) semaphore(%arg12 : memref<!tpu.dma_semaphore, #tpu.memory_space<semaphore_mem>>)
    %dma_start3A_148 = arith.constant 6 : i32
    %dma_start3A_149 = arith.constant 600 : i32
    %dma_start3A_150 = arith.constant 0 : i32
    %dma_start3A_151 = tpu.memref_slice %arg9[%dma_start3A_149, %dma_start3A_150] : memref<800x64xf32, #tpu.memory_space<vmem>> -> memref<100x64xf32, #tpu.memory_space<vmem>>
    %dma_start3A_152 = arith.constant 0 : i32
    %dma_start3A_153 = tpu.memref_slice %arg7[%dma_start3A_148, %dma_start3A_152] : memref<8x100xi32, #tpu.memory_space<vmem>> -> memref<1x100xi32, #tpu.memory_space<vmem>>
    %dma_start3A_154 = tpu.memref_squeeze %dma_start3A_153 : memref<1x100xi32, #tpu.memory_space<vmem>> -> memref<100xi32, #tpu.memory_space<vmem>>
    %dma_start3A_155 = arith.constant 0 : i32
    %dma_start3A_156 = arith.constant 0 : i32
    %dma_start3A_157 = tpu.memref_slice %arg3[%dma_start3A_155, %dma_start3A_156] : memref<1000000x64xf32, #tpu.memory_space<hbm>> -> memref<1000000x64xf32, #tpu.memory_space<hbm>>
    tpu.enqueue_indirect_dma source(%dma_start3A_157 : memref<1000000x64xf32, #tpu.memory_space<hbm>>) target(%dma_start3A_151 : memref<100x64xf32, #tpu.memory_space<vmem>>) offsets(%dma_start3A_154 : memref<100xi32, #tpu.memory_space<vmem>>) semaphore(%arg12 : memref<!tpu.dma_semaphore, #tpu.memory_space<semaphore_mem>>)
    %dma_start3A_158 = arith.constant 7 : i32
    %dma_start3A_159 = arith.constant 700 : i32
    %dma_start3A_160 = arith.constant 0 : i32
    %dma_start3A_161 = tpu.memref_slice %arg9[%dma_start3A_159, %dma_start3A_160] : memref<800x64xf32, #tpu.memory_space<vmem>> -> memref<100x64xf32, #tpu.memory_space<vmem>>
    %dma_start3A_162 = arith.constant 0 : i32
    %dma_start3A_163 = tpu.memref_slice %arg7[%dma_start3A_158, %dma_start3A_162] : memref<8x100xi32, #tpu.memory_space<vmem>> -> memref<1x100xi32, #tpu.memory_space<vmem>>
    %dma_start3A_164 = tpu.memref_squeeze %dma_start3A_163 : memref<1x100xi32, #tpu.memory_space<vmem>> -> memref<100xi32, #tpu.memory_space<vmem>>
    %dma_start3A_165 = arith.constant 0 : i32
    %dma_start3A_166 = arith.constant 0 : i32
    %dma_start3A_167 = tpu.memref_slice %arg3[%dma_start3A_165, %dma_start3A_166] : memref<1000000x64xf32, #tpu.memory_space<hbm>> -> memref<1000000x64xf32, #tpu.memory_space<hbm>>
    tpu.enqueue_indirect_dma source(%dma_start3A_167 : memref<1000000x64xf32, #tpu.memory_space<hbm>>) target(%dma_start3A_161 : memref<100x64xf32, #tpu.memory_space<vmem>>) offsets(%dma_start3A_164 : memref<100xi32, #tpu.memory_space<vmem>>) semaphore(%arg12 : memref<!tpu.dma_semaphore, #tpu.memory_space<semaphore_mem>>)
    %dma_wait3A = arith.constant 0 : i32
    %dma_wait3A_168 = arith.constant 0 : i32
    %dma_wait3A_169 = arith.constant 0 : i32
    %dma_wait3A_170 = tpu.memref_slice %arg8[%dma_wait3A_168, %dma_wait3A_169] : memref<800x64xf32, #tpu.memory_space<vmem>> -> memref<100x64xf32, #tpu.memory_space<vmem>>
    %dma_wait3A_171 = arith.constant 0 : i32
    %dma_wait3A_172 = tpu.memref_slice %arg6[%dma_wait3A, %dma_wait3A_171] : memref<8x100xi32, #tpu.memory_space<vmem>> -> memref<1x100xi32, #tpu.memory_space<vmem>>
    %dma_wait3A_173 = tpu.memref_squeeze %dma_wait3A_172 : memref<1x100xi32, #tpu.memory_space<vmem>> -> memref<100xi32, #tpu.memory_space<vmem>>
    %dma_wait3A_174 = arith.constant 0 : i32
    %dma_wait3A_175 = arith.constant 0 : i32
    %dma_wait3A_176 = tpu.memref_slice %arg3[%dma_wait3A_174, %dma_wait3A_175] : memref<1000000x64xf32, #tpu.memory_space<hbm>> -> memref<1000000x64xf32, #tpu.memory_space<hbm>>
    tpu.wait_indirect_dma semaphore(%arg11 : memref<!tpu.dma_semaphore, #tpu.memory_space<semaphore_mem>>) src(%dma_wait3A_176 : memref<1000000x64xf32, #tpu.memory_space<hbm>>) dst(%dma_wait3A_170 : memref<100x64xf32, #tpu.memory_space<vmem>>)
    %dma_wait3A_177 = arith.constant 1 : i32
    %dma_wait3A_178 = arith.constant 100 : i32
    %dma_wait3A_179 = arith.constant 0 : i32
    %dma_wait3A_180 = tpu.memref_slice %arg8[%dma_wait3A_178, %dma_wait3A_179] : memref<800x64xf32, #tpu.memory_space<vmem>> -> memref<100x64xf32, #tpu.memory_space<vmem>>
    %dma_wait3A_181 = arith.constant 0 : i32
    %dma_wait3A_182 = tpu.memref_slice %arg6[%dma_wait3A_177, %dma_wait3A_181] : memref<8x100xi32, #tpu.memory_space<vmem>> -> memref<1x100xi32, #tpu.memory_space<vmem>>
    %dma_wait3A_183 = tpu.memref_squeeze %dma_wait3A_182 : memref<1x100xi32, #tpu.memory_space<vmem>> -> memref<100xi32, #tpu.memory_space<vmem>>
    %dma_wait3A_184 = arith.constant 0 : i32
    %dma_wait3A_185 = arith.constant 0 : i32
    %dma_wait3A_186 = tpu.memref_slice %arg3[%dma_wait3A_184, %dma_wait3A_185] : memref<1000000x64xf32, #tpu.memory_space<hbm>> -> memref<1000000x64xf32, #tpu.memory_space<hbm>>
    tpu.wait_indirect_dma semaphore(%arg11 : memref<!tpu.dma_semaphore, #tpu.memory_space<semaphore_mem>>) src(%dma_wait3A_186 : memref<1000000x64xf32, #tpu.memory_space<hbm>>) dst(%dma_wait3A_180 : memref<100x64xf32, #tpu.memory_space<vmem>>)
    %dma_wait3A_187 = arith.constant 2 : i32
    %dma_wait3A_188 = arith.constant 200 : i32
    %dma_wait3A_189 = arith.constant 0 : i32
    %dma_wait3A_190 = tpu.memref_slice %arg8[%dma_wait3A_188, %dma_wait3A_189] : memref<800x64xf32, #tpu.memory_space<vmem>> -> memref<100x64xf32, #tpu.memory_space<vmem>>
    %dma_wait3A_191 = arith.constant 0 : i32
    %dma_wait3A_192 = tpu.memref_slice %arg6[%dma_wait3A_187, %dma_wait3A_191] : memref<8x100xi32, #tpu.memory_space<vmem>> -> memref<1x100xi32, #tpu.memory_space<vmem>>
    %dma_wait3A_193 = tpu.memref_squeeze %dma_wait3A_192 : memref<1x100xi32, #tpu.memory_space<vmem>> -> memref<100xi32, #tpu.memory_space<vmem>>
    %dma_wait3A_194 = arith.constant 0 : i32
    %dma_wait3A_195 = arith.constant 0 : i32
    %dma_wait3A_196 = tpu.memref_slice %arg3[%dma_wait3A_194, %dma_wait3A_195] : memref<1000000x64xf32, #tpu.memory_space<hbm>> -> memref<1000000x64xf32, #tpu.memory_space<hbm>>
    tpu.wait_indirect_dma semaphore(%arg11 : memref<!tpu.dma_semaphore, #tpu.memory_space<semaphore_mem>>) src(%dma_wait3A_196 : memref<1000000x64xf32, #tpu.memory_space<hbm>>) dst(%dma_wait3A_190 : memref<100x64xf32, #tpu.memory_space<vmem>>)
    %dma_wait3A_197 = arith.constant 3 : i32
    %dma_wait3A_198 = arith.constant 300 : i32
    %dma_wait3A_199 = arith.constant 0 : i32
    %dma_wait3A_200 = tpu.memref_slice %arg8[%dma_wait3A_198, %dma_wait3A_199] : memref<800x64xf32, #tpu.memory_space<vmem>> -> memref<100x64xf32, #tpu.memory_space<vmem>>
    %dma_wait3A_201 = arith.constant 0 : i32
    %dma_wait3A_202 = tpu.memref_slice %arg6[%dma_wait3A_197, %dma_wait3A_201] : memref<8x100xi32, #tpu.memory_space<vmem>> -> memref<1x100xi32, #tpu.memory_space<vmem>>
    %dma_wait3A_203 = tpu.memref_squeeze %dma_wait3A_202 : memref<1x100xi32, #tpu.memory_space<vmem>> -> memref<100xi32, #tpu.memory_space<vmem>>
    %dma_wait3A_204 = arith.constant 0 : i32
    %dma_wait3A_205 = arith.constant 0 : i32
    %dma_wait3A_206 = tpu.memref_slice %arg3[%dma_wait3A_204, %dma_wait3A_205] : memref<1000000x64xf32, #tpu.memory_space<hbm>> -> memref<1000000x64xf32, #tpu.memory_space<hbm>>
    tpu.wait_indirect_dma semaphore(%arg11 : memref<!tpu.dma_semaphore, #tpu.memory_space<semaphore_mem>>) src(%dma_wait3A_206 : memref<1000000x64xf32, #tpu.memory_space<hbm>>) dst(%dma_wait3A_200 : memref<100x64xf32, #tpu.memory_space<vmem>>)
    %dma_wait3A_207 = arith.constant 4 : i32
    %dma_wait3A_208 = arith.constant 400 : i32
    %dma_wait3A_209 = arith.constant 0 : i32
    %dma_wait3A_210 = tpu.memref_slice %arg8[%dma_wait3A_208, %dma_wait3A_209] : memref<800x64xf32, #tpu.memory_space<vmem>> -> memref<100x64xf32, #tpu.memory_space<vmem>>
    %dma_wait3A_211 = arith.constant 0 : i32
    %dma_wait3A_212 = tpu.memref_slice %arg6[%dma_wait3A_207, %dma_wait3A_211] : memref<8x100xi32, #tpu.memory_space<vmem>> -> memref<1x100xi32, #tpu.memory_space<vmem>>
    %dma_wait3A_213 = tpu.memref_squeeze %dma_wait3A_212 : memref<1x100xi32, #tpu.memory_space<vmem>> -> memref<100xi32, #tpu.memory_space<vmem>>
    %dma_wait3A_214 = arith.constant 0 : i32
    %dma_wait3A_215 = arith.constant 0 : i32
    %dma_wait3A_216 = tpu.memref_slice %arg3[%dma_wait3A_214, %dma_wait3A_215] : memref<1000000x64xf32, #tpu.memory_space<hbm>> -> memref<1000000x64xf32, #tpu.memory_space<hbm>>
    tpu.wait_indirect_dma semaphore(%arg11 : memref<!tpu.dma_semaphore, #tpu.memory_space<semaphore_mem>>) src(%dma_wait3A_216 : memref<1000000x64xf32, #tpu.memory_space<hbm>>) dst(%dma_wait3A_210 : memref<100x64xf32, #tpu.memory_space<vmem>>)
    %dma_wait3A_217 = arith.constant 5 : i32
    %dma_wait3A_218 = arith.constant 500 : i32
    %dma_wait3A_219 = arith.constant 0 : i32
    %dma_wait3A_220 = tpu.memref_slice %arg8[%dma_wait3A_218, %dma_wait3A_219] : memref<800x64xf32, #tpu.memory_space<vmem>> -> memref<100x64xf32, #tpu.memory_space<vmem>>
    %dma_wait3A_221 = arith.constant 0 : i32
    %dma_wait3A_222 = tpu.memref_slice %arg6[%dma_wait3A_217, %dma_wait3A_221] : memref<8x100xi32, #tpu.memory_space<vmem>> -> memref<1x100xi32, #tpu.memory_space<vmem>>
    %dma_wait3A_223 = tpu.memref_squeeze %dma_wait3A_222 : memref<1x100xi32, #tpu.memory_space<vmem>> -> memref<100xi32, #tpu.memory_space<vmem>>
    %dma_wait3A_224 = arith.constant 0 : i32
    %dma_wait3A_225 = arith.constant 0 : i32
    %dma_wait3A_226 = tpu.memref_slice %arg3[%dma_wait3A_224, %dma_wait3A_225] : memref<1000000x64xf32, #tpu.memory_space<hbm>> -> memref<1000000x64xf32, #tpu.memory_space<hbm>>
    tpu.wait_indirect_dma semaphore(%arg11 : memref<!tpu.dma_semaphore, #tpu.memory_space<semaphore_mem>>) src(%dma_wait3A_226 : memref<1000000x64xf32, #tpu.memory_space<hbm>>) dst(%dma_wait3A_220 : memref<100x64xf32, #tpu.memory_space<vmem>>)
    %dma_wait3A_227 = arith.constant 6 : i32
    %dma_wait3A_228 = arith.constant 600 : i32
    %dma_wait3A_229 = arith.constant 0 : i32
    %dma_wait3A_230 = tpu.memref_slice %arg8[%dma_wait3A_228, %dma_wait3A_229] : memref<800x64xf32, #tpu.memory_space<vmem>> -> memref<100x64xf32, #tpu.memory_space<vmem>>
    %dma_wait3A_231 = arith.constant 0 : i32
    %dma_wait3A_232 = tpu.memref_slice %arg6[%dma_wait3A_227, %dma_wait3A_231] : memref<8x100xi32, #tpu.memory_space<vmem>> -> memref<1x100xi32, #tpu.memory_space<vmem>>
    %dma_wait3A_233 = tpu.memref_squeeze %dma_wait3A_232 : memref<1x100xi32, #tpu.memory_space<vmem>> -> memref<100xi32, #tpu.memory_space<vmem>>
    %dma_wait3A_234 = arith.constant 0 : i32
    %dma_wait3A_235 = arith.constant 0 : i32
    %dma_wait3A_236 = tpu.memref_slice %arg3[%dma_wait3A_234, %dma_wait3A_235] : memref<1000000x64xf32, #tpu.memory_space<hbm>> -> memref<1000000x64xf32, #tpu.memory_space<hbm>>
    tpu.wait_indirect_dma semaphore(%arg11 : memref<!tpu.dma_semaphore, #tpu.memory_space<semaphore_mem>>) src(%dma_wait3A_236 : memref<1000000x64xf32, #tpu.memory_space<hbm>>) dst(%dma_wait3A_230 : memref<100x64xf32, #tpu.memory_space<vmem>>)
    %dma_wait3A_237 = arith.constant 7 : i32
    %dma_wait3A_238 = arith.constant 700 : i32
    %dma_wait3A_239 = arith.constant 0 : i32
    %dma_wait3A_240 = tpu.memref_slice %arg8[%dma_wait3A_238, %dma_wait3A_239] : memref<800x64xf32, #tpu.memory_space<vmem>> -> memref<100x64xf32, #tpu.memory_space<vmem>>
    %dma_wait3A_241 = arith.constant 0 : i32
    %dma_wait3A_242 = tpu.memref_slice %arg6[%dma_wait3A_237, %dma_wait3A_241] : memref<8x100xi32, #tpu.memory_space<vmem>> -> memref<1x100xi32, #tpu.memory_space<vmem>>
    %dma_wait3A_243 = tpu.memref_squeeze %dma_wait3A_242 : memref<1x100xi32, #tpu.memory_space<vmem>> -> memref<100xi32, #tpu.memory_space<vmem>>
    %dma_wait3A_244 = arith.constant 0 : i32
    %dma_wait3A_245 = arith.constant 0 : i32
    %dma_wait3A_246 = tpu.memref_slice %arg3[%dma_wait3A_244, %dma_wait3A_245] : memref<1000000x64xf32, #tpu.memory_space<hbm>> -> memref<1000000x64xf32, #tpu.memory_space<hbm>>
    tpu.wait_indirect_dma semaphore(%arg11 : memref<!tpu.dma_semaphore, #tpu.memory_space<semaphore_mem>>) src(%dma_wait3A_246 : memref<1000000x64xf32, #tpu.memory_space<hbm>>) dst(%dma_wait3A_240 : memref<100x64xf32, #tpu.memory_space<vmem>>)
    %scan3A = arith.constant 0 : i32
    %scan3A_247 = arith.constant 0 : i32
    %scan3A_248 = arith.constant 200 : i32
    %scan3A_249 = arith.addi %scan3A_247, %scan3A_248 : i32
    %scan3A_250 = arith.constant 1 : i32
    scf.for %scan3A_368 = %scan3A_247 to %scan3A_249 step %scan3A_250  : i32 {
      %get3A = arith.index_cast %scan3A_368 : i32 to index
      %get3A_369 = arith.constant 0 : index
      %get3A_370 = tpu.vector_load %arg10[%get3A, %get3A_369] {strides = array<i32>} : memref<200x64xf32, #tpu.memory_space<vmem>>, vector<1x16xf32>,
      %get3A_371 = vector.shape_cast %get3A_370 : vector<1x16xf32> to vector<16xf32>
      %add3A_372 = arith.constant 0 : i32
      %add3A_373 = arith.addi %add3A_372, %scan3A_368 : i32
      %get3A_374 = arith.index_cast %add3A_373 : i32 to index
      %get3A_375 = arith.constant 0 : index
      %get3A_376 = tpu.vector_load %arg8[%get3A_374, %get3A_375] {strides = array<i32>} : memref<800x64xf32, #tpu.memory_space<vmem>>, vector<1x16xf32>,
      %get3A_377 = vector.shape_cast %get3A_376 : vector<1x16xf32> to vector<16xf32>
      %add3A_378 = arith.addf %get3A_377, %get3A_371 : vector<16xf32>
      %swap3A = arith.index_cast %add3A_373 : i32 to index
      %swap3A_379 = arith.constant 0 : index
      %swap3A_380 = tpu.vector_load %arg8[%swap3A, %swap3A_379] {strides = array<i32>} : memref<800x64xf32, #tpu.memory_space<vmem>>, vector<1x16xf32>,
      %swap3A_381 = vector.shape_cast %swap3A_380 : vector<1x16xf32> to vector<16xf32>
      %swap3A_382 = vector.shape_cast %add3A_378 : vector<16xf32> to vector<1x16xf32>
      tpu.vector_store %arg8[%swap3A, %swap3A_379], %swap3A_382 {strides = array<i32>} : memref<800x64xf32, #tpu.memory_space<vmem>>, vector<1x16xf32>,
      %add3A_383 = arith.constant 200 : i32
      %add3A_384 = arith.addi %add3A_383, %scan3A_368 : i32
      %get3A_385 = arith.index_cast %add3A_384 : i32 to index
      %get3A_386 = arith.constant 0 : index
      %get3A_387 = tpu.vector_load %arg8[%get3A_385, %get3A_386] {strides = array<i32>} : memref<800x64xf32, #tpu.memory_space<vmem>>, vector<1x16xf32>,
      %get3A_388 = vector.shape_cast %get3A_387 : vector<1x16xf32> to vector<16xf32>
      %add3A_389 = arith.addf %get3A_388, %get3A_371 : vector<16xf32>
      %swap3A_390 = arith.index_cast %add3A_384 : i32 to index
      %swap3A_391 = arith.constant 0 : index
      %swap3A_392 = tpu.vector_load %arg8[%swap3A_390, %swap3A_391] {strides = array<i32>} : memref<800x64xf32, #tpu.memory_space<vmem>>, vector<1x16xf32>,
      %swap3A_393 = vector.shape_cast %swap3A_392 : vector<1x16xf32> to vector<16xf32>
      %swap3A_394 = vector.shape_cast %add3A_389 : vector<16xf32> to vector<1x16xf32>
      tpu.vector_store %arg8[%swap3A_390, %swap3A_391], %swap3A_394 {strides = array<i32>} : memref<800x64xf32, #tpu.memory_space<vmem>>, vector<1x16xf32>,
      %add3A_395 = arith.constant 400 : i32
      %add3A_396 = arith.addi %add3A_395, %scan3A_368 : i32
      %get3A_397 = arith.index_cast %add3A_396 : i32 to index
      %get3A_398 = arith.constant 0 : index
      %get3A_399 = tpu.vector_load %arg8[%get3A_397, %get3A_398] {strides = array<i32>} : memref<800x64xf32, #tpu.memory_space<vmem>>, vector<1x16xf32>,
      %get3A_400 = vector.shape_cast %get3A_399 : vector<1x16xf32> to vector<16xf32>
      %add3A_401 = arith.addf %get3A_400, %get3A_371 : vector<16xf32>
      %swap3A_402 = arith.index_cast %add3A_396 : i32 to index
      %swap3A_403 = arith.constant 0 : index
      %swap3A_404 = tpu.vector_load %arg8[%swap3A_402, %swap3A_403] {strides = array<i32>} : memref<800x64xf32, #tpu.memory_space<vmem>>, vector<1x16xf32>,
      %swap3A_405 = vector.shape_cast %swap3A_404 : vector<1x16xf32> to vector<16xf32>
      %swap3A_406 = vector.shape_cast %add3A_401 : vector<16xf32> to vector<1x16xf32>
      tpu.vector_store %arg8[%swap3A_402, %swap3A_403], %swap3A_406 {strides = array<i32>} : memref<800x64xf32, #tpu.memory_space<vmem>>, vector<1x16xf32>,
      %add3A_407 = arith.constant 600 : i32
      %add3A_408 = arith.addi %add3A_407, %scan3A_368 : i32
      %get3A_409 = arith.index_cast %add3A_408 : i32 to index
      %get3A_410 = arith.constant 0 : index
      %get3A_411 = tpu.vector_load %arg8[%get3A_409, %get3A_410] {strides = array<i32>} : memref<800x64xf32, #tpu.memory_space<vmem>>, vector<1x16xf32>,
      %get3A_412 = vector.shape_cast %get3A_411 : vector<1x16xf32> to vector<16xf32>
      %add3A_413 = arith.addf %get3A_412, %get3A_371 : vector<16xf32>
      %swap3A_414 = arith.index_cast %add3A_408 : i32 to index
      %swap3A_415 = arith.constant 0 : index
      %swap3A_416 = tpu.vector_load %arg8[%swap3A_414, %swap3A_415] {strides = array<i32>} : memref<800x64xf32, #tpu.memory_space<vmem>>, vector<1x16xf32>,
      %swap3A_417 = vector.shape_cast %swap3A_416 : vector<1x16xf32> to vector<16xf32>
      %swap3A_418 = vector.shape_cast %add3A_413 : vector<16xf32> to vector<1x16xf32>
      tpu.vector_store %arg8[%swap3A_414, %swap3A_415], %swap3A_418 {strides = array<i32>} : memref<800x64xf32, #tpu.memory_space<vmem>>, vector<1x16xf32>,
      %get3A_419 = arith.index_cast %scan3A_368 : i32 to index
      %get3A_420 = arith.constant 16 : index
      %get3A_421 = tpu.vector_load %arg10[%get3A_419, %get3A_420] {strides = array<i32>} : memref<200x64xf32, #tpu.memory_space<vmem>>, vector<1x16xf32>,
      %get3A_422 = vector.shape_cast %get3A_421 : vector<1x16xf32> to vector<16xf32>
      %add3A_423 = arith.constant 0 : i32
      %add3A_424 = arith.addi %add3A_423, %scan3A_368 : i32
      %get3A_425 = arith.index_cast %add3A_424 : i32 to index
      %get3A_426 = arith.constant 16 : index
      %get3A_427 = tpu.vector_load %arg8[%get3A_425, %get3A_426] {strides = array<i32>} : memref<800x64xf32, #tpu.memory_space<vmem>>, vector<1x16xf32>,
      %get3A_428 = vector.shape_cast %get3A_427 : vector<1x16xf32> to vector<16xf32>
      %add3A_429 = arith.addf %get3A_428, %get3A_422 : vector<16xf32>
      %swap3A_430 = arith.index_cast %add3A_424 : i32 to index
      %swap3A_431 = arith.constant 16 : index
      %swap3A_432 = tpu.vector_load %arg8[%swap3A_430, %swap3A_431] {strides = array<i32>} : memref<800x64xf32, #tpu.memory_space<vmem>>, vector<1x16xf32>,
      %swap3A_433 = vector.shape_cast %swap3A_432 : vector<1x16xf32> to vector<16xf32>
      %swap3A_434 = vector.shape_cast %add3A_429 : vector<16xf32> to vector<1x16xf32>
      tpu.vector_store %arg8[%swap3A_430, %swap3A_431], %swap3A_434 {strides = array<i32>} : memref<800x64xf32, #tpu.memory_space<vmem>>, vector<1x16xf32>,
      %add3A_435 = arith.constant 200 : i32
      %add3A_436 = arith.addi %add3A_435, %scan3A_368 : i32
      %get3A_437 = arith.index_cast %add3A_436 : i32 to index
      %get3A_438 = arith.constant 16 : index
      %get3A_439 = tpu.vector_load %arg8[%get3A_437, %get3A_438] {strides = array<i32>} : memref<800x64xf32, #tpu.memory_space<vmem>>, vector<1x16xf32>,
      %get3A_440 = vector.shape_cast %get3A_439 : vector<1x16xf32> to vector<16xf32>
      %add3A_441 = arith.addf %get3A_440, %get3A_422 : vector<16xf32>
      %swap3A_442 = arith.index_cast %add3A_436 : i32 to index
      %swap3A_443 = arith.constant 16 : index
      %swap3A_444 = tpu.vector_load %arg8[%swap3A_442, %swap3A_443] {strides = array<i32>} : memref<800x64xf32, #tpu.memory_space<vmem>>, vector<1x16xf32>,
      %swap3A_445 = vector.shape_cast %swap3A_444 : vector<1x16xf32> to vector<16xf32>
      %swap3A_446 = vector.shape_cast %add3A_441 : vector<16xf32> to vector<1x16xf32>
      tpu.vector_store %arg8[%swap3A_442, %swap3A_443], %swap3A_446 {strides = array<i32>} : memref<800x64xf32, #tpu.memory_space<vmem>>, vector<1x16xf32>,
      %add3A_447 = arith.constant 400 : i32
      %add3A_448 = arith.addi %add3A_447, %scan3A_368 : i32
      %get3A_449 = arith.index_cast %add3A_448 : i32 to index
      %get3A_450 = arith.constant 16 : index
      %get3A_451 = tpu.vector_load %arg8[%get3A_449, %get3A_450] {strides = array<i32>} : memref<800x64xf32, #tpu.memory_space<vmem>>, vector<1x16xf32>,
      %get3A_452 = vector.shape_cast %get3A_451 : vector<1x16xf32> to vector<16xf32>
      %add3A_453 = arith.addf %get3A_452, %get3A_422 : vector<16xf32>
      %swap3A_454 = arith.index_cast %add3A_448 : i32 to index
      %swap3A_455 = arith.constant 16 : index
      %swap3A_456 = tpu.vector_load %arg8[%swap3A_454, %swap3A_455] {strides = array<i32>} : memref<800x64xf32, #tpu.memory_space<vmem>>, vector<1x16xf32>,
      %swap3A_457 = vector.shape_cast %swap3A_456 : vector<1x16xf32> to vector<16xf32>
      %swap3A_458 = vector.shape_cast %add3A_453 : vector<16xf32> to vector<1x16xf32>
      tpu.vector_store %arg8[%swap3A_454, %swap3A_455], %swap3A_458 {strides = array<i32>} : memref<800x64xf32, #tpu.memory_space<vmem>>, vector<1x16xf32>,
      %add3A_459 = arith.constant 600 : i32
      %add3A_460 = arith.addi %add3A_459, %scan3A_368 : i32
      %get3A_461 = arith.index_cast %add3A_460 : i32 to index
      %get3A_462 = arith.constant 16 : index
      %get3A_463 = tpu.vector_load %arg8[%get3A_461, %get3A_462] {strides = array<i32>} : memref<800x64xf32, #tpu.memory_space<vmem>>, vector<1x16xf32>,
      %get3A_464 = vector.shape_cast %get3A_463 : vector<1x16xf32> to vector<16xf32>
      %add3A_465 = arith.addf %get3A_464, %get3A_422 : vector<16xf32>
      %swap3A_466 = arith.index_cast %add3A_460 : i32 to index
      %swap3A_467 = arith.constant 16 : index
      %swap3A_468 = tpu.vector_load %arg8[%swap3A_466, %swap3A_467] {strides = array<i32>} : memref<800x64xf32, #tpu.memory_space<vmem>>, vector<1x16xf32>,
      %swap3A_469 = vector.shape_cast %swap3A_468 : vector<1x16xf32> to vector<16xf32>
      %swap3A_470 = vector.shape_cast %add3A_465 : vector<16xf32> to vector<1x16xf32>
      tpu.vector_store %arg8[%swap3A_466, %swap3A_467], %swap3A_470 {strides = array<i32>} : memref<800x64xf32, #tpu.memory_space<vmem>>, vector<1x16xf32>,
      %get3A_471 = arith.index_cast %scan3A_368 : i32 to index
      %get3A_472 = arith.constant 32 : index
      %get3A_473 = tpu.vector_load %arg10[%get3A_471, %get3A_472] {strides = array<i32>} : memref<200x64xf32, #tpu.memory_space<vmem>>, vector<1x16xf32>,
      %get3A_474 = vector.shape_cast %get3A_473 : vector<1x16xf32> to vector<16xf32>
      %add3A_475 = arith.constant 0 : i32
      %add3A_476 = arith.addi %add3A_475, %scan3A_368 : i32
      %get3A_477 = arith.index_cast %add3A_476 : i32 to index
      %get3A_478 = arith.constant 32 : index
      %get3A_479 = tpu.vector_load %arg8[%get3A_477, %get3A_478] {strides = array<i32>} : memref<800x64xf32, #tpu.memory_space<vmem>>, vector<1x16xf32>,
      %get3A_480 = vector.shape_cast %get3A_479 : vector<1x16xf32> to vector<16xf32>
      %add3A_481 = arith.addf %get3A_480, %get3A_474 : vector<16xf32>
      %swap3A_482 = arith.index_cast %add3A_476 : i32 to index
      %swap3A_483 = arith.constant 32 : index
      %swap3A_484 = tpu.vector_load %arg8[%swap3A_482, %swap3A_483] {strides = array<i32>} : memref<800x64xf32, #tpu.memory_space<vmem>>, vector<1x16xf32>,
      %swap3A_485 = vector.shape_cast %swap3A_484 : vector<1x16xf32> to vector<16xf32>
      %swap3A_486 = vector.shape_cast %add3A_481 : vector<16xf32> to vector<1x16xf32>
      tpu.vector_store %arg8[%swap3A_482, %swap3A_483], %swap3A_486 {strides = array<i32>} : memref<800x64xf32, #tpu.memory_space<vmem>>, vector<1x16xf32>,
      %add3A_487 = arith.constant 200 : i32
      %add3A_488 = arith.addi %add3A_487, %scan3A_368 : i32
      %get3A_489 = arith.index_cast %add3A_488 : i32 to index
      %get3A_490 = arith.constant 32 : index
      %get3A_491 = tpu.vector_load %arg8[%get3A_489, %get3A_490] {strides = array<i32>} : memref<800x64xf32, #tpu.memory_space<vmem>>, vector<1x16xf32>,
      %get3A_492 = vector.shape_cast %get3A_491 : vector<1x16xf32> to vector<16xf32>
      %add3A_493 = arith.addf %get3A_492, %get3A_474 : vector<16xf32>
      %swap3A_494 = arith.index_cast %add3A_488 : i32 to index
      %swap3A_495 = arith.constant 32 : index
      %swap3A_496 = tpu.vector_load %arg8[%swap3A_494, %swap3A_495] {strides = array<i32>} : memref<800x64xf32, #tpu.memory_space<vmem>>, vector<1x16xf32>,
      %swap3A_497 = vector.shape_cast %swap3A_496 : vector<1x16xf32> to vector<16xf32>
      %swap3A_498 = vector.shape_cast %add3A_493 : vector<16xf32> to vector<1x16xf32>
      tpu.vector_store %arg8[%swap3A_494, %swap3A_495], %swap3A_498 {strides = array<i32>} : memref<800x64xf32, #tpu.memory_space<vmem>>, vector<1x16xf32>,
      %add3A_499 = arith.constant 400 : i32
      %add3A_500 = arith.addi %add3A_499, %scan3A_368 : i32
      %get3A_501 = arith.index_cast %add3A_500 : i32 to index
      %get3A_502 = arith.constant 32 : index
      %get3A_503 = tpu.vector_load %arg8[%get3A_501, %get3A_502] {strides = array<i32>} : memref<800x64xf32, #tpu.memory_space<vmem>>, vector<1x16xf32>,
      %get3A_504 = vector.shape_cast %get3A_503 : vector<1x16xf32> to vector<16xf32>
      %add3A_505 = arith.addf %get3A_504, %get3A_474 : vector<16xf32>
      %swap3A_506 = arith.index_cast %add3A_500 : i32 to index
      %swap3A_507 = arith.constant 32 : index
      %swap3A_508 = tpu.vector_load %arg8[%swap3A_506, %swap3A_507] {strides = array<i32>} : memref<800x64xf32, #tpu.memory_space<vmem>>, vector<1x16xf32>,
      %swap3A_509 = vector.shape_cast %swap3A_508 : vector<1x16xf32> to vector<16xf32>
      %swap3A_510 = vector.shape_cast %add3A_505 : vector<16xf32> to vector<1x16xf32>
      tpu.vector_store %arg8[%swap3A_506, %swap3A_507], %swap3A_510 {strides = array<i32>} : memref<800x64xf32, #tpu.memory_space<vmem>>, vector<1x16xf32>,
      %add3A_511 = arith.constant 600 : i32
      %add3A_512 = arith.addi %add3A_511, %scan3A_368 : i32
      %get3A_513 = arith.index_cast %add3A_512 : i32 to index
      %get3A_514 = arith.constant 32 : index
      %get3A_515 = tpu.vector_load %arg8[%get3A_513, %get3A_514] {strides = array<i32>} : memref<800x64xf32, #tpu.memory_space<vmem>>, vector<1x16xf32>,
      %get3A_516 = vector.shape_cast %get3A_515 : vector<1x16xf32> to vector<16xf32>
      %add3A_517 = arith.addf %get3A_516, %get3A_474 : vector<16xf32>
      %swap3A_518 = arith.index_cast %add3A_512 : i32 to index
      %swap3A_519 = arith.constant 32 : index
      %swap3A_520 = tpu.vector_load %arg8[%swap3A_518, %swap3A_519] {strides = array<i32>} : memref<800x64xf32, #tpu.memory_space<vmem>>, vector<1x16xf32>,
      %swap3A_521 = vector.shape_cast %swap3A_520 : vector<1x16xf32> to vector<16xf32>
      %swap3A_522 = vector.shape_cast %add3A_517 : vector<16xf32> to vector<1x16xf32>
      tpu.vector_store %arg8[%swap3A_518, %swap3A_519], %swap3A_522 {strides = array<i32>} : memref<800x64xf32, #tpu.memory_space<vmem>>, vector<1x16xf32>,
      %get3A_523 = arith.index_cast %scan3A_368 : i32 to index
      %get3A_524 = arith.constant 48 : index
      %get3A_525 = tpu.vector_load %arg10[%get3A_523, %get3A_524] {strides = array<i32>} : memref<200x64xf32, #tpu.memory_space<vmem>>, vector<1x16xf32>,
      %get3A_526 = vector.shape_cast %get3A_525 : vector<1x16xf32> to vector<16xf32>
      %add3A_527 = arith.constant 0 : i32
      %add3A_528 = arith.addi %add3A_527, %scan3A_368 : i32
      %get3A_529 = arith.index_cast %add3A_528 : i32 to index
      %get3A_530 = arith.constant 48 : index
      %get3A_531 = tpu.vector_load %arg8[%get3A_529, %get3A_530] {strides = array<i32>} : memref<800x64xf32, #tpu.memory_space<vmem>>, vector<1x16xf32>,
      %get3A_532 = vector.shape_cast %get3A_531 : vector<1x16xf32> to vector<16xf32>
      %add3A_533 = arith.addf %get3A_532, %get3A_526 : vector<16xf32>
      %swap3A_534 = arith.index_cast %add3A_528 : i32 to index
      %swap3A_535 = arith.constant 48 : index
      %swap3A_536 = tpu.vector_load %arg8[%swap3A_534, %swap3A_535] {strides = array<i32>} : memref<800x64xf32, #tpu.memory_space<vmem>>, vector<1x16xf32>,
      %swap3A_537 = vector.shape_cast %swap3A_536 : vector<1x16xf32> to vector<16xf32>
      %swap3A_538 = vector.shape_cast %add3A_533 : vector<16xf32> to vector<1x16xf32>
      tpu.vector_store %arg8[%swap3A_534, %swap3A_535], %swap3A_538 {strides = array<i32>} : memref<800x64xf32, #tpu.memory_space<vmem>>, vector<1x16xf32>,
      %add3A_539 = arith.constant 200 : i32
      %add3A_540 = arith.addi %add3A_539, %scan3A_368 : i32
      %get3A_541 = arith.index_cast %add3A_540 : i32 to index
      %get3A_542 = arith.constant 48 : index
      %get3A_543 = tpu.vector_load %arg8[%get3A_541, %get3A_542] {strides = array<i32>} : memref<800x64xf32, #tpu.memory_space<vmem>>, vector<1x16xf32>,
      %get3A_544 = vector.shape_cast %get3A_543 : vector<1x16xf32> to vector<16xf32>
      %add3A_545 = arith.addf %get3A_544, %get3A_526 : vector<16xf32>
      %swap3A_546 = arith.index_cast %add3A_540 : i32 to index
      %swap3A_547 = arith.constant 48 : index
      %swap3A_548 = tpu.vector_load %arg8[%swap3A_546, %swap3A_547] {strides = array<i32>} : memref<800x64xf32, #tpu.memory_space<vmem>>, vector<1x16xf32>,
      %swap3A_549 = vector.shape_cast %swap3A_548 : vector<1x16xf32> to vector<16xf32>
      %swap3A_550 = vector.shape_cast %add3A_545 : vector<16xf32> to vector<1x16xf32>
      tpu.vector_store %arg8[%swap3A_546, %swap3A_547], %swap3A_550 {strides = array<i32>} : memref<800x64xf32, #tpu.memory_space<vmem>>, vector<1x16xf32>,
      %add3A_551 = arith.constant 400 : i32
      %add3A_552 = arith.addi %add3A_551, %scan3A_368 : i32
      %get3A_553 = arith.index_cast %add3A_552 : i32 to index
      %get3A_554 = arith.constant 48 : index
      %get3A_555 = tpu.vector_load %arg8[%get3A_553, %get3A_554] {strides = array<i32>} : memref<800x64xf32, #tpu.memory_space<vmem>>, vector<1x16xf32>,
      %get3A_556 = vector.shape_cast %get3A_555 : vector<1x16xf32> to vector<16xf32>
      %add3A_557 = arith.addf %get3A_556, %get3A_526 : vector<16xf32>
      %swap3A_558 = arith.index_cast %add3A_552 : i32 to index
      %swap3A_559 = arith.constant 48 : index
      %swap3A_560 = tpu.vector_load %arg8[%swap3A_558, %swap3A_559] {strides = array<i32>} : memref<800x64xf32, #tpu.memory_space<vmem>>, vector<1x16xf32>,
      %swap3A_561 = vector.shape_cast %swap3A_560 : vector<1x16xf32> to vector<16xf32>
      %swap3A_562 = vector.shape_cast %add3A_557 : vector<16xf32> to vector<1x16xf32>
      tpu.vector_store %arg8[%swap3A_558, %swap3A_559], %swap3A_562 {strides = array<i32>} : memref<800x64xf32, #tpu.memory_space<vmem>>, vector<1x16xf32>,
      %add3A_563 = arith.constant 600 : i32
      %add3A_564 = arith.addi %add3A_563, %scan3A_368 : i32
      %get3A_565 = arith.index_cast %add3A_564 : i32 to index
      %get3A_566 = arith.constant 48 : index
      %get3A_567 = tpu.vector_load %arg8[%get3A_565, %get3A_566] {strides = array<i32>} : memref<800x64xf32, #tpu.memory_space<vmem>>, vector<1x16xf32>,
      %get3A_568 = vector.shape_cast %get3A_567 : vector<1x16xf32> to vector<16xf32>
      %add3A_569 = arith.addf %get3A_568, %get3A_526 : vector<16xf32>
      %swap3A_570 = arith.index_cast %add3A_564 : i32 to index
      %swap3A_571 = arith.constant 48 : index
      %swap3A_572 = tpu.vector_load %arg8[%swap3A_570, %swap3A_571] {strides = array<i32>} : memref<800x64xf32, #tpu.memory_space<vmem>>, vector<1x16xf32>,
      %swap3A_573 = vector.shape_cast %swap3A_572 : vector<1x16xf32> to vector<16xf32>
      %swap3A_574 = vector.shape_cast %add3A_569 : vector<16xf32> to vector<1x16xf32>
      tpu.vector_store %arg8[%swap3A_570, %swap3A_571], %swap3A_574 {strides = array<i32>} : memref<800x64xf32, #tpu.memory_space<vmem>>, vector<1x16xf32>,
    }
    %scan3A_251 = arith.constant 200 : i32
    %add3A_252 = arith.constant 0 : i32
    %add3A_253 = arith.addi %mul3A_2, %add3A_252 : i32
    %dma_start3A_254 = arith.constant 0 : i32
    %dma_start3A_255 = tpu.memref_slice %arg5[%add3A_253, %dma_start3A_254] : memref<819200x64xf32, #tpu.memory_space<hbm>> -> memref<800x64xf32, #tpu.memory_space<hbm>>
    %dma_start3A_256 = arith.constant 0 : i32
    %dma_start3A_257 = tpu.memref_slice %arg5[%add3A_253, %dma_start3A_256] : memref<819200x64xf32, #tpu.memory_space<hbm>> -> memref<800x64xf32, #tpu.memory_space<hbm>>
    tpu.enqueue_dma source(%arg8 : memref<800x64xf32, #tpu.memory_space<vmem>>) target(%dma_start3A_257 : memref<800x64xf32, #tpu.memory_space<hbm>>) target_semaphore(%arg13 : memref<!tpu.dma_semaphore, #tpu.memory_space<semaphore_mem>>)
    %scan3A_258 = arith.constant 0 : i32
    %scan3A_259 = arith.constant 0 : i32
    %scan3A_260 = arith.constant 15 : i32
    %scan3A_261 = arith.addi %scan3A_259, %scan3A_260 : i32
    %scan3A_262 = arith.constant 1 : i32
    scf.for %scan3A_368 = %scan3A_259 to %scan3A_261 step %scan3A_262  : i32 {
      %mul3A_369 = arith.constant 2 : i32
      %mul3A_370 = arith.muli %mul3A_369, %scan3A_368 : i32
      %add3A_371 = arith.constant 1 : i32
      %add3A_372 = arith.addi %add3A_371, %mul3A_370 : i32
      %add3A_373 = arith.constant 0 : i32
      %add3A_374 = arith.addi %add3A_372, %add3A_373 : i32
      %sub3A = arith.constant 1 : i32
      %sub3A_375 = arith.subi %add3A_374, %sub3A : i32
      %mul3A_376 = arith.constant 800 : i32
      %mul3A_377 = arith.muli %sub3A_375, %mul3A_376 : i32
      %add3A_378 = arith.addi %mul3A_2, %mul3A_377 : i32
      %dma_wait3A_379 = arith.constant 0 : i32
      %dma_wait3A_380 = tpu.memref_slice %arg5[%add3A_378, %dma_wait3A_379] : memref<819200x64xf32, #tpu.memory_space<hbm>> -> memref<800x64xf32, #tpu.memory_space<hbm>>
      %dma_wait3A_381 = arith.constant 0 : i32
      %dma_wait3A_382 = tpu.memref_slice %arg5[%add3A_378, %dma_wait3A_381] : memref<819200x64xf32, #tpu.memory_space<hbm>> -> memref<800x64xf32, #tpu.memory_space<hbm>>
      tpu.wait_dma2 semaphore(%arg13 : memref<!tpu.dma_semaphore, #tpu.memory_space<semaphore_mem>>) src(%arg8 : memref<800x64xf32, #tpu.memory_space<vmem>>) dst(%dma_wait3A_382 : memref<800x64xf32, #tpu.memory_space<hbm>>)
      %add3A_383 = arith.constant 1 : i32
      %add3A_384 = arith.addi %add3A_374, %add3A_383 : i32
      %mul3A_385 = arith.constant 8 : i32
      %mul3A_386 = arith.muli %add3A_384, %mul3A_385 : i32
      %add3A_387 = arith.addi %mul3A_4, %mul3A_386 : i32
      "tpu.region"() ({
        %run_scoped3A = tpu.sem_alloc : memref<!tpu.dma_semaphore, #tpu.memory_space<semaphore_mem>>
        %dma_start3A_754 = arith.constant 0 : i32
        %dma_start3A_755 = tpu.memref_slice %arg2[%add3A_387, %dma_start3A_754] : memref<8192x100xi32, #tpu.memory_space<hbm>> -> memref<8x100xi32, #tpu.memory_space<hbm>>
        %dma_start3A_756 = arith.constant 0 : i32
        %dma_start3A_757 = tpu.memref_slice %arg2[%add3A_387, %dma_start3A_756] : memref<8192x100xi32, #tpu.memory_space<hbm>> -> memref<8x100xi32, #tpu.memory_space<hbm>>
        tpu.enqueue_dma source(%dma_start3A_757 : memref<8x100xi32, #tpu.memory_space<hbm>>) target(%arg6 : memref<8x100xi32, #tpu.memory_space<vmem>>) target_semaphore(%run_scoped3A : memref<!tpu.dma_semaphore, #tpu.memory_space<semaphore_mem>>)
        %dma_wait3A_758 = arith.constant 0 : i32
        %dma_wait3A_759 = tpu.memref_slice %arg2[%add3A_387, %dma_wait3A_758] : memref<8192x100xi32, #tpu.memory_space<hbm>> -> memref<8x100xi32, #tpu.memory_space<hbm>>
        %dma_wait3A_760 = arith.constant 0 : i32
        %dma_wait3A_761 = tpu.memref_slice %arg2[%add3A_387, %dma_wait3A_760] : memref<8192x100xi32, #tpu.memory_space<hbm>> -> memref<8x100xi32, #tpu.memory_space<hbm>>
        tpu.wait_dma2 semaphore(%run_scoped3A : memref<!tpu.dma_semaphore, #tpu.memory_space<semaphore_mem>>) src(%dma_wait3A_761 : memref<8x100xi32, #tpu.memory_space<hbm>>) dst(%arg6 : memref<8x100xi32, #tpu.memory_space<vmem>>)
        tpu.yield
      }) : () -> ()
      %dma_start3A_388 = arith.constant 0 : i32
      %dma_start3A_389 = arith.constant 0 : i32
      %dma_start3A_390 = arith.constant 0 : i32
      %dma_start3A_391 = tpu.memref_slice %arg8[%dma_start3A_389, %dma_start3A_390] : memref<800x64xf32, #tpu.memory_space<vmem>> -> memref<100x64xf32, #tpu.memory_space<vmem>>
      %dma_start3A_392 = arith.constant 0 : i32
      %dma_start3A_393 = tpu.memref_slice %arg6[%dma_start3A_388, %dma_start3A_392] : memref<8x100xi32, #tpu.memory_space<vmem>> -> memref<1x100xi32, #tpu.memory_space<vmem>>
      %dma_start3A_394 = tpu.memref_squeeze %dma_start3A_393 : memref<1x100xi32, #tpu.memory_space<vmem>> -> memref<100xi32, #tpu.memory_space<vmem>>
      %dma_start3A_395 = arith.constant 0 : i32
      %dma_start3A_396 = arith.constant 0 : i32
      %dma_start3A_397 = tpu.memref_slice %arg3[%dma_start3A_395, %dma_start3A_396] : memref<1000000x64xf32, #tpu.memory_space<hbm>> -> memref<1000000x64xf32, #tpu.memory_space<hbm>>
      tpu.enqueue_indirect_dma source(%dma_start3A_397 : memref<1000000x64xf32, #tpu.memory_space<hbm>>) target(%dma_start3A_391 : memref<100x64xf32, #tpu.memory_space<vmem>>) offsets(%dma_start3A_394 : memref<100xi32, #tpu.memory_space<vmem>>) semaphore(%arg11 : memref<!tpu.dma_semaphore, #tpu.memory_space<semaphore_mem>>)
      %dma_start3A_398 = arith.constant 1 : i32
      %dma_start3A_399 = arith.constant 100 : i32
      %dma_start3A_400 = arith.constant 0 : i32
      %dma_start3A_401 = tpu.memref_slice %arg8[%dma_start3A_399, %dma_start3A_400] : memref<800x64xf32, #tpu.memory_space<vmem>> -> memref<100x64xf32, #tpu.memory_space<vmem>>
      %dma_start3A_402 = arith.constant 0 : i32
      %dma_start3A_403 = tpu.memref_slice %arg6[%dma_start3A_398, %dma_start3A_402] : memref<8x100xi32, #tpu.memory_space<vmem>> -> memref<1x100xi32, #tpu.memory_space<vmem>>
      %dma_start3A_404 = tpu.memref_squeeze %dma_start3A_403 : memref<1x100xi32, #tpu.memory_space<vmem>> -> memref<100xi32, #tpu.memory_space<vmem>>
      %dma_start3A_405 = arith.constant 0 : i32
      %dma_start3A_406 = arith.constant 0 : i32
      %dma_start3A_407 = tpu.memref_slice %arg3[%dma_start3A_405, %dma_start3A_406] : memref<1000000x64xf32, #tpu.memory_space<hbm>> -> memref<1000000x64xf32, #tpu.memory_space<hbm>>
      tpu.enqueue_indirect_dma source(%dma_start3A_407 : memref<1000000x64xf32, #tpu.memory_space<hbm>>) target(%dma_start3A_401 : memref<100x64xf32, #tpu.memory_space<vmem>>) offsets(%dma_start3A_404 : memref<100xi32, #tpu.memory_space<vmem>>) semaphore(%arg11 : memref<!tpu.dma_semaphore, #tpu.memory_space<semaphore_mem>>)
      %dma_start3A_408 = arith.constant 2 : i32
      %dma_start3A_409 = arith.constant 200 : i32
      %dma_start3A_410 = arith.constant 0 : i32
      %dma_start3A_411 = tpu.memref_slice %arg8[%dma_start3A_409, %dma_start3A_410] : memref<800x64xf32, #tpu.memory_space<vmem>> -> memref<100x64xf32, #tpu.memory_space<vmem>>
      %dma_start3A_412 = arith.constant 0 : i32
      %dma_start3A_413 = tpu.memref_slice %arg6[%dma_start3A_408, %dma_start3A_412] : memref<8x100xi32, #tpu.memory_space<vmem>> -> memref<1x100xi32, #tpu.memory_space<vmem>>
      %dma_start3A_414 = tpu.memref_squeeze %dma_start3A_413 : memref<1x100xi32, #tpu.memory_space<vmem>> -> memref<100xi32, #tpu.memory_space<vmem>>
      %dma_start3A_415 = arith.constant 0 : i32
      %dma_start3A_416 = arith.constant 0 : i32
      %dma_start3A_417 = tpu.memref_slice %arg3[%dma_start3A_415, %dma_start3A_416] : memref<1000000x64xf32, #tpu.memory_space<hbm>> -> memref<1000000x64xf32, #tpu.memory_space<hbm>>
      tpu.enqueue_indirect_dma source(%dma_start3A_417 : memref<1000000x64xf32, #tpu.memory_space<hbm>>) target(%dma_start3A_411 : memref<100x64xf32, #tpu.memory_space<vmem>>) offsets(%dma_start3A_414 : memref<100xi32, #tpu.memory_space<vmem>>) semaphore(%arg11 : memref<!tpu.dma_semaphore, #tpu.memory_space<semaphore_mem>>)
      %dma_start3A_418 = arith.constant 3 : i32
      %dma_start3A_419 = arith.constant 300 : i32
      %dma_start3A_420 = arith.constant 0 : i32
      %dma_start3A_421 = tpu.memref_slice %arg8[%dma_start3A_419, %dma_start3A_420] : memref<800x64xf32, #tpu.memory_space<vmem>> -> memref<100x64xf32, #tpu.memory_space<vmem>>
      %dma_start3A_422 = arith.constant 0 : i32
      %dma_start3A_423 = tpu.memref_slice %arg6[%dma_start3A_418, %dma_start3A_422] : memref<8x100xi32, #tpu.memory_space<vmem>> -> memref<1x100xi32, #tpu.memory_space<vmem>>
      %dma_start3A_424 = tpu.memref_squeeze %dma_start3A_423 : memref<1x100xi32, #tpu.memory_space<vmem>> -> memref<100xi32, #tpu.memory_space<vmem>>
      %dma_start3A_425 = arith.constant 0 : i32
      %dma_start3A_426 = arith.constant 0 : i32
      %dma_start3A_427 = tpu.memref_slice %arg3[%dma_start3A_425, %dma_start3A_426] : memref<1000000x64xf32, #tpu.memory_space<hbm>> -> memref<1000000x64xf32, #tpu.memory_space<hbm>>
      tpu.enqueue_indirect_dma source(%dma_start3A_427 : memref<1000000x64xf32, #tpu.memory_space<hbm>>) target(%dma_start3A_421 : memref<100x64xf32, #tpu.memory_space<vmem>>) offsets(%dma_start3A_424 : memref<100xi32, #tpu.memory_space<vmem>>) semaphore(%arg11 : memref<!tpu.dma_semaphore, #tpu.memory_space<semaphore_mem>>)
      %dma_start3A_428 = arith.constant 4 : i32
      %dma_start3A_429 = arith.constant 400 : i32
      %dma_start3A_430 = arith.constant 0 : i32
      %dma_start3A_431 = tpu.memref_slice %arg8[%dma_start3A_429, %dma_start3A_430] : memref<800x64xf32, #tpu.memory_space<vmem>> -> memref<100x64xf32, #tpu.memory_space<vmem>>
      %dma_start3A_432 = arith.constant 0 : i32
      %dma_start3A_433 = tpu.memref_slice %arg6[%dma_start3A_428, %dma_start3A_432] : memref<8x100xi32, #tpu.memory_space<vmem>> -> memref<1x100xi32, #tpu.memory_space<vmem>>
      %dma_start3A_434 = tpu.memref_squeeze %dma_start3A_433 : memref<1x100xi32, #tpu.memory_space<vmem>> -> memref<100xi32, #tpu.memory_space<vmem>>
      %dma_start3A_435 = arith.constant 0 : i32
      %dma_start3A_436 = arith.constant 0 : i32
      %dma_start3A_437 = tpu.memref_slice %arg3[%dma_start3A_435, %dma_start3A_436] : memref<1000000x64xf32, #tpu.memory_space<hbm>> -> memref<1000000x64xf32, #tpu.memory_space<hbm>>
      tpu.enqueue_indirect_dma source(%dma_start3A_437 : memref<1000000x64xf32, #tpu.memory_space<hbm>>) target(%dma_start3A_431 : memref<100x64xf32, #tpu.memory_space<vmem>>) offsets(%dma_start3A_434 : memref<100xi32, #tpu.memory_space<vmem>>) semaphore(%arg11 : memref<!tpu.dma_semaphore, #tpu.memory_space<semaphore_mem>>)
      %dma_start3A_438 = arith.constant 5 : i32
      %dma_start3A_439 = arith.constant 500 : i32
      %dma_start3A_440 = arith.constant 0 : i32
      %dma_start3A_441 = tpu.memref_slice %arg8[%dma_start3A_439, %dma_start3A_440] : memref<800x64xf32, #tpu.memory_space<vmem>> -> memref<100x64xf32, #tpu.memory_space<vmem>>
      %dma_start3A_442 = arith.constant 0 : i32
      %dma_start3A_443 = tpu.memref_slice %arg6[%dma_start3A_438, %dma_start3A_442] : memref<8x100xi32, #tpu.memory_space<vmem>> -> memref<1x100xi32, #tpu.memory_space<vmem>>
      %dma_start3A_444 = tpu.memref_squeeze %dma_start3A_443 : memref<1x100xi32, #tpu.memory_space<vmem>> -> memref<100xi32, #tpu.memory_space<vmem>>
      %dma_start3A_445 = arith.constant 0 : i32
      %dma_start3A_446 = arith.constant 0 : i32
      %dma_start3A_447 = tpu.memref_slice %arg3[%dma_start3A_445, %dma_start3A_446] : memref<1000000x64xf32, #tpu.memory_space<hbm>> -> memref<1000000x64xf32, #tpu.memory_space<hbm>>
      tpu.enqueue_indirect_dma source(%dma_start3A_447 : memref<1000000x64xf32, #tpu.memory_space<hbm>>) target(%dma_start3A_441 : memref<100x64xf32, #tpu.memory_space<vmem>>) offsets(%dma_start3A_444 : memref<100xi32, #tpu.memory_space<vmem>>) semaphore(%arg11 : memref<!tpu.dma_semaphore, #tpu.memory_space<semaphore_mem>>)
      %dma_start3A_448 = arith.constant 6 : i32
      %dma_start3A_449 = arith.constant 600 : i32
      %dma_start3A_450 = arith.constant 0 : i32
      %dma_start3A_451 = tpu.memref_slice %arg8[%dma_start3A_449, %dma_start3A_450] : memref<800x64xf32, #tpu.memory_space<vmem>> -> memref<100x64xf32, #tpu.memory_space<vmem>>
      %dma_start3A_452 = arith.constant 0 : i32
      %dma_start3A_453 = tpu.memref_slice %arg6[%dma_start3A_448, %dma_start3A_452] : memref<8x100xi32, #tpu.memory_space<vmem>> -> memref<1x100xi32, #tpu.memory_space<vmem>>
      %dma_start3A_454 = tpu.memref_squeeze %dma_start3A_453 : memref<1x100xi32, #tpu.memory_space<vmem>> -> memref<100xi32, #tpu.memory_space<vmem>>
      %dma_start3A_455 = arith.constant 0 : i32
      %dma_start3A_456 = arith.constant 0 : i32
      %dma_start3A_457 = tpu.memref_slice %arg3[%dma_start3A_455, %dma_start3A_456] : memref<1000000x64xf32, #tpu.memory_space<hbm>> -> memref<1000000x64xf32, #tpu.memory_space<hbm>>
      tpu.enqueue_indirect_dma source(%dma_start3A_457 : memref<1000000x64xf32, #tpu.memory_space<hbm>>) target(%dma_start3A_451 : memref<100x64xf32, #tpu.memory_space<vmem>>) offsets(%dma_start3A_454 : memref<100xi32, #tpu.memory_space<vmem>>) semaphore(%arg11 : memref<!tpu.dma_semaphore, #tpu.memory_space<semaphore_mem>>)
      %dma_start3A_458 = arith.constant 7 : i32
      %dma_start3A_459 = arith.constant 700 : i32
      %dma_start3A_460 = arith.constant 0 : i32
      %dma_start3A_461 = tpu.memref_slice %arg8[%dma_start3A_459, %dma_start3A_460] : memref<800x64xf32, #tpu.memory_space<vmem>> -> memref<100x64xf32, #tpu.memory_space<vmem>>
      %dma_start3A_462 = arith.constant 0 : i32
      %dma_start3A_463 = tpu.memref_slice %arg6[%dma_start3A_458, %dma_start3A_462] : memref<8x100xi32, #tpu.memory_space<vmem>> -> memref<1x100xi32, #tpu.memory_space<vmem>>
      %dma_start3A_464 = tpu.memref_squeeze %dma_start3A_463 : memref<1x100xi32, #tpu.memory_space<vmem>> -> memref<100xi32, #tpu.memory_space<vmem>>
      %dma_start3A_465 = arith.constant 0 : i32
      %dma_start3A_466 = arith.constant 0 : i32
      %dma_start3A_467 = tpu.memref_slice %arg3[%dma_start3A_465, %dma_start3A_466] : memref<1000000x64xf32, #tpu.memory_space<hbm>> -> memref<1000000x64xf32, #tpu.memory_space<hbm>>
      tpu.enqueue_indirect_dma source(%dma_start3A_467 : memref<1000000x64xf32, #tpu.memory_space<hbm>>) target(%dma_start3A_461 : memref<100x64xf32, #tpu.memory_space<vmem>>) offsets(%dma_start3A_464 : memref<100xi32, #tpu.memory_space<vmem>>) semaphore(%arg11 : memref<!tpu.dma_semaphore, #tpu.memory_space<semaphore_mem>>)
      %dma_wait3A_468 = arith.constant 0 : i32
      %dma_wait3A_469 = arith.constant 0 : i32
      %dma_wait3A_470 = arith.constant 0 : i32
      %dma_wait3A_471 = tpu.memref_slice %arg9[%dma_wait3A_469, %dma_wait3A_470] : memref<800x64xf32, #tpu.memory_space<vmem>> -> memref<100x64xf32, #tpu.memory_space<vmem>>
      %dma_wait3A_472 = arith.constant 0 : i32
      %dma_wait3A_473 = tpu.memref_slice %arg7[%dma_wait3A_468, %dma_wait3A_472] : memref<8x100xi32, #tpu.memory_space<vmem>> -> memref<1x100xi32, #tpu.memory_space<vmem>>
      %dma_wait3A_474 = tpu.memref_squeeze %dma_wait3A_473 : memref<1x100xi32, #tpu.memory_space<vmem>> -> memref<100xi32, #tpu.memory_space<vmem>>
      %dma_wait3A_475 = arith.constant 0 : i32
      %dma_wait3A_476 = arith.constant 0 : i32
      %dma_wait3A_477 = tpu.memref_slice %arg3[%dma_wait3A_475, %dma_wait3A_476] : memref<1000000x64xf32, #tpu.memory_space<hbm>> -> memref<1000000x64xf32, #tpu.memory_space<hbm>>
      tpu.wait_indirect_dma semaphore(%arg12 : memref<!tpu.dma_semaphore, #tpu.memory_space<semaphore_mem>>) src(%dma_wait3A_477 : memref<1000000x64xf32, #tpu.memory_space<hbm>>) dst(%dma_wait3A_471 : memref<100x64xf32, #tpu.memory_space<vmem>>)
      %dma_wait3A_478 = arith.constant 1 : i32
      %dma_wait3A_479 = arith.constant 100 : i32
      %dma_wait3A_480 = arith.constant 0 : i32
      %dma_wait3A_481 = tpu.memref_slice %arg9[%dma_wait3A_479, %dma_wait3A_480] : memref<800x64xf32, #tpu.memory_space<vmem>> -> memref<100x64xf32, #tpu.memory_space<vmem>>
      %dma_wait3A_482 = arith.constant 0 : i32
      %dma_wait3A_483 = tpu.memref_slice %arg7[%dma_wait3A_478, %dma_wait3A_482] : memref<8x100xi32, #tpu.memory_space<vmem>> -> memref<1x100xi32, #tpu.memory_space<vmem>>
      %dma_wait3A_484 = tpu.memref_squeeze %dma_wait3A_483 : memref<1x100xi32, #tpu.memory_space<vmem>> -> memref<100xi32, #tpu.memory_space<vmem>>
      %dma_wait3A_485 = arith.constant 0 : i32
      %dma_wait3A_486 = arith.constant 0 : i32
      %dma_wait3A_487 = tpu.memref_slice %arg3[%dma_wait3A_485, %dma_wait3A_486] : memref<1000000x64xf32, #tpu.memory_space<hbm>> -> memref<1000000x64xf32, #tpu.memory_space<hbm>>
      tpu.wait_indirect_dma semaphore(%arg12 : memref<!tpu.dma_semaphore, #tpu.memory_space<semaphore_mem>>) src(%dma_wait3A_487 : memref<1000000x64xf32, #tpu.memory_space<hbm>>) dst(%dma_wait3A_481 : memref<100x64xf32, #tpu.memory_space<vmem>>)
      %dma_wait3A_488 = arith.constant 2 : i32
      %dma_wait3A_489 = arith.constant 200 : i32
      %dma_wait3A_490 = arith.constant 0 : i32
      %dma_wait3A_491 = tpu.memref_slice %arg9[%dma_wait3A_489, %dma_wait3A_490] : memref<800x64xf32, #tpu.memory_space<vmem>> -> memref<100x64xf32, #tpu.memory_space<vmem>>
      %dma_wait3A_492 = arith.constant 0 : i32
      %dma_wait3A_493 = tpu.memref_slice %arg7[%dma_wait3A_488, %dma_wait3A_492] : memref<8x100xi32, #tpu.memory_space<vmem>> -> memref<1x100xi32, #tpu.memory_space<vmem>>
      %dma_wait3A_494 = tpu.memref_squeeze %dma_wait3A_493 : memref<1x100xi32, #tpu.memory_space<vmem>> -> memref<100xi32, #tpu.memory_space<vmem>>
      %dma_wait3A_495 = arith.constant 0 : i32
      %dma_wait3A_496 = arith.constant 0 : i32
      %dma_wait3A_497 = tpu.memref_slice %arg3[%dma_wait3A_495, %dma_wait3A_496] : memref<1000000x64xf32, #tpu.memory_space<hbm>> -> memref<1000000x64xf32, #tpu.memory_space<hbm>>
      tpu.wait_indirect_dma semaphore(%arg12 : memref<!tpu.dma_semaphore, #tpu.memory_space<semaphore_mem>>) src(%dma_wait3A_497 : memref<1000000x64xf32, #tpu.memory_space<hbm>>) dst(%dma_wait3A_491 : memref<100x64xf32, #tpu.memory_space<vmem>>)
      %dma_wait3A_498 = arith.constant 3 : i32
      %dma_wait3A_499 = arith.constant 300 : i32
      %dma_wait3A_500 = arith.constant 0 : i32
      %dma_wait3A_501 = tpu.memref_slice %arg9[%dma_wait3A_499, %dma_wait3A_500] : memref<800x64xf32, #tpu.memory_space<vmem>> -> memref<100x64xf32, #tpu.memory_space<vmem>>
      %dma_wait3A_502 = arith.constant 0 : i32
      %dma_wait3A_503 = tpu.memref_slice %arg7[%dma_wait3A_498, %dma_wait3A_502] : memref<8x100xi32, #tpu.memory_space<vmem>> -> memref<1x100xi32, #tpu.memory_space<vmem>>
      %dma_wait3A_504 = tpu.memref_squeeze %dma_wait3A_503 : memref<1x100xi32, #tpu.memory_space<vmem>> -> memref<100xi32, #tpu.memory_space<vmem>>
      %dma_wait3A_505 = arith.constant 0 : i32
      %dma_wait3A_506 = arith.constant 0 : i32
      %dma_wait3A_507 = tpu.memref_slice %arg3[%dma_wait3A_505, %dma_wait3A_506] : memref<1000000x64xf32, #tpu.memory_space<hbm>> -> memref<1000000x64xf32, #tpu.memory_space<hbm>>
      tpu.wait_indirect_dma semaphore(%arg12 : memref<!tpu.dma_semaphore, #tpu.memory_space<semaphore_mem>>) src(%dma_wait3A_507 : memref<1000000x64xf32, #tpu.memory_space<hbm>>) dst(%dma_wait3A_501 : memref<100x64xf32, #tpu.memory_space<vmem>>)
      %dma_wait3A_508 = arith.constant 4 : i32
      %dma_wait3A_509 = arith.constant 400 : i32
      %dma_wait3A_510 = arith.constant 0 : i32
      %dma_wait3A_511 = tpu.memref_slice %arg9[%dma_wait3A_509, %dma_wait3A_510] : memref<800x64xf32, #tpu.memory_space<vmem>> -> memref<100x64xf32, #tpu.memory_space<vmem>>
      %dma_wait3A_512 = arith.constant 0 : i32
      %dma_wait3A_513 = tpu.memref_slice %arg7[%dma_wait3A_508, %dma_wait3A_512] : memref<8x100xi32, #tpu.memory_space<vmem>> -> memref<1x100xi32, #tpu.memory_space<vmem>>
      %dma_wait3A_514 = tpu.memref_squeeze %dma_wait3A_513 : memref<1x100xi32, #tpu.memory_space<vmem>> -> memref<100xi32, #tpu.memory_space<vmem>>
      %dma_wait3A_515 = arith.constant 0 : i32
      %dma_wait3A_516 = arith.constant 0 : i32
      %dma_wait3A_517 = tpu.memref_slice %arg3[%dma_wait3A_515, %dma_wait3A_516] : memref<1000000x64xf32, #tpu.memory_space<hbm>> -> memref<1000000x64xf32, #tpu.memory_space<hbm>>
      tpu.wait_indirect_dma semaphore(%arg12 : memref<!tpu.dma_semaphore, #tpu.memory_space<semaphore_mem>>) src(%dma_wait3A_517 : memref<1000000x64xf32, #tpu.memory_space<hbm>>) dst(%dma_wait3A_511 : memref<100x64xf32, #tpu.memory_space<vmem>>)
      %dma_wait3A_518 = arith.constant 5 : i32
      %dma_wait3A_519 = arith.constant 500 : i32
      %dma_wait3A_520 = arith.constant 0 : i32
      %dma_wait3A_521 = tpu.memref_slice %arg9[%dma_wait3A_519, %dma_wait3A_520] : memref<800x64xf32, #tpu.memory_space<vmem>> -> memref<100x64xf32, #tpu.memory_space<vmem>>
      %dma_wait3A_522 = arith.constant 0 : i32
      %dma_wait3A_523 = tpu.memref_slice %arg7[%dma_wait3A_518, %dma_wait3A_522] : memref<8x100xi32, #tpu.memory_space<vmem>> -> memref<1x100xi32, #tpu.memory_space<vmem>>
      %dma_wait3A_524 = tpu.memref_squeeze %dma_wait3A_523 : memref<1x100xi32, #tpu.memory_space<vmem>> -> memref<100xi32, #tpu.memory_space<vmem>>
      %dma_wait3A_525 = arith.constant 0 : i32
      %dma_wait3A_526 = arith.constant 0 : i32
      %dma_wait3A_527 = tpu.memref_slice %arg3[%dma_wait3A_525, %dma_wait3A_526] : memref<1000000x64xf32, #tpu.memory_space<hbm>> -> memref<1000000x64xf32, #tpu.memory_space<hbm>>
      tpu.wait_indirect_dma semaphore(%arg12 : memref<!tpu.dma_semaphore, #tpu.memory_space<semaphore_mem>>) src(%dma_wait3A_527 : memref<1000000x64xf32, #tpu.memory_space<hbm>>) dst(%dma_wait3A_521 : memref<100x64xf32, #tpu.memory_space<vmem>>)
      %dma_wait3A_528 = arith.constant 6 : i32
      %dma_wait3A_529 = arith.constant 600 : i32
      %dma_wait3A_530 = arith.constant 0 : i32
      %dma_wait3A_531 = tpu.memref_slice %arg9[%dma_wait3A_529, %dma_wait3A_530] : memref<800x64xf32, #tpu.memory_space<vmem>> -> memref<100x64xf32, #tpu.memory_space<vmem>>
      %dma_wait3A_532 = arith.constant 0 : i32
      %dma_wait3A_533 = tpu.memref_slice %arg7[%dma_wait3A_528, %dma_wait3A_532] : memref<8x100xi32, #tpu.memory_space<vmem>> -> memref<1x100xi32, #tpu.memory_space<vmem>>
      %dma_wait3A_534 = tpu.memref_squeeze %dma_wait3A_533 : memref<1x100xi32, #tpu.memory_space<vmem>> -> memref<100xi32, #tpu.memory_space<vmem>>
      %dma_wait3A_535 = arith.constant 0 : i32
      %dma_wait3A_536 = arith.constant 0 : i32
      %dma_wait3A_537 = tpu.memref_slice %arg3[%dma_wait3A_535, %dma_wait3A_536] : memref<1000000x64xf32, #tpu.memory_space<hbm>> -> memref<1000000x64xf32, #tpu.memory_space<hbm>>
      tpu.wait_indirect_dma semaphore(%arg12 : memref<!tpu.dma_semaphore, #tpu.memory_space<semaphore_mem>>) src(%dma_wait3A_537 : memref<1000000x64xf32, #tpu.memory_space<hbm>>) dst(%dma_wait3A_531 : memref<100x64xf32, #tpu.memory_space<vmem>>)
      %dma_wait3A_538 = arith.constant 7 : i32
      %dma_wait3A_539 = arith.constant 700 : i32
      %dma_wait3A_540 = arith.constant 0 : i32
      %dma_wait3A_541 = tpu.memref_slice %arg9[%dma_wait3A_539, %dma_wait3A_540] : memref<800x64xf32, #tpu.memory_space<vmem>> -> memref<100x64xf32, #tpu.memory_space<vmem>>
      %dma_wait3A_542 = arith.constant 0 : i32
      %dma_wait3A_543 = tpu.memref_slice %arg7[%dma_wait3A_538, %dma_wait3A_542] : memref<8x100xi32, #tpu.memory_space<vmem>> -> memref<1x100xi32, #tpu.memory_space<vmem>>
      %dma_wait3A_544 = tpu.memref_squeeze %dma_wait3A_543 : memref<1x100xi32, #tpu.memory_space<vmem>> -> memref<100xi32, #tpu.memory_space<vmem>>
      %dma_wait3A_545 = arith.constant 0 : i32
      %dma_wait3A_546 = arith.constant 0 : i32
      %dma_wait3A_547 = tpu.memref_slice %arg3[%dma_wait3A_545, %dma_wait3A_546] : memref<1000000x64xf32, #tpu.memory_space<hbm>> -> memref<1000000x64xf32, #tpu.memory_space<hbm>>
      tpu.wait_indirect_dma semaphore(%arg12 : memref<!tpu.dma_semaphore, #tpu.memory_space<semaphore_mem>>) src(%dma_wait3A_547 : memref<1000000x64xf32, #tpu.memory_space<hbm>>) dst(%dma_wait3A_541 : memref<100x64xf32, #tpu.memory_space<vmem>>)
      %scan3A_548 = arith.constant 0 : i32
      %scan3A_549 = arith.constant 0 : i32
      %scan3A_550 = arith.constant 200 : i32
      %scan3A_551 = arith.addi %scan3A_549, %scan3A_550 : i32
      %scan3A_552 = arith.constant 1 : i32
      scf.for %scan3A_754 = %scan3A_549 to %scan3A_551 step %scan3A_552  : i32 {
        %get3A = arith.index_cast %scan3A_754 : i32 to index
        %get3A_755 = arith.constant 0 : index
        %get3A_756 = tpu.vector_load %arg10[%get3A, %get3A_755] {strides = array<i32>} : memref<200x64xf32, #tpu.memory_space<vmem>>, vector<1x16xf32>,
        %get3A_757 = vector.shape_cast %get3A_756 : vector<1x16xf32> to vector<16xf32>
        %add3A_758 = arith.constant 0 : i32
        %add3A_759 = arith.addi %add3A_758, %scan3A_754 : i32
        %get3A_760 = arith.index_cast %add3A_759 : i32 to index
        %get3A_761 = arith.constant 0 : index
        %get3A_762 = tpu.vector_load %arg9[%get3A_760, %get3A_761] {strides = array<i32>} : memref<800x64xf32, #tpu.memory_space<vmem>>, vector<1x16xf32>,
        %get3A_763 = vector.shape_cast %get3A_762 : vector<1x16xf32> to vector<16xf32>
        %add3A_764 = arith.addf %get3A_763, %get3A_757 : vector<16xf32>
        %swap3A = arith.index_cast %add3A_759 : i32 to index
        %swap3A_765 = arith.constant 0 : index
        %swap3A_766 = tpu.vector_load %arg9[%swap3A, %swap3A_765] {strides = array<i32>} : memref<800x64xf32, #tpu.memory_space<vmem>>, vector<1x16xf32>,
        %swap3A_767 = vector.shape_cast %swap3A_766 : vector<1x16xf32> to vector<16xf32>
        %swap3A_768 = vector.shape_cast %add3A_764 : vector<16xf32> to vector<1x16xf32>
        tpu.vector_store %arg9[%swap3A, %swap3A_765], %swap3A_768 {strides = array<i32>} : memref<800x64xf32, #tpu.memory_space<vmem>>, vector<1x16xf32>,
        %add3A_769 = arith.constant 200 : i32
        %add3A_770 = arith.addi %add3A_769, %scan3A_754 : i32
        %get3A_771 = arith.index_cast %add3A_770 : i32 to index
        %get3A_772 = arith.constant 0 : index
        %get3A_773 = tpu.vector_load %arg9[%get3A_771, %get3A_772] {strides = array<i32>} : memref<800x64xf32, #tpu.memory_space<vmem>>, vector<1x16xf32>,
        %get3A_774 = vector.shape_cast %get3A_773 : vector<1x16xf32> to vector<16xf32>
        %add3A_775 = arith.addf %get3A_774, %get3A_757 : vector<16xf32>
        %swap3A_776 = arith.index_cast %add3A_770 : i32 to index
        %swap3A_777 = arith.constant 0 : index
        %swap3A_778 = tpu.vector_load %arg9[%swap3A_776, %swap3A_777] {strides = array<i32>} : memref<800x64xf32, #tpu.memory_space<vmem>>, vector<1x16xf32>,
        %swap3A_779 = vector.shape_cast %swap3A_778 : vector<1x16xf32> to vector<16xf32>
        %swap3A_780 = vector.shape_cast %add3A_775 : vector<16xf32> to vector<1x16xf32>
        tpu.vector_store %arg9[%swap3A_776, %swap3A_777], %swap3A_780 {strides = array<i32>} : memref<800x64xf32, #tpu.memory_space<vmem>>, vector<1x16xf32>,
        %add3A_781 = arith.constant 400 : i32
        %add3A_782 = arith.addi %add3A_781, %scan3A_754 : i32
        %get3A_783 = arith.index_cast %add3A_782 : i32 to index
        %get3A_784 = arith.constant 0 : index
        %get3A_785 = tpu.vector_load %arg9[%get3A_783, %get3A_784] {strides = array<i32>} : memref<800x64xf32, #tpu.memory_space<vmem>>, vector<1x16xf32>,
        %get3A_786 = vector.shape_cast %get3A_785 : vector<1x16xf32> to vector<16xf32>
        %add3A_787 = arith.addf %get3A_786, %get3A_757 : vector<16xf32>
        %swap3A_788 = arith.index_cast %add3A_782 : i32 to index
        %swap3A_789 = arith.constant 0 : index
        %swap3A_790 = tpu.vector_load %arg9[%swap3A_788, %swap3A_789] {strides = array<i32>} : memref<800x64xf32, #tpu.memory_space<vmem>>, vector<1x16xf32>,
        %swap3A_791 = vector.shape_cast %swap3A_790 : vector<1x16xf32> to vector<16xf32>
        %swap3A_792 = vector.shape_cast %add3A_787 : vector<16xf32> to vector<1x16xf32>
        tpu.vector_store %arg9[%swap3A_788, %swap3A_789], %swap3A_792 {strides = array<i32>} : memref<800x64xf32, #tpu.memory_space<vmem>>, vector<1x16xf32>,
        %add3A_793 = arith.constant 600 : i32
        %add3A_794 = arith.addi %add3A_793, %scan3A_754 : i32
        %get3A_795 = arith.index_cast %add3A_794 : i32 to index
        %get3A_796 = arith.constant 0 : index
        %get3A_797 = tpu.vector_load %arg9[%get3A_795, %get3A_796] {strides = array<i32>} : memref<800x64xf32, #tpu.memory_space<vmem>>, vector<1x16xf32>,
        %get3A_798 = vector.shape_cast %get3A_797 : vector<1x16xf32> to vector<16xf32>
        %add3A_799 = arith.addf %get3A_798, %get3A_757 : vector<16xf32>
        %swap3A_800 = arith.index_cast %add3A_794 : i32 to index
        %swap3A_801 = arith.constant 0 : index
        %swap3A_802 = tpu.vector_load %arg9[%swap3A_800, %swap3A_801] {strides = array<i32>} : memref<800x64xf32, #tpu.memory_space<vmem>>, vector<1x16xf32>,
        %swap3A_803 = vector.shape_cast %swap3A_802 : vector<1x16xf32> to vector<16xf32>
        %swap3A_804 = vector.shape_cast %add3A_799 : vector<16xf32> to vector<1x16xf32>
        tpu.vector_store %arg9[%swap3A_800, %swap3A_801], %swap3A_804 {strides = array<i32>} : memref<800x64xf32, #tpu.memory_space<vmem>>, vector<1x16xf32>,
        %get3A_805 = arith.index_cast %scan3A_754 : i32 to index
        %get3A_806 = arith.constant 16 : index
        %get3A_807 = tpu.vector_load %arg10[%get3A_805, %get3A_806] {strides = array<i32>} : memref<200x64xf32, #tpu.memory_space<vmem>>, vector<1x16xf32>,
        %get3A_808 = vector.shape_cast %get3A_807 : vector<1x16xf32> to vector<16xf32>
        %add3A_809 = arith.constant 0 : i32
        %add3A_810 = arith.addi %add3A_809, %scan3A_754 : i32
        %get3A_811 = arith.index_cast %add3A_810 : i32 to index
        %get3A_812 = arith.constant 16 : index
        %get3A_813 = tpu.vector_load %arg9[%get3A_811, %get3A_812] {strides = array<i32>} : memref<800x64xf32, #tpu.memory_space<vmem>>, vector<1x16xf32>,
        %get3A_814 = vector.shape_cast %get3A_813 : vector<1x16xf32> to vector<16xf32>
        %add3A_815 = arith.addf %get3A_814, %get3A_808 : vector<16xf32>
        %swap3A_816 = arith.index_cast %add3A_810 : i32 to index
        %swap3A_817 = arith.constant 16 : index
        %swap3A_818 = tpu.vector_load %arg9[%swap3A_816, %swap3A_817] {strides = array<i32>} : memref<800x64xf32, #tpu.memory_space<vmem>>, vector<1x16xf32>,
        %swap3A_819 = vector.shape_cast %swap3A_818 : vector<1x16xf32> to vector<16xf32>
        %swap3A_820 = vector.shape_cast %add3A_815 : vector<16xf32> to vector<1x16xf32>
        tpu.vector_store %arg9[%swap3A_816, %swap3A_817], %swap3A_820 {strides = array<i32>} : memref<800x64xf32, #tpu.memory_space<vmem>>, vector<1x16xf32>,
        %add3A_821 = arith.constant 200 : i32
        %add3A_822 = arith.addi %add3A_821, %scan3A_754 : i32
        %get3A_823 = arith.index_cast %add3A_822 : i32 to index
        %get3A_824 = arith.constant 16 : index
        %get3A_825 = tpu.vector_load %arg9[%get3A_823, %get3A_824] {strides = array<i32>} : memref<800x64xf32, #tpu.memory_space<vmem>>, vector<1x16xf32>,
        %get3A_826 = vector.shape_cast %get3A_825 : vector<1x16xf32> to vector<16xf32>
        %add3A_827 = arith.addf %get3A_826, %get3A_808 : vector<16xf32>
        %swap3A_828 = arith.index_cast %add3A_822 : i32 to index
        %swap3A_829 = arith.constant 16 : index
        %swap3A_830 = tpu.vector_load %arg9[%swap3A_828, %swap3A_829] {strides = array<i32>} : memref<800x64xf32, #tpu.memory_space<vmem>>, vector<1x16xf32>,
        %swap3A_831 = vector.shape_cast %swap3A_830 : vector<1x16xf32> to vector<16xf32>
        %swap3A_832 = vector.shape_cast %add3A_827 : vector<16xf32> to vector<1x16xf32>
        tpu.vector_store %arg9[%swap3A_828, %swap3A_829], %swap3A_832 {strides = array<i32>} : memref<800x64xf32, #tpu.memory_space<vmem>>, vector<1x16xf32>,
        %add3A_833 = arith.constant 400 : i32
        %add3A_834 = arith.addi %add3A_833, %scan3A_754 : i32
        %get3A_835 = arith.index_cast %add3A_834 : i32 to index
        %get3A_836 = arith.constant 16 : index
        %get3A_837 = tpu.vector_load %arg9[%get3A_835, %get3A_836] {strides = array<i32>} : memref<800x64xf32, #tpu.memory_space<vmem>>, vector<1x16xf32>,
        %get3A_838 = vector.shape_cast %get3A_837 : vector<1x16xf32> to vector<16xf32>
        %add3A_839 = arith.addf %get3A_838, %get3A_808 : vector<16xf32>
        %swap3A_840 = arith.index_cast %add3A_834 : i32 to index
        %swap3A_841 = arith.constant 16 : index
        %swap3A_842 = tpu.vector_load %arg9[%swap3A_840, %swap3A_841] {strides = array<i32>} : memref<800x64xf32, #tpu.memory_space<vmem>>, vector<1x16xf32>,
        %swap3A_843 = vector.shape_cast %swap3A_842 : vector<1x16xf32> to vector<16xf32>
        %swap3A_844 = vector.shape_cast %add3A_839 : vector<16xf32> to vector<1x16xf32>
        tpu.vector_store %arg9[%swap3A_840, %swap3A_841], %swap3A_844 {strides = array<i32>} : memref<800x64xf32, #tpu.memory_space<vmem>>, vector<1x16xf32>,
        %add3A_845 = arith.constant 600 : i32
        %add3A_846 = arith.addi %add3A_845, %scan3A_754 : i32
        %get3A_847 = arith.index_cast %add3A_846 : i32 to index
        %get3A_848 = arith.constant 16 : index
        %get3A_849 = tpu.vector_load %arg9[%get3A_847, %get3A_848] {strides = array<i32>} : memref<800x64xf32, #tpu.memory_space<vmem>>, vector<1x16xf32>,
        %get3A_850 = vector.shape_cast %get3A_849 : vector<1x16xf32> to vector<16xf32>
        %add3A_851 = arith.addf %get3A_850, %get3A_808 : vector<16xf32>
        %swap3A_852 = arith.index_cast %add3A_846 : i32 to index
        %swap3A_853 = arith.constant 16 : index
        %swap3A_854 = tpu.vector_load %arg9[%swap3A_852, %swap3A_853] {strides = array<i32>} : memref<800x64xf32, #tpu.memory_space<vmem>>, vector<1x16xf32>,
        %swap3A_855 = vector.shape_cast %swap3A_854 : vector<1x16xf32> to vector<16xf32>
        %swap3A_856 = vector.shape_cast %add3A_851 : vector<16xf32> to vector<1x16xf32>
        tpu.vector_store %arg9[%swap3A_852, %swap3A_853], %swap3A_856 {strides = array<i32>} : memref<800x64xf32, #tpu.memory_space<vmem>>, vector<1x16xf32>,
        %get3A_857 = arith.index_cast %scan3A_754 : i32 to index
        %get3A_858 = arith.constant 32 : index
        %get3A_859 = tpu.vector_load %arg10[%get3A_857, %get3A_858] {strides = array<i32>} : memref<200x64xf32, #tpu.memory_space<vmem>>, vector<1x16xf32>,
        %get3A_860 = vector.shape_cast %get3A_859 : vector<1x16xf32> to vector<16xf32>
        %add3A_861 = arith.constant 0 : i32
        %add3A_862 = arith.addi %add3A_861, %scan3A_754 : i32
        %get3A_863 = arith.index_cast %add3A_862 : i32 to index
        %get3A_864 = arith.constant 32 : index
        %get3A_865 = tpu.vector_load %arg9[%get3A_863, %get3A_864] {strides = array<i32>} : memref<800x64xf32, #tpu.memory_space<vmem>>, vector<1x16xf32>,
        %get3A_866 = vector.shape_cast %get3A_865 : vector<1x16xf32> to vector<16xf32>
        %add3A_867 = arith.addf %get3A_866, %get3A_860 : vector<16xf32>
        %swap3A_868 = arith.index_cast %add3A_862 : i32 to index
        %swap3A_869 = arith.constant 32 : index
        %swap3A_870 = tpu.vector_load %arg9[%swap3A_868, %swap3A_869] {strides = array<i32>} : memref<800x64xf32, #tpu.memory_space<vmem>>, vector<1x16xf32>,
        %swap3A_871 = vector.shape_cast %swap3A_870 : vector<1x16xf32> to vector<16xf32>
        %swap3A_872 = vector.shape_cast %add3A_867 : vector<16xf32> to vector<1x16xf32>
        tpu.vector_store %arg9[%swap3A_868, %swap3A_869], %swap3A_872 {strides = array<i32>} : memref<800x64xf32, #tpu.memory_space<vmem>>, vector<1x16xf32>,
        %add3A_873 = arith.constant 200 : i32
        %add3A_874 = arith.addi %add3A_873, %scan3A_754 : i32
        %get3A_875 = arith.index_cast %add3A_874 : i32 to index
        %get3A_876 = arith.constant 32 : index
        %get3A_877 = tpu.vector_load %arg9[%get3A_875, %get3A_876] {strides = array<i32>} : memref<800x64xf32, #tpu.memory_space<vmem>>, vector<1x16xf32>,
        %get3A_878 = vector.shape_cast %get3A_877 : vector<1x16xf32> to vector<16xf32>
        %add3A_879 = arith.addf %get3A_878, %get3A_860 : vector<16xf32>
        %swap3A_880 = arith.index_cast %add3A_874 : i32 to index
        %swap3A_881 = arith.constant 32 : index
        %swap3A_882 = tpu.vector_load %arg9[%swap3A_880, %swap3A_881] {strides = array<i32>} : memref<800x64xf32, #tpu.memory_space<vmem>>, vector<1x16xf32>,
        %swap3A_883 = vector.shape_cast %swap3A_882 : vector<1x16xf32> to vector<16xf32>
        %swap3A_884 = vector.shape_cast %add3A_879 : vector<16xf32> to vector<1x16xf32>
        tpu.vector_store %arg9[%swap3A_880, %swap3A_881], %swap3A_884 {strides = array<i32>} : memref<800x64xf32, #tpu.memory_space<vmem>>, vector<1x16xf32>,
        %add3A_885 = arith.constant 400 : i32
        %add3A_886 = arith.addi %add3A_885, %scan3A_754 : i32
        %get3A_887 = arith.index_cast %add3A_886 : i32 to index
        %get3A_888 = arith.constant 32 : index
        %get3A_889 = tpu.vector_load %arg9[%get3A_887, %get3A_888] {strides = array<i32>} : memref<800x64xf32, #tpu.memory_space<vmem>>, vector<1x16xf32>,
        %get3A_890 = vector.shape_cast %get3A_889 : vector<1x16xf32> to vector<16xf32>
        %add3A_891 = arith.addf %get3A_890, %get3A_860 : vector<16xf32>
        %swap3A_892 = arith.index_cast %add3A_886 : i32 to index
        %swap3A_893 = arith.constant 32 : index
        %swap3A_894 = tpu.vector_load %arg9[%swap3A_892, %swap3A_893] {strides = array<i32>} : memref<800x64xf32, #tpu.memory_space<vmem>>, vector<1x16xf32>,
        %swap3A_895 = vector.shape_cast %swap3A_894 : vector<1x16xf32> to vector<16xf32>
        %swap3A_896 = vector.shape_cast %add3A_891 : vector<16xf32> to vector<1x16xf32>
        tpu.vector_store %arg9[%swap3A_892, %swap3A_893], %swap3A_896 {strides = array<i32>} : memref<800x64xf32, #tpu.memory_space<vmem>>, vector<1x16xf32>,
        %add3A_897 = arith.constant 600 : i32
        %add3A_898 = arith.addi %add3A_897, %scan3A_754 : i32
        %get3A_899 = arith.index_cast %add3A_898 : i32 to index
        %get3A_900 = arith.constant 32 : index
        %get3A_901 = tpu.vector_load %arg9[%get3A_899, %get3A_900] {strides = array<i32>} : memref<800x64xf32, #tpu.memory_space<vmem>>, vector<1x16xf32>,
        %get3A_902 = vector.shape_cast %get3A_901 : vector<1x16xf32> to vector<16xf32>
        %add3A_903 = arith.addf %get3A_902, %get3A_860 : vector<16xf32>
        %swap3A_904 = arith.index_cast %add3A_898 : i32 to index
        %swap3A_905 = arith.constant 32 : index
        %swap3A_906 = tpu.vector_load %arg9[%swap3A_904, %swap3A_905] {strides = array<i32>} : memref<800x64xf32, #tpu.memory_space<vmem>>, vector<1x16xf32>,
        %swap3A_907 = vector.shape_cast %swap3A_906 : vector<1x16xf32> to vector<16xf32>
        %swap3A_908 = vector.shape_cast %add3A_903 : vector<16xf32> to vector<1x16xf32>
        tpu.vector_store %arg9[%swap3A_904, %swap3A_905], %swap3A_908 {strides = array<i32>} : memref<800x64xf32, #tpu.memory_space<vmem>>, vector<1x16xf32>,
        %get3A_909 = arith.index_cast %scan3A_754 : i32 to index
        %get3A_910 = arith.constant 48 : index
        %get3A_911 = tpu.vector_load %arg10[%get3A_909, %get3A_910] {strides = array<i32>} : memref<200x64xf32, #tpu.memory_space<vmem>>, vector<1x16xf32>,
        %get3A_912 = vector.shape_cast %get3A_911 : vector<1x16xf32> to vector<16xf32>
        %add3A_913 = arith.constant 0 : i32
        %add3A_914 = arith.addi %add3A_913, %scan3A_754 : i32
        %get3A_915 = arith.index_cast %add3A_914 : i32 to index
        %get3A_916 = arith.constant 48 : index
        %get3A_917 = tpu.vector_load %arg9[%get3A_915, %get3A_916] {strides = array<i32>} : memref<800x64xf32, #tpu.memory_space<vmem>>, vector<1x16xf32>,
        %get3A_918 = vector.shape_cast %get3A_917 : vector<1x16xf32> to vector<16xf32>
        %add3A_919 = arith.addf %get3A_918, %get3A_912 : vector<16xf32>
        %swap3A_920 = arith.index_cast %add3A_914 : i32 to index
        %swap3A_921 = arith.constant 48 : index
        %swap3A_922 = tpu.vector_load %arg9[%swap3A_920, %swap3A_921] {strides = array<i32>} : memref<800x64xf32, #tpu.memory_space<vmem>>, vector<1x16xf32>,
        %swap3A_923 = vector.shape_cast %swap3A_922 : vector<1x16xf32> to vector<16xf32>
        %swap3A_924 = vector.shape_cast %add3A_919 : vector<16xf32> to vector<1x16xf32>
        tpu.vector_store %arg9[%swap3A_920, %swap3A_921], %swap3A_924 {strides = array<i32>} : memref<800x64xf32, #tpu.memory_space<vmem>>, vector<1x16xf32>,
        %add3A_925 = arith.constant 200 : i32
        %add3A_926 = arith.addi %add3A_925, %scan3A_754 : i32
        %get3A_927 = arith.index_cast %add3A_926 : i32 to index
        %get3A_928 = arith.constant 48 : index
        %get3A_929 = tpu.vector_load %arg9[%get3A_927, %get3A_928] {strides = array<i32>} : memref<800x64xf32, #tpu.memory_space<vmem>>, vector<1x16xf32>,
        %get3A_930 = vector.shape_cast %get3A_929 : vector<1x16xf32> to vector<16xf32>
        %add3A_931 = arith.addf %get3A_930, %get3A_912 : vector<16xf32>
        %swap3A_932 = arith.index_cast %add3A_926 : i32 to index
        %swap3A_933 = arith.constant 48 : index
        %swap3A_934 = tpu.vector_load %arg9[%swap3A_932, %swap3A_933] {strides = array<i32>} : memref<800x64xf32, #tpu.memory_space<vmem>>, vector<1x16xf32>,
        %swap3A_935 = vector.shape_cast %swap3A_934 : vector<1x16xf32> to vector<16xf32>
        %swap3A_936 = vector.shape_cast %add3A_931 : vector<16xf32> to vector<1x16xf32>
        tpu.vector_store %arg9[%swap3A_932, %swap3A_933], %swap3A_936 {strides = array<i32>} : memref<800x64xf32, #tpu.memory_space<vmem>>, vector<1x16xf32>,
        %add3A_937 = arith.constant 400 : i32
        %add3A_938 = arith.addi %add3A_937, %scan3A_754 : i32
        %get3A_939 = arith.index_cast %add3A_938 : i32 to index
        %get3A_940 = arith.constant 48 : index
        %get3A_941 = tpu.vector_load %arg9[%get3A_939, %get3A_940] {strides = array<i32>} : memref<800x64xf32, #tpu.memory_space<vmem>>, vector<1x16xf32>,
        %get3A_942 = vector.shape_cast %get3A_941 : vector<1x16xf32> to vector<16xf32>
        %add3A_943 = arith.addf %get3A_942, %get3A_912 : vector<16xf32>
        %swap3A_944 = arith.index_cast %add3A_938 : i32 to index
        %swap3A_945 = arith.constant 48 : index
        %swap3A_946 = tpu.vector_load %arg9[%swap3A_944, %swap3A_945] {strides = array<i32>} : memref<800x64xf32, #tpu.memory_space<vmem>>, vector<1x16xf32>,
        %swap3A_947 = vector.shape_cast %swap3A_946 : vector<1x16xf32> to vector<16xf32>
        %swap3A_948 = vector.shape_cast %add3A_943 : vector<16xf32> to vector<1x16xf32>
        tpu.vector_store %arg9[%swap3A_944, %swap3A_945], %swap3A_948 {strides = array<i32>} : memref<800x64xf32, #tpu.memory_space<vmem>>, vector<1x16xf32>,
        %add3A_949 = arith.constant 600 : i32
        %add3A_950 = arith.addi %add3A_949, %scan3A_754 : i32
        %get3A_951 = arith.index_cast %add3A_950 : i32 to index
        %get3A_952 = arith.constant 48 : index
        %get3A_953 = tpu.vector_load %arg9[%get3A_951, %get3A_952] {strides = array<i32>} : memref<800x64xf32, #tpu.memory_space<vmem>>, vector<1x16xf32>,
        %get3A_954 = vector.shape_cast %get3A_953 : vector<1x16xf32> to vector<16xf32>
        %add3A_955 = arith.addf %get3A_954, %get3A_912 : vector<16xf32>
        %swap3A_956 = arith.index_cast %add3A_950 : i32 to index
        %swap3A_957 = arith.constant 48 : index
        %swap3A_958 = tpu.vector_load %arg9[%swap3A_956, %swap3A_957] {strides = array<i32>} : memref<800x64xf32, #tpu.memory_space<vmem>>, vector<1x16xf32>,
        %swap3A_959 = vector.shape_cast %swap3A_958 : vector<1x16xf32> to vector<16xf32>
        %swap3A_960 = vector.shape_cast %add3A_955 : vector<16xf32> to vector<1x16xf32>
        tpu.vector_store %arg9[%swap3A_956, %swap3A_957], %swap3A_960 {strides = array<i32>} : memref<800x64xf32, #tpu.memory_space<vmem>>, vector<1x16xf32>,
      }
      %scan3A_553 = arith.constant 200 : i32
      %mul3A_554 = arith.constant 800 : i32
      %mul3A_555 = arith.muli %add3A_374, %mul3A_554 : i32
      %add3A_556 = arith.addi %mul3A_2, %mul3A_555 : i32
      %dma_start3A_557 = arith.constant 0 : i32
      %dma_start3A_558 = tpu.memref_slice %arg5[%add3A_556, %dma_start3A_557] : memref<819200x64xf32, #tpu.memory_space<hbm>> -> memref<800x64xf32, #tpu.memory_space<hbm>>
      %dma_start3A_559 = arith.constant 0 : i32
      %dma_start3A_560 = tpu.memref_slice %arg5[%add3A_556, %dma_start3A_559] : memref<819200x64xf32, #tpu.memory_space<hbm>> -> memref<800x64xf32, #tpu.memory_space<hbm>>
      tpu.enqueue_dma source(%arg9 : memref<800x64xf32, #tpu.memory_space<vmem>>) target(%dma_start3A_560 : memref<800x64xf32, #tpu.memory_space<hbm>>) target_semaphore(%arg14 : memref<!tpu.dma_semaphore, #tpu.memory_space<semaphore_mem>>)
      %mul3A_561 = arith.constant 2 : i32
      %mul3A_562 = arith.muli %mul3A_561, %scan3A_368 : i32
      %add3A_563 = arith.constant 1 : i32
      %add3A_564 = arith.addi %add3A_563, %mul3A_562 : i32
      %add3A_565 = arith.constant 1 : i32
      %add3A_566 = arith.addi %add3A_564, %add3A_565 : i32
      %sub3A_567 = arith.constant 1 : i32
      %sub3A_568 = arith.subi %add3A_566, %sub3A_567 : i32
      %mul3A_569 = arith.constant 800 : i32
      %mul3A_570 = arith.muli %sub3A_568, %mul3A_569 : i32
      %add3A_571 = arith.addi %mul3A_2, %mul3A_570 : i32
      %dma_wait3A_572 = arith.constant 0 : i32
      %dma_wait3A_573 = tpu.memref_slice %arg5[%add3A_571, %dma_wait3A_572] : memref<819200x64xf32, #tpu.memory_space<hbm>> -> memref<800x64xf32, #tpu.memory_space<hbm>>
      %dma_wait3A_574 = arith.constant 0 : i32
      %dma_wait3A_575 = tpu.memref_slice %arg5[%add3A_571, %dma_wait3A_574] : memref<819200x64xf32, #tpu.memory_space<hbm>> -> memref<800x64xf32, #tpu.memory_space<hbm>>
      tpu.wait_dma2 semaphore(%arg14 : memref<!tpu.dma_semaphore, #tpu.memory_space<semaphore_mem>>) src(%arg9 : memref<800x64xf32, #tpu.memory_space<vmem>>) dst(%dma_wait3A_575 : memref<800x64xf32, #tpu.memory_space<hbm>>)
      %add3A_576 = arith.constant 1 : i32
      %add3A_577 = arith.addi %add3A_566, %add3A_576 : i32
      %mul3A_578 = arith.constant 8 : i32
      %mul3A_579 = arith.muli %add3A_577, %mul3A_578 : i32
      %add3A_580 = arith.addi %mul3A_4, %mul3A_579 : i32
      "tpu.region"() ({
        %run_scoped3A = tpu.sem_alloc : memref<!tpu.dma_semaphore, #tpu.memory_space<semaphore_mem>>
        %dma_start3A_754 = arith.constant 0 : i32
        %dma_start3A_755 = tpu.memref_slice %arg2[%add3A_580, %dma_start3A_754] : memref<8192x100xi32, #tpu.memory_space<hbm>> -> memref<8x100xi32, #tpu.memory_space<hbm>>
        %dma_start3A_756 = arith.constant 0 : i32
        %dma_start3A_757 = tpu.memref_slice %arg2[%add3A_580, %dma_start3A_756] : memref<8192x100xi32, #tpu.memory_space<hbm>> -> memref<8x100xi32, #tpu.memory_space<hbm>>
        tpu.enqueue_dma source(%dma_start3A_757 : memref<8x100xi32, #tpu.memory_space<hbm>>) target(%arg7 : memref<8x100xi32, #tpu.memory_space<vmem>>) target_semaphore(%run_scoped3A : memref<!tpu.dma_semaphore, #tpu.memory_space<semaphore_mem>>)
        %dma_wait3A_758 = arith.constant 0 : i32
        %dma_wait3A_759 = tpu.memref_slice %arg2[%add3A_580, %dma_wait3A_758] : memref<8192x100xi32, #tpu.memory_space<hbm>> -> memref<8x100xi32, #tpu.memory_space<hbm>>
        %dma_wait3A_760 = arith.constant 0 : i32
        %dma_wait3A_761 = tpu.memref_slice %arg2[%add3A_580, %dma_wait3A_760] : memref<8192x100xi32, #tpu.memory_space<hbm>> -> memref<8x100xi32, #tpu.memory_space<hbm>>
        tpu.wait_dma2 semaphore(%run_scoped3A : memref<!tpu.dma_semaphore, #tpu.memory_space<semaphore_mem>>) src(%dma_wait3A_761 : memref<8x100xi32, #tpu.memory_space<hbm>>) dst(%arg7 : memref<8x100xi32, #tpu.memory_space<vmem>>)
        tpu.yield
      }) : () -> ()
      %dma_start3A_581 = arith.constant 0 : i32
      %dma_start3A_582 = arith.constant 0 : i32
      %dma_start3A_583 = arith.constant 0 : i32
      %dma_start3A_584 = tpu.memref_slice %arg9[%dma_start3A_582, %dma_start3A_583] : memref<800x64xf32, #tpu.memory_space<vmem>> -> memref<100x64xf32, #tpu.memory_space<vmem>>
      %dma_start3A_585 = arith.constant 0 : i32
      %dma_start3A_586 = tpu.memref_slice %arg7[%dma_start3A_581, %dma_start3A_585] : memref<8x100xi32, #tpu.memory_space<vmem>> -> memref<1x100xi32, #tpu.memory_space<vmem>>
      %dma_start3A_587 = tpu.memref_squeeze %dma_start3A_586 : memref<1x100xi32, #tpu.memory_space<vmem>> -> memref<100xi32, #tpu.memory_space<vmem>>
      %dma_start3A_588 = arith.constant 0 : i32
      %dma_start3A_589 = arith.constant 0 : i32
      %dma_start3A_590 = tpu.memref_slice %arg3[%dma_start3A_588, %dma_start3A_589] : memref<1000000x64xf32, #tpu.memory_space<hbm>> -> memref<1000000x64xf32, #tpu.memory_space<hbm>>
      tpu.enqueue_indirect_dma source(%dma_start3A_590 : memref<1000000x64xf32, #tpu.memory_space<hbm>>) target(%dma_start3A_584 : memref<100x64xf32, #tpu.memory_space<vmem>>) offsets(%dma_start3A_587 : memref<100xi32, #tpu.memory_space<vmem>>) semaphore(%arg12 : memref<!tpu.dma_semaphore, #tpu.memory_space<semaphore_mem>>)
      %dma_start3A_591 = arith.constant 1 : i32
      %dma_start3A_592 = arith.constant 100 : i32
      %dma_start3A_593 = arith.constant 0 : i32
      %dma_start3A_594 = tpu.memref_slice %arg9[%dma_start3A_592, %dma_start3A_593] : memref<800x64xf32, #tpu.memory_space<vmem>> -> memref<100x64xf32, #tpu.memory_space<vmem>>
      %dma_start3A_595 = arith.constant 0 : i32
      %dma_start3A_596 = tpu.memref_slice %arg7[%dma_start3A_591, %dma_start3A_595] : memref<8x100xi32, #tpu.memory_space<vmem>> -> memref<1x100xi32, #tpu.memory_space<vmem>>
      %dma_start3A_597 = tpu.memref_squeeze %dma_start3A_596 : memref<1x100xi32, #tpu.memory_space<vmem>> -> memref<100xi32, #tpu.memory_space<vmem>>
      %dma_start3A_598 = arith.constant 0 : i32
      %dma_start3A_599 = arith.constant 0 : i32
      %dma_start3A_600 = tpu.memref_slice %arg3[%dma_start3A_598, %dma_start3A_599] : memref<1000000x64xf32, #tpu.memory_space<hbm>> -> memref<1000000x64xf32, #tpu.memory_space<hbm>>
      tpu.enqueue_indirect_dma source(%dma_start3A_600 : memref<1000000x64xf32, #tpu.memory_space<hbm>>) target(%dma_start3A_594 : memref<100x64xf32, #tpu.memory_space<vmem>>) offsets(%dma_start3A_597 : memref<100xi32, #tpu.memory_space<vmem>>) semaphore(%arg12 : memref<!tpu.dma_semaphore, #tpu.memory_space<semaphore_mem>>)
      %dma_start3A_601 = arith.constant 2 : i32
      %dma_start3A_602 = arith.constant 200 : i32
      %dma_start3A_603 = arith.constant 0 : i32
      %dma_start3A_604 = tpu.memref_slice %arg9[%dma_start3A_602, %dma_start3A_603] : memref<800x64xf32, #tpu.memory_space<vmem>> -> memref<100x64xf32, #tpu.memory_space<vmem>>
      %dma_start3A_605 = arith.constant 0 : i32
      %dma_start3A_606 = tpu.memref_slice %arg7[%dma_start3A_601, %dma_start3A_605] : memref<8x100xi32, #tpu.memory_space<vmem>> -> memref<1x100xi32, #tpu.memory_space<vmem>>
      %dma_start3A_607 = tpu.memref_squeeze %dma_start3A_606 : memref<1x100xi32, #tpu.memory_space<vmem>> -> memref<100xi32, #tpu.memory_space<vmem>>
      %dma_start3A_608 = arith.constant 0 : i32
      %dma_start3A_609 = arith.constant 0 : i32
      %dma_start3A_610 = tpu.memref_slice %arg3[%dma_start3A_608, %dma_start3A_609] : memref<1000000x64xf32, #tpu.memory_space<hbm>> -> memref<1000000x64xf32, #tpu.memory_space<hbm>>
      tpu.enqueue_indirect_dma source(%dma_start3A_610 : memref<1000000x64xf32, #tpu.memory_space<hbm>>) target(%dma_start3A_604 : memref<100x64xf32, #tpu.memory_space<vmem>>) offsets(%dma_start3A_607 : memref<100xi32, #tpu.memory_space<vmem>>) semaphore(%arg12 : memref<!tpu.dma_semaphore, #tpu.memory_space<semaphore_mem>>)
      %dma_start3A_611 = arith.constant 3 : i32
      %dma_start3A_612 = arith.constant 300 : i32
      %dma_start3A_613 = arith.constant 0 : i32
      %dma_start3A_614 = tpu.memref_slice %arg9[%dma_start3A_612, %dma_start3A_613] : memref<800x64xf32, #tpu.memory_space<vmem>> -> memref<100x64xf32, #tpu.memory_space<vmem>>
      %dma_start3A_615 = arith.constant 0 : i32
      %dma_start3A_616 = tpu.memref_slice %arg7[%dma_start3A_611, %dma_start3A_615] : memref<8x100xi32, #tpu.memory_space<vmem>> -> memref<1x100xi32, #tpu.memory_space<vmem>>
      %dma_start3A_617 = tpu.memref_squeeze %dma_start3A_616 : memref<1x100xi32, #tpu.memory_space<vmem>> -> memref<100xi32, #tpu.memory_space<vmem>>
      %dma_start3A_618 = arith.constant 0 : i32
      %dma_start3A_619 = arith.constant 0 : i32
      %dma_start3A_620 = tpu.memref_slice %arg3[%dma_start3A_618, %dma_start3A_619] : memref<1000000x64xf32, #tpu.memory_space<hbm>> -> memref<1000000x64xf32, #tpu.memory_space<hbm>>
      tpu.enqueue_indirect_dma source(%dma_start3A_620 : memref<1000000x64xf32, #tpu.memory_space<hbm>>) target(%dma_start3A_614 : memref<100x64xf32, #tpu.memory_space<vmem>>) offsets(%dma_start3A_617 : memref<100xi32, #tpu.memory_space<vmem>>) semaphore(%arg12 : memref<!tpu.dma_semaphore, #tpu.memory_space<semaphore_mem>>)
      %dma_start3A_621 = arith.constant 4 : i32
      %dma_start3A_622 = arith.constant 400 : i32
      %dma_start3A_623 = arith.constant 0 : i32
      %dma_start3A_624 = tpu.memref_slice %arg9[%dma_start3A_622, %dma_start3A_623] : memref<800x64xf32, #tpu.memory_space<vmem>> -> memref<100x64xf32, #tpu.memory_space<vmem>>
      %dma_start3A_625 = arith.constant 0 : i32
      %dma_start3A_626 = tpu.memref_slice %arg7[%dma_start3A_621, %dma_start3A_625] : memref<8x100xi32, #tpu.memory_space<vmem>> -> memref<1x100xi32, #tpu.memory_space<vmem>>
      %dma_start3A_627 = tpu.memref_squeeze %dma_start3A_626 : memref<1x100xi32, #tpu.memory_space<vmem>> -> memref<100xi32, #tpu.memory_space<vmem>>
      %dma_start3A_628 = arith.constant 0 : i32
      %dma_start3A_629 = arith.constant 0 : i32
      %dma_start3A_630 = tpu.memref_slice %arg3[%dma_start3A_628, %dma_start3A_629] : memref<1000000x64xf32, #tpu.memory_space<hbm>> -> memref<1000000x64xf32, #tpu.memory_space<hbm>>
      tpu.enqueue_indirect_dma source(%dma_start3A_630 : memref<1000000x64xf32, #tpu.memory_space<hbm>>) target(%dma_start3A_624 : memref<100x64xf32, #tpu.memory_space<vmem>>) offsets(%dma_start3A_627 : memref<100xi32, #tpu.memory_space<vmem>>) semaphore(%arg12 : memref<!tpu.dma_semaphore, #tpu.memory_space<semaphore_mem>>)
      %dma_start3A_631 = arith.constant 5 : i32
      %dma_start3A_632 = arith.constant 500 : i32
      %dma_start3A_633 = arith.constant 0 : i32
      %dma_start3A_634 = tpu.memref_slice %arg9[%dma_start3A_632, %dma_start3A_633] : memref<800x64xf32, #tpu.memory_space<vmem>> -> memref<100x64xf32, #tpu.memory_space<vmem>>
      %dma_start3A_635 = arith.constant 0 : i32
      %dma_start3A_636 = tpu.memref_slice %arg7[%dma_start3A_631, %dma_start3A_635] : memref<8x100xi32, #tpu.memory_space<vmem>> -> memref<1x100xi32, #tpu.memory_space<vmem>>
      %dma_start3A_637 = tpu.memref_squeeze %dma_start3A_636 : memref<1x100xi32, #tpu.memory_space<vmem>> -> memref<100xi32, #tpu.memory_space<vmem>>
      %dma_start3A_638 = arith.constant 0 : i32
      %dma_start3A_639 = arith.constant 0 : i32
      %dma_start3A_640 = tpu.memref_slice %arg3[%dma_start3A_638, %dma_start3A_639] : memref<1000000x64xf32, #tpu.memory_space<hbm>> -> memref<1000000x64xf32, #tpu.memory_space<hbm>>
      tpu.enqueue_indirect_dma source(%dma_start3A_640 : memref<1000000x64xf32, #tpu.memory_space<hbm>>) target(%dma_start3A_634 : memref<100x64xf32, #tpu.memory_space<vmem>>) offsets(%dma_start3A_637 : memref<100xi32, #tpu.memory_space<vmem>>) semaphore(%arg12 : memref<!tpu.dma_semaphore, #tpu.memory_space<semaphore_mem>>)
      %dma_start3A_641 = arith.constant 6 : i32
      %dma_start3A_642 = arith.constant 600 : i32
      %dma_start3A_643 = arith.constant 0 : i32
      %dma_start3A_644 = tpu.memref_slice %arg9[%dma_start3A_642, %dma_start3A_643] : memref<800x64xf32, #tpu.memory_space<vmem>> -> memref<100x64xf32, #tpu.memory_space<vmem>>
      %dma_start3A_645 = arith.constant 0 : i32
      %dma_start3A_646 = tpu.memref_slice %arg7[%dma_start3A_641, %dma_start3A_645] : memref<8x100xi32, #tpu.memory_space<vmem>> -> memref<1x100xi32, #tpu.memory_space<vmem>>
      %dma_start3A_647 = tpu.memref_squeeze %dma_start3A_646 : memref<1x100xi32, #tpu.memory_space<vmem>> -> memref<100xi32, #tpu.memory_space<vmem>>
      %dma_start3A_648 = arith.constant 0 : i32
      %dma_start3A_649 = arith.constant 0 : i32
      %dma_start3A_650 = tpu.memref_slice %arg3[%dma_start3A_648, %dma_start3A_649] : memref<1000000x64xf32, #tpu.memory_space<hbm>> -> memref<1000000x64xf32, #tpu.memory_space<hbm>>
      tpu.enqueue_indirect_dma source(%dma_start3A_650 : memref<1000000x64xf32, #tpu.memory_space<hbm>>) target(%dma_start3A_644 : memref<100x64xf32, #tpu.memory_space<vmem>>) offsets(%dma_start3A_647 : memref<100xi32, #tpu.memory_space<vmem>>) semaphore(%arg12 : memref<!tpu.dma_semaphore, #tpu.memory_space<semaphore_mem>>)
      %dma_start3A_651 = arith.constant 7 : i32
      %dma_start3A_652 = arith.constant 700 : i32
      %dma_start3A_653 = arith.constant 0 : i32
      %dma_start3A_654 = tpu.memref_slice %arg9[%dma_start3A_652, %dma_start3A_653] : memref<800x64xf32, #tpu.memory_space<vmem>> -> memref<100x64xf32, #tpu.memory_space<vmem>>
      %dma_start3A_655 = arith.constant 0 : i32
      %dma_start3A_656 = tpu.memref_slice %arg7[%dma_start3A_651, %dma_start3A_655] : memref<8x100xi32, #tpu.memory_space<vmem>> -> memref<1x100xi32, #tpu.memory_space<vmem>>
      %dma_start3A_657 = tpu.memref_squeeze %dma_start3A_656 : memref<1x100xi32, #tpu.memory_space<vmem>> -> memref<100xi32, #tpu.memory_space<vmem>>
      %dma_start3A_658 = arith.constant 0 : i32
      %dma_start3A_659 = arith.constant 0 : i32
      %dma_start3A_660 = tpu.memref_slice %arg3[%dma_start3A_658, %dma_start3A_659] : memref<1000000x64xf32, #tpu.memory_space<hbm>> -> memref<1000000x64xf32, #tpu.memory_space<hbm>>
      tpu.enqueue_indirect_dma source(%dma_start3A_660 : memref<1000000x64xf32, #tpu.memory_space<hbm>>) target(%dma_start3A_654 : memref<100x64xf32, #tpu.memory_space<vmem>>) offsets(%dma_start3A_657 : memref<100xi32, #tpu.memory_space<vmem>>) semaphore(%arg12 : memref<!tpu.dma_semaphore, #tpu.memory_space<semaphore_mem>>)
      %dma_wait3A_661 = arith.constant 0 : i32
      %dma_wait3A_662 = arith.constant 0 : i32
      %dma_wait3A_663 = arith.constant 0 : i32
      %dma_wait3A_664 = tpu.memref_slice %arg8[%dma_wait3A_662, %dma_wait3A_663] : memref<800x64xf32, #tpu.memory_space<vmem>> -> memref<100x64xf32, #tpu.memory_space<vmem>>
      %dma_wait3A_665 = arith.constant 0 : i32
      %dma_wait3A_666 = tpu.memref_slice %arg6[%dma_wait3A_661, %dma_wait3A_665] : memref<8x100xi32, #tpu.memory_space<vmem>> -> memref<1x100xi32, #tpu.memory_space<vmem>>
      %dma_wait3A_667 = tpu.memref_squeeze %dma_wait3A_666 : memref<1x100xi32, #tpu.memory_space<vmem>> -> memref<100xi32, #tpu.memory_space<vmem>>
      %dma_wait3A_668 = arith.constant 0 : i32
      %dma_wait3A_669 = arith.constant 0 : i32
      %dma_wait3A_670 = tpu.memref_slice %arg3[%dma_wait3A_668, %dma_wait3A_669] : memref<1000000x64xf32, #tpu.memory_space<hbm>> -> memref<1000000x64xf32, #tpu.memory_space<hbm>>
      tpu.wait_indirect_dma semaphore(%arg11 : memref<!tpu.dma_semaphore, #tpu.memory_space<semaphore_mem>>) src(%dma_wait3A_670 : memref<1000000x64xf32, #tpu.memory_space<hbm>>) dst(%dma_wait3A_664 : memref<100x64xf32, #tpu.memory_space<vmem>>)
      %dma_wait3A_671 = arith.constant 1 : i32
      %dma_wait3A_672 = arith.constant 100 : i32
      %dma_wait3A_673 = arith.constant 0 : i32
      %dma_wait3A_674 = tpu.memref_slice %arg8[%dma_wait3A_672, %dma_wait3A_673] : memref<800x64xf32, #tpu.memory_space<vmem>> -> memref<100x64xf32, #tpu.memory_space<vmem>>
      %dma_wait3A_675 = arith.constant 0 : i32
      %dma_wait3A_676 = tpu.memref_slice %arg6[%dma_wait3A_671, %dma_wait3A_675] : memref<8x100xi32, #tpu.memory_space<vmem>> -> memref<1x100xi32, #tpu.memory_space<vmem>>
      %dma_wait3A_677 = tpu.memref_squeeze %dma_wait3A_676 : memref<1x100xi32, #tpu.memory_space<vmem>> -> memref<100xi32, #tpu.memory_space<vmem>>
      %dma_wait3A_678 = arith.constant 0 : i32
      %dma_wait3A_679 = arith.constant 0 : i32
      %dma_wait3A_680 = tpu.memref_slice %arg3[%dma_wait3A_678, %dma_wait3A_679] : memref<1000000x64xf32, #tpu.memory_space<hbm>> -> memref<1000000x64xf32, #tpu.memory_space<hbm>>
      tpu.wait_indirect_dma semaphore(%arg11 : memref<!tpu.dma_semaphore, #tpu.memory_space<semaphore_mem>>) src(%dma_wait3A_680 : memref<1000000x64xf32, #tpu.memory_space<hbm>>) dst(%dma_wait3A_674 : memref<100x64xf32, #tpu.memory_space<vmem>>)
      %dma_wait3A_681 = arith.constant 2 : i32
      %dma_wait3A_682 = arith.constant 200 : i32
      %dma_wait3A_683 = arith.constant 0 : i32
      %dma_wait3A_684 = tpu.memref_slice %arg8[%dma_wait3A_682, %dma_wait3A_683] : memref<800x64xf32, #tpu.memory_space<vmem>> -> memref<100x64xf32, #tpu.memory_space<vmem>>
      %dma_wait3A_685 = arith.constant 0 : i32
      %dma_wait3A_686 = tpu.memref_slice %arg6[%dma_wait3A_681, %dma_wait3A_685] : memref<8x100xi32, #tpu.memory_space<vmem>> -> memref<1x100xi32, #tpu.memory_space<vmem>>
      %dma_wait3A_687 = tpu.memref_squeeze %dma_wait3A_686 : memref<1x100xi32, #tpu.memory_space<vmem>> -> memref<100xi32, #tpu.memory_space<vmem>>
      %dma_wait3A_688 = arith.constant 0 : i32
      %dma_wait3A_689 = arith.constant 0 : i32
      %dma_wait3A_690 = tpu.memref_slice %arg3[%dma_wait3A_688, %dma_wait3A_689] : memref<1000000x64xf32, #tpu.memory_space<hbm>> -> memref<1000000x64xf32, #tpu.memory_space<hbm>>
      tpu.wait_indirect_dma semaphore(%arg11 : memref<!tpu.dma_semaphore, #tpu.memory_space<semaphore_mem>>) src(%dma_wait3A_690 : memref<1000000x64xf32, #tpu.memory_space<hbm>>) dst(%dma_wait3A_684 : memref<100x64xf32, #tpu.memory_space<vmem>>)
      %dma_wait3A_691 = arith.constant 3 : i32
      %dma_wait3A_692 = arith.constant 300 : i32
      %dma_wait3A_693 = arith.constant 0 : i32
      %dma_wait3A_694 = tpu.memref_slice %arg8[%dma_wait3A_692, %dma_wait3A_693] : memref<800x64xf32, #tpu.memory_space<vmem>> -> memref<100x64xf32, #tpu.memory_space<vmem>>
      %dma_wait3A_695 = arith.constant 0 : i32
      %dma_wait3A_696 = tpu.memref_slice %arg6[%dma_wait3A_691, %dma_wait3A_695] : memref<8x100xi32, #tpu.memory_space<vmem>> -> memref<1x100xi32, #tpu.memory_space<vmem>>
      %dma_wait3A_697 = tpu.memref_squeeze %dma_wait3A_696 : memref<1x100xi32, #tpu.memory_space<vmem>> -> memref<100xi32, #tpu.memory_space<vmem>>
      %dma_wait3A_698 = arith.constant 0 : i32
      %dma_wait3A_699 = arith.constant 0 : i32
      %dma_wait3A_700 = tpu.memref_slice %arg3[%dma_wait3A_698, %dma_wait3A_699] : memref<1000000x64xf32, #tpu.memory_space<hbm>> -> memref<1000000x64xf32, #tpu.memory_space<hbm>>
      tpu.wait_indirect_dma semaphore(%arg11 : memref<!tpu.dma_semaphore, #tpu.memory_space<semaphore_mem>>) src(%dma_wait3A_700 : memref<1000000x64xf32, #tpu.memory_space<hbm>>) dst(%dma_wait3A_694 : memref<100x64xf32, #tpu.memory_space<vmem>>)
      %dma_wait3A_701 = arith.constant 4 : i32
      %dma_wait3A_702 = arith.constant 400 : i32
      %dma_wait3A_703 = arith.constant 0 : i32
      %dma_wait3A_704 = tpu.memref_slice %arg8[%dma_wait3A_702, %dma_wait3A_703] : memref<800x64xf32, #tpu.memory_space<vmem>> -> memref<100x64xf32, #tpu.memory_space<vmem>>
      %dma_wait3A_705 = arith.constant 0 : i32
      %dma_wait3A_706 = tpu.memref_slice %arg6[%dma_wait3A_701, %dma_wait3A_705] : memref<8x100xi32, #tpu.memory_space<vmem>> -> memref<1x100xi32, #tpu.memory_space<vmem>>
      %dma_wait3A_707 = tpu.memref_squeeze %dma_wait3A_706 : memref<1x100xi32, #tpu.memory_space<vmem>> -> memref<100xi32, #tpu.memory_space<vmem>>
      %dma_wait3A_708 = arith.constant 0 : i32
      %dma_wait3A_709 = arith.constant 0 : i32
      %dma_wait3A_710 = tpu.memref_slice %arg3[%dma_wait3A_708, %dma_wait3A_709] : memref<1000000x64xf32, #tpu.memory_space<hbm>> -> memref<1000000x64xf32, #tpu.memory_space<hbm>>
      tpu.wait_indirect_dma semaphore(%arg11 : memref<!tpu.dma_semaphore, #tpu.memory_space<semaphore_mem>>) src(%dma_wait3A_710 : memref<1000000x64xf32, #tpu.memory_space<hbm>>) dst(%dma_wait3A_704 : memref<100x64xf32, #tpu.memory_space<vmem>>)
      %dma_wait3A_711 = arith.constant 5 : i32
      %dma_wait3A_712 = arith.constant 500 : i32
      %dma_wait3A_713 = arith.constant 0 : i32
      %dma_wait3A_714 = tpu.memref_slice %arg8[%dma_wait3A_712, %dma_wait3A_713] : memref<800x64xf32, #tpu.memory_space<vmem>> -> memref<100x64xf32, #tpu.memory_space<vmem>>
      %dma_wait3A_715 = arith.constant 0 : i32
      %dma_wait3A_716 = tpu.memref_slice %arg6[%dma_wait3A_711, %dma_wait3A_715] : memref<8x100xi32, #tpu.memory_space<vmem>> -> memref<1x100xi32, #tpu.memory_space<vmem>>
      %dma_wait3A_717 = tpu.memref_squeeze %dma_wait3A_716 : memref<1x100xi32, #tpu.memory_space<vmem>> -> memref<100xi32, #tpu.memory_space<vmem>>
      %dma_wait3A_718 = arith.constant 0 : i32
      %dma_wait3A_719 = arith.constant 0 : i32
      %dma_wait3A_720 = tpu.memref_slice %arg3[%dma_wait3A_718, %dma_wait3A_719] : memref<1000000x64xf32, #tpu.memory_space<hbm>> -> memref<1000000x64xf32, #tpu.memory_space<hbm>>
      tpu.wait_indirect_dma semaphore(%arg11 : memref<!tpu.dma_semaphore, #tpu.memory_space<semaphore_mem>>) src(%dma_wait3A_720 : memref<1000000x64xf32, #tpu.memory_space<hbm>>) dst(%dma_wait3A_714 : memref<100x64xf32, #tpu.memory_space<vmem>>)
      %dma_wait3A_721 = arith.constant 6 : i32
      %dma_wait3A_722 = arith.constant 600 : i32
      %dma_wait3A_723 = arith.constant 0 : i32
      %dma_wait3A_724 = tpu.memref_slice %arg8[%dma_wait3A_722, %dma_wait3A_723] : memref<800x64xf32, #tpu.memory_space<vmem>> -> memref<100x64xf32, #tpu.memory_space<vmem>>
      %dma_wait3A_725 = arith.constant 0 : i32
      %dma_wait3A_726 = tpu.memref_slice %arg6[%dma_wait3A_721, %dma_wait3A_725] : memref<8x100xi32, #tpu.memory_space<vmem>> -> memref<1x100xi32, #tpu.memory_space<vmem>>
      %dma_wait3A_727 = tpu.memref_squeeze %dma_wait3A_726 : memref<1x100xi32, #tpu.memory_space<vmem>> -> memref<100xi32, #tpu.memory_space<vmem>>
      %dma_wait3A_728 = arith.constant 0 : i32
      %dma_wait3A_729 = arith.constant 0 : i32
      %dma_wait3A_730 = tpu.memref_slice %arg3[%dma_wait3A_728, %dma_wait3A_729] : memref<1000000x64xf32, #tpu.memory_space<hbm>> -> memref<1000000x64xf32, #tpu.memory_space<hbm>>
      tpu.wait_indirect_dma semaphore(%arg11 : memref<!tpu.dma_semaphore, #tpu.memory_space<semaphore_mem>>) src(%dma_wait3A_730 : memref<1000000x64xf32, #tpu.memory_space<hbm>>) dst(%dma_wait3A_724 : memref<100x64xf32, #tpu.memory_space<vmem>>)
      %dma_wait3A_731 = arith.constant 7 : i32
      %dma_wait3A_732 = arith.constant 700 : i32
      %dma_wait3A_733 = arith.constant 0 : i32
      %dma_wait3A_734 = tpu.memref_slice %arg8[%dma_wait3A_732, %dma_wait3A_733] : memref<800x64xf32, #tpu.memory_space<vmem>> -> memref<100x64xf32, #tpu.memory_space<vmem>>
      %dma_wait3A_735 = arith.constant 0 : i32
      %dma_wait3A_736 = tpu.memref_slice %arg6[%dma_wait3A_731, %dma_wait3A_735] : memref<8x100xi32, #tpu.memory_space<vmem>> -> memref<1x100xi32, #tpu.memory_space<vmem>>
      %dma_wait3A_737 = tpu.memref_squeeze %dma_wait3A_736 : memref<1x100xi32, #tpu.memory_space<vmem>> -> memref<100xi32, #tpu.memory_space<vmem>>
      %dma_wait3A_738 = arith.constant 0 : i32
      %dma_wait3A_739 = arith.constant 0 : i32
      %dma_wait3A_740 = tpu.memref_slice %arg3[%dma_wait3A_738, %dma_wait3A_739] : memref<1000000x64xf32, #tpu.memory_space<hbm>> -> memref<1000000x64xf32, #tpu.memory_space<hbm>>
      tpu.wait_indirect_dma semaphore(%arg11 : memref<!tpu.dma_semaphore, #tpu.memory_space<semaphore_mem>>) src(%dma_wait3A_740 : memref<1000000x64xf32, #tpu.memory_space<hbm>>) dst(%dma_wait3A_734 : memref<100x64xf32, #tpu.memory_space<vmem>>)
      %scan3A_741 = arith.constant 0 : i32
      %scan3A_742 = arith.constant 0 : i32
      %scan3A_743 = arith.constant 200 : i32
      %scan3A_744 = arith.addi %scan3A_742, %scan3A_743 : i32
      %scan3A_745 = arith.constant 1 : i32
      scf.for %scan3A_754 = %scan3A_742 to %scan3A_744 step %scan3A_745  : i32 {
        %get3A = arith.index_cast %scan3A_754 : i32 to index
        %get3A_755 = arith.constant 0 : index
        %get3A_756 = tpu.vector_load %arg10[%get3A, %get3A_755] {strides = array<i32>} : memref<200x64xf32, #tpu.memory_space<vmem>>, vector<1x16xf32>,
        %get3A_757 = vector.shape_cast %get3A_756 : vector<1x16xf32> to vector<16xf32>
        %add3A_758 = arith.constant 0 : i32
        %add3A_759 = arith.addi %add3A_758, %scan3A_754 : i32
        %get3A_760 = arith.index_cast %add3A_759 : i32 to index
        %get3A_761 = arith.constant 0 : index
        %get3A_762 = tpu.vector_load %arg8[%get3A_760, %get3A_761] {strides = array<i32>} : memref<800x64xf32, #tpu.memory_space<vmem>>, vector<1x16xf32>,
        %get3A_763 = vector.shape_cast %get3A_762 : vector<1x16xf32> to vector<16xf32>
        %add3A_764 = arith.addf %get3A_763, %get3A_757 : vector<16xf32>
        %swap3A = arith.index_cast %add3A_759 : i32 to index
        %swap3A_765 = arith.constant 0 : index
        %swap3A_766 = tpu.vector_load %arg8[%swap3A, %swap3A_765] {strides = array<i32>} : memref<800x64xf32, #tpu.memory_space<vmem>>, vector<1x16xf32>,
        %swap3A_767 = vector.shape_cast %swap3A_766 : vector<1x16xf32> to vector<16xf32>
        %swap3A_768 = vector.shape_cast %add3A_764 : vector<16xf32> to vector<1x16xf32>
        tpu.vector_store %arg8[%swap3A, %swap3A_765], %swap3A_768 {strides = array<i32>} : memref<800x64xf32, #tpu.memory_space<vmem>>, vector<1x16xf32>,
        %add3A_769 = arith.constant 200 : i32
        %add3A_770 = arith.addi %add3A_769, %scan3A_754 : i32
        %get3A_771 = arith.index_cast %add3A_770 : i32 to index
        %get3A_772 = arith.constant 0 : index
        %get3A_773 = tpu.vector_load %arg8[%get3A_771, %get3A_772] {strides = array<i32>} : memref<800x64xf32, #tpu.memory_space<vmem>>, vector<1x16xf32>,
        %get3A_774 = vector.shape_cast %get3A_773 : vector<1x16xf32> to vector<16xf32>
        %add3A_775 = arith.addf %get3A_774, %get3A_757 : vector<16xf32>
        %swap3A_776 = arith.index_cast %add3A_770 : i32 to index
        %swap3A_777 = arith.constant 0 : index
        %swap3A_778 = tpu.vector_load %arg8[%swap3A_776, %swap3A_777] {strides = array<i32>} : memref<800x64xf32, #tpu.memory_space<vmem>>, vector<1x16xf32>,
        %swap3A_779 = vector.shape_cast %swap3A_778 : vector<1x16xf32> to vector<16xf32>
        %swap3A_780 = vector.shape_cast %add3A_775 : vector<16xf32> to vector<1x16xf32>
        tpu.vector_store %arg8[%swap3A_776, %swap3A_777], %swap3A_780 {strides = array<i32>} : memref<800x64xf32, #tpu.memory_space<vmem>>, vector<1x16xf32>,
        %add3A_781 = arith.constant 400 : i32
        %add3A_782 = arith.addi %add3A_781, %scan3A_754 : i32
        %get3A_783 = arith.index_cast %add3A_782 : i32 to index
        %get3A_784 = arith.constant 0 : index
        %get3A_785 = tpu.vector_load %arg8[%get3A_783, %get3A_784] {strides = array<i32>} : memref<800x64xf32, #tpu.memory_space<vmem>>, vector<1x16xf32>,
        %get3A_786 = vector.shape_cast %get3A_785 : vector<1x16xf32> to vector<16xf32>
        %add3A_787 = arith.addf %get3A_786, %get3A_757 : vector<16xf32>
        %swap3A_788 = arith.index_cast %add3A_782 : i32 to index
        %swap3A_789 = arith.constant 0 : index
        %swap3A_790 = tpu.vector_load %arg8[%swap3A_788, %swap3A_789] {strides = array<i32>} : memref<800x64xf32, #tpu.memory_space<vmem>>, vector<1x16xf32>,
        %swap3A_791 = vector.shape_cast %swap3A_790 : vector<1x16xf32> to vector<16xf32>
        %swap3A_792 = vector.shape_cast %add3A_787 : vector<16xf32> to vector<1x16xf32>
        tpu.vector_store %arg8[%swap3A_788, %swap3A_789], %swap3A_792 {strides = array<i32>} : memref<800x64xf32, #tpu.memory_space<vmem>>, vector<1x16xf32>,
        %add3A_793 = arith.constant 600 : i32
        %add3A_794 = arith.addi %add3A_793, %scan3A_754 : i32
        %get3A_795 = arith.index_cast %add3A_794 : i32 to index
        %get3A_796 = arith.constant 0 : index
        %get3A_797 = tpu.vector_load %arg8[%get3A_795, %get3A_796] {strides = array<i32>} : memref<800x64xf32, #tpu.memory_space<vmem>>, vector<1x16xf32>,
        %get3A_798 = vector.shape_cast %get3A_797 : vector<1x16xf32> to vector<16xf32>
        %add3A_799 = arith.addf %get3A_798, %get3A_757 : vector<16xf32>
        %swap3A_800 = arith.index_cast %add3A_794 : i32 to index
        %swap3A_801 = arith.constant 0 : index
        %swap3A_802 = tpu.vector_load %arg8[%swap3A_800, %swap3A_801] {strides = array<i32>} : memref<800x64xf32, #tpu.memory_space<vmem>>, vector<1x16xf32>,
        %swap3A_803 = vector.shape_cast %swap3A_802 : vector<1x16xf32> to vector<16xf32>
        %swap3A_804 = vector.shape_cast %add3A_799 : vector<16xf32> to vector<1x16xf32>
        tpu.vector_store %arg8[%swap3A_800, %swap3A_801], %swap3A_804 {strides = array<i32>} : memref<800x64xf32, #tpu.memory_space<vmem>>, vector<1x16xf32>,
        %get3A_805 = arith.index_cast %scan3A_754 : i32 to index
        %get3A_806 = arith.constant 16 : index
        %get3A_807 = tpu.vector_load %arg10[%get3A_805, %get3A_806] {strides = array<i32>} : memref<200x64xf32, #tpu.memory_space<vmem>>, vector<1x16xf32>,
        %get3A_808 = vector.shape_cast %get3A_807 : vector<1x16xf32> to vector<16xf32>
        %add3A_809 = arith.constant 0 : i32
        %add3A_810 = arith.addi %add3A_809, %scan3A_754 : i32
        %get3A_811 = arith.index_cast %add3A_810 : i32 to index
        %get3A_812 = arith.constant 16 : index
        %get3A_813 = tpu.vector_load %arg8[%get3A_811, %get3A_812] {strides = array<i32>} : memref<800x64xf32, #tpu.memory_space<vmem>>, vector<1x16xf32>,
        %get3A_814 = vector.shape_cast %get3A_813 : vector<1x16xf32> to vector<16xf32>
        %add3A_815 = arith.addf %get3A_814, %get3A_808 : vector<16xf32>
        %swap3A_816 = arith.index_cast %add3A_810 : i32 to index
        %swap3A_817 = arith.constant 16 : index
        %swap3A_818 = tpu.vector_load %arg8[%swap3A_816, %swap3A_817] {strides = array<i32>} : memref<800x64xf32, #tpu.memory_space<vmem>>, vector<1x16xf32>,
        %swap3A_819 = vector.shape_cast %swap3A_818 : vector<1x16xf32> to vector<16xf32>
        %swap3A_820 = vector.shape_cast %add3A_815 : vector<16xf32> to vector<1x16xf32>
        tpu.vector_store %arg8[%swap3A_816, %swap3A_817], %swap3A_820 {strides = array<i32>} : memref<800x64xf32, #tpu.memory_space<vmem>>, vector<1x16xf32>,
        %add3A_821 = arith.constant 200 : i32
        %add3A_822 = arith.addi %add3A_821, %scan3A_754 : i32
        %get3A_823 = arith.index_cast %add3A_822 : i32 to index
        %get3A_824 = arith.constant 16 : index
        %get3A_825 = tpu.vector_load %arg8[%get3A_823, %get3A_824] {strides = array<i32>} : memref<800x64xf32, #tpu.memory_space<vmem>>, vector<1x16xf32>,
        %get3A_826 = vector.shape_cast %get3A_825 : vector<1x16xf32> to vector<16xf32>
        %add3A_827 = arith.addf %get3A_826, %get3A_808 : vector<16xf32>
        %swap3A_828 = arith.index_cast %add3A_822 : i32 to index
        %swap3A_829 = arith.constant 16 : index
        %swap3A_830 = tpu.vector_load %arg8[%swap3A_828, %swap3A_829] {strides = array<i32>} : memref<800x64xf32, #tpu.memory_space<vmem>>, vector<1x16xf32>,
        %swap3A_831 = vector.shape_cast %swap3A_830 : vector<1x16xf32> to vector<16xf32>
        %swap3A_832 = vector.shape_cast %add3A_827 : vector<16xf32> to vector<1x16xf32>
        tpu.vector_store %arg8[%swap3A_828, %swap3A_829], %swap3A_832 {strides = array<i32>} : memref<800x64xf32, #tpu.memory_space<vmem>>, vector<1x16xf32>,
        %add3A_833 = arith.constant 400 : i32
        %add3A_834 = arith.addi %add3A_833, %scan3A_754 : i32
        %get3A_835 = arith.index_cast %add3A_834 : i32 to index
        %get3A_836 = arith.constant 16 : index
        %get3A_837 = tpu.vector_load %arg8[%get3A_835, %get3A_836] {strides = array<i32>} : memref<800x64xf32, #tpu.memory_space<vmem>>, vector<1x16xf32>,
        %get3A_838 = vector.shape_cast %get3A_837 : vector<1x16xf32> to vector<16xf32>
        %add3A_839 = arith.addf %get3A_838, %get3A_808 : vector<16xf32>
        %swap3A_840 = arith.index_cast %add3A_834 : i32 to index
        %swap3A_841 = arith.constant 16 : index
        %swap3A_842 = tpu.vector_load %arg8[%swap3A_840, %swap3A_841] {strides = array<i32>} : memref<800x64xf32, #tpu.memory_space<vmem>>, vector<1x16xf32>,
        %swap3A_843 = vector.shape_cast %swap3A_842 : vector<1x16xf32> to vector<16xf32>
        %swap3A_844 = vector.shape_cast %add3A_839 : vector<16xf32> to vector<1x16xf32>
        tpu.vector_store %arg8[%swap3A_840, %swap3A_841], %swap3A_844 {strides = array<i32>} : memref<800x64xf32, #tpu.memory_space<vmem>>, vector<1x16xf32>,
        %add3A_845 = arith.constant 600 : i32
        %add3A_846 = arith.addi %add3A_845, %scan3A_754 : i32
        %get3A_847 = arith.index_cast %add3A_846 : i32 to index
        %get3A_848 = arith.constant 16 : index
        %get3A_849 = tpu.vector_load %arg8[%get3A_847, %get3A_848] {strides = array<i32>} : memref<800x64xf32, #tpu.memory_space<vmem>>, vector<1x16xf32>,
        %get3A_850 = vector.shape_cast %get3A_849 : vector<1x16xf32> to vector<16xf32>
        %add3A_851 = arith.addf %get3A_850, %get3A_808 : vector<16xf32>
        %swap3A_852 = arith.index_cast %add3A_846 : i32 to index
        %swap3A_853 = arith.constant 16 : index
        %swap3A_854 = tpu.vector_load %arg8[%swap3A_852, %swap3A_853] {strides = array<i32>} : memref<800x64xf32, #tpu.memory_space<vmem>>, vector<1x16xf32>,
        %swap3A_855 = vector.shape_cast %swap3A_854 : vector<1x16xf32> to vector<16xf32>
        %swap3A_856 = vector.shape_cast %add3A_851 : vector<16xf32> to vector<1x16xf32>
        tpu.vector_store %arg8[%swap3A_852, %swap3A_853], %swap3A_856 {strides = array<i32>} : memref<800x64xf32, #tpu.memory_space<vmem>>, vector<1x16xf32>,
        %get3A_857 = arith.index_cast %scan3A_754 : i32 to index
        %get3A_858 = arith.constant 32 : index
        %get3A_859 = tpu.vector_load %arg10[%get3A_857, %get3A_858] {strides = array<i32>} : memref<200x64xf32, #tpu.memory_space<vmem>>, vector<1x16xf32>,
        %get3A_860 = vector.shape_cast %get3A_859 : vector<1x16xf32> to vector<16xf32>
        %add3A_861 = arith.constant 0 : i32
        %add3A_862 = arith.addi %add3A_861, %scan3A_754 : i32
        %get3A_863 = arith.index_cast %add3A_862 : i32 to index
        %get3A_864 = arith.constant 32 : index
        %get3A_865 = tpu.vector_load %arg8[%get3A_863, %get3A_864] {strides = array<i32>} : memref<800x64xf32, #tpu.memory_space<vmem>>, vector<1x16xf32>,
        %get3A_866 = vector.shape_cast %get3A_865 : vector<1x16xf32> to vector<16xf32>
        %add3A_867 = arith.addf %get3A_866, %get3A_860 : vector<16xf32>
        %swap3A_868 = arith.index_cast %add3A_862 : i32 to index
        %swap3A_869 = arith.constant 32 : index
        %swap3A_870 = tpu.vector_load %arg8[%swap3A_868, %swap3A_869] {strides = array<i32>} : memref<800x64xf32, #tpu.memory_space<vmem>>, vector<1x16xf32>,
        %swap3A_871 = vector.shape_cast %swap3A_870 : vector<1x16xf32> to vector<16xf32>
        %swap3A_872 = vector.shape_cast %add3A_867 : vector<16xf32> to vector<1x16xf32>
        tpu.vector_store %arg8[%swap3A_868, %swap3A_869], %swap3A_872 {strides = array<i32>} : memref<800x64xf32, #tpu.memory_space<vmem>>, vector<1x16xf32>,
        %add3A_873 = arith.constant 200 : i32
        %add3A_874 = arith.addi %add3A_873, %scan3A_754 : i32
        %get3A_875 = arith.index_cast %add3A_874 : i32 to index
        %get3A_876 = arith.constant 32 : index
        %get3A_877 = tpu.vector_load %arg8[%get3A_875, %get3A_876] {strides = array<i32>} : memref<800x64xf32, #tpu.memory_space<vmem>>, vector<1x16xf32>,
        %get3A_878 = vector.shape_cast %get3A_877 : vector<1x16xf32> to vector<16xf32>
        %add3A_879 = arith.addf %get3A_878, %get3A_860 : vector<16xf32>
        %swap3A_880 = arith.index_cast %add3A_874 : i32 to index
        %swap3A_881 = arith.constant 32 : index
        %swap3A_882 = tpu.vector_load %arg8[%swap3A_880, %swap3A_881] {strides = array<i32>} : memref<800x64xf32, #tpu.memory_space<vmem>>, vector<1x16xf32>,
        %swap3A_883 = vector.shape_cast %swap3A_882 : vector<1x16xf32> to vector<16xf32>
        %swap3A_884 = vector.shape_cast %add3A_879 : vector<16xf32> to vector<1x16xf32>
        tpu.vector_store %arg8[%swap3A_880, %swap3A_881], %swap3A_884 {strides = array<i32>} : memref<800x64xf32, #tpu.memory_space<vmem>>, vector<1x16xf32>,
        %add3A_885 = arith.constant 400 : i32
        %add3A_886 = arith.addi %add3A_885, %scan3A_754 : i32
        %get3A_887 = arith.index_cast %add3A_886 : i32 to index
        %get3A_888 = arith.constant 32 : index
        %get3A_889 = tpu.vector_load %arg8[%get3A_887, %get3A_888] {strides = array<i32>} : memref<800x64xf32, #tpu.memory_space<vmem>>, vector<1x16xf32>,
        %get3A_890 = vector.shape_cast %get3A_889 : vector<1x16xf32> to vector<16xf32>
        %add3A_891 = arith.addf %get3A_890, %get3A_860 : vector<16xf32>
        %swap3A_892 = arith.index_cast %add3A_886 : i32 to index
        %swap3A_893 = arith.constant 32 : index
        %swap3A_894 = tpu.vector_load %arg8[%swap3A_892, %swap3A_893] {strides = array<i32>} : memref<800x64xf32, #tpu.memory_space<vmem>>, vector<1x16xf32>,
        %swap3A_895 = vector.shape_cast %swap3A_894 : vector<1x16xf32> to vector<16xf32>
        %swap3A_896 = vector.shape_cast %add3A_891 : vector<16xf32> to vector<1x16xf32>
        tpu.vector_store %arg8[%swap3A_892, %swap3A_893], %swap3A_896 {strides = array<i32>} : memref<800x64xf32, #tpu.memory_space<vmem>>, vector<1x16xf32>,
        %add3A_897 = arith.constant 600 : i32
        %add3A_898 = arith.addi %add3A_897, %scan3A_754 : i32
        %get3A_899 = arith.index_cast %add3A_898 : i32 to index
        %get3A_900 = arith.constant 32 : index
        %get3A_901 = tpu.vector_load %arg8[%get3A_899, %get3A_900] {strides = array<i32>} : memref<800x64xf32, #tpu.memory_space<vmem>>, vector<1x16xf32>,
        %get3A_902 = vector.shape_cast %get3A_901 : vector<1x16xf32> to vector<16xf32>
        %add3A_903 = arith.addf %get3A_902, %get3A_860 : vector<16xf32>
        %swap3A_904 = arith.index_cast %add3A_898 : i32 to index
        %swap3A_905 = arith.constant 32 : index
        %swap3A_906 = tpu.vector_load %arg8[%swap3A_904, %swap3A_905] {strides = array<i32>} : memref<800x64xf32, #tpu.memory_space<vmem>>, vector<1x16xf32>,
        %swap3A_907 = vector.shape_cast %swap3A_906 : vector<1x16xf32> to vector<16xf32>
        %swap3A_908 = vector.shape_cast %add3A_903 : vector<16xf32> to vector<1x16xf32>
        tpu.vector_store %arg8[%swap3A_904, %swap3A_905], %swap3A_908 {strides = array<i32>} : memref<800x64xf32, #tpu.memory_space<vmem>>, vector<1x16xf32>,
        %get3A_909 = arith.index_cast %scan3A_754 : i32 to index
        %get3A_910 = arith.constant 48 : index
        %get3A_911 = tpu.vector_load %arg10[%get3A_909, %get3A_910] {strides = array<i32>} : memref<200x64xf32, #tpu.memory_space<vmem>>, vector<1x16xf32>,
        %get3A_912 = vector.shape_cast %get3A_911 : vector<1x16xf32> to vector<16xf32>
        %add3A_913 = arith.constant 0 : i32
        %add3A_914 = arith.addi %add3A_913, %scan3A_754 : i32
        %get3A_915 = arith.index_cast %add3A_914 : i32 to index
        %get3A_916 = arith.constant 48 : index
        %get3A_917 = tpu.vector_load %arg8[%get3A_915, %get3A_916] {strides = array<i32>} : memref<800x64xf32, #tpu.memory_space<vmem>>, vector<1x16xf32>,
        %get3A_918 = vector.shape_cast %get3A_917 : vector<1x16xf32> to vector<16xf32>
        %add3A_919 = arith.addf %get3A_918, %get3A_912 : vector<16xf32>
        %swap3A_920 = arith.index_cast %add3A_914 : i32 to index
        %swap3A_921 = arith.constant 48 : index
        %swap3A_922 = tpu.vector_load %arg8[%swap3A_920, %swap3A_921] {strides = array<i32>} : memref<800x64xf32, #tpu.memory_space<vmem>>, vector<1x16xf32>,
        %swap3A_923 = vector.shape_cast %swap3A_922 : vector<1x16xf32> to vector<16xf32>
        %swap3A_924 = vector.shape_cast %add3A_919 : vector<16xf32> to vector<1x16xf32>
        tpu.vector_store %arg8[%swap3A_920, %swap3A_921], %swap3A_924 {strides = array<i32>} : memref<800x64xf32, #tpu.memory_space<vmem>>, vector<1x16xf32>,
        %add3A_925 = arith.constant 200 : i32
        %add3A_926 = arith.addi %add3A_925, %scan3A_754 : i32
        %get3A_927 = arith.index_cast %add3A_926 : i32 to index
        %get3A_928 = arith.constant 48 : index
        %get3A_929 = tpu.vector_load %arg8[%get3A_927, %get3A_928] {strides = array<i32>} : memref<800x64xf32, #tpu.memory_space<vmem>>, vector<1x16xf32>,
        %get3A_930 = vector.shape_cast %get3A_929 : vector<1x16xf32> to vector<16xf32>
        %add3A_931 = arith.addf %get3A_930, %get3A_912 : vector<16xf32>
        %swap3A_932 = arith.index_cast %add3A_926 : i32 to index
        %swap3A_933 = arith.constant 48 : index
        %swap3A_934 = tpu.vector_load %arg8[%swap3A_932, %swap3A_933] {strides = array<i32>} : memref<800x64xf32, #tpu.memory_space<vmem>>, vector<1x16xf32>,
        %swap3A_935 = vector.shape_cast %swap3A_934 : vector<1x16xf32> to vector<16xf32>
        %swap3A_936 = vector.shape_cast %add3A_931 : vector<16xf32> to vector<1x16xf32>
        tpu.vector_store %arg8[%swap3A_932, %swap3A_933], %swap3A_936 {strides = array<i32>} : memref<800x64xf32, #tpu.memory_space<vmem>>, vector<1x16xf32>,
        %add3A_937 = arith.constant 400 : i32
        %add3A_938 = arith.addi %add3A_937, %scan3A_754 : i32
        %get3A_939 = arith.index_cast %add3A_938 : i32 to index
        %get3A_940 = arith.constant 48 : index
        %get3A_941 = tpu.vector_load %arg8[%get3A_939, %get3A_940] {strides = array<i32>} : memref<800x64xf32, #tpu.memory_space<vmem>>, vector<1x16xf32>,
        %get3A_942 = vector.shape_cast %get3A_941 : vector<1x16xf32> to vector<16xf32>
        %add3A_943 = arith.addf %get3A_942, %get3A_912 : vector<16xf32>
        %swap3A_944 = arith.index_cast %add3A_938 : i32 to index
        %swap3A_945 = arith.constant 48 : index
        %swap3A_946 = tpu.vector_load %arg8[%swap3A_944, %swap3A_945] {strides = array<i32>} : memref<800x64xf32, #tpu.memory_space<vmem>>, vector<1x16xf32>,
        %swap3A_947 = vector.shape_cast %swap3A_946 : vector<1x16xf32> to vector<16xf32>
        %swap3A_948 = vector.shape_cast %add3A_943 : vector<16xf32> to vector<1x16xf32>
        tpu.vector_store %arg8[%swap3A_944, %swap3A_945], %swap3A_948 {strides = array<i32>} : memref<800x64xf32, #tpu.memory_space<vmem>>, vector<1x16xf32>,
        %add3A_949 = arith.constant 600 : i32
        %add3A_950 = arith.addi %add3A_949, %scan3A_754 : i32
        %get3A_951 = arith.index_cast %add3A_950 : i32 to index
        %get3A_952 = arith.constant 48 : index
        %get3A_953 = tpu.vector_load %arg8[%get3A_951, %get3A_952] {strides = array<i32>} : memref<800x64xf32, #tpu.memory_space<vmem>>, vector<1x16xf32>,
        %get3A_954 = vector.shape_cast %get3A_953 : vector<1x16xf32> to vector<16xf32>
        %add3A_955 = arith.addf %get3A_954, %get3A_912 : vector<16xf32>
        %swap3A_956 = arith.index_cast %add3A_950 : i32 to index
        %swap3A_957 = arith.constant 48 : index
        %swap3A_958 = tpu.vector_load %arg8[%swap3A_956, %swap3A_957] {strides = array<i32>} : memref<800x64xf32, #tpu.memory_space<vmem>>, vector<1x16xf32>,
        %swap3A_959 = vector.shape_cast %swap3A_958 : vector<1x16xf32> to vector<16xf32>
        %swap3A_960 = vector.shape_cast %add3A_955 : vector<16xf32> to vector<1x16xf32>
        tpu.vector_store %arg8[%swap3A_956, %swap3A_957], %swap3A_960 {strides = array<i32>} : memref<800x64xf32, #tpu.memory_space<vmem>>, vector<1x16xf32>,
      }
      %scan3A_746 = arith.constant 200 : i32
      %mul3A_747 = arith.constant 800 : i32
      %mul3A_748 = arith.muli %add3A_566, %mul3A_747 : i32
      %add3A_749 = arith.addi %mul3A_2, %mul3A_748 : i32
      %dma_start3A_750 = arith.constant 0 : i32
      %dma_start3A_751 = tpu.memref_slice %arg5[%add3A_749, %dma_start3A_750] : memref<819200x64xf32, #tpu.memory_space<hbm>> -> memref<800x64xf32, #tpu.memory_space<hbm>>
      %dma_start3A_752 = arith.constant 0 : i32
      %dma_start3A_753 = tpu.memref_slice %arg5[%add3A_749, %dma_start3A_752] : memref<819200x64xf32, #tpu.memory_space<hbm>> -> memref<800x64xf32, #tpu.memory_space<hbm>>
      tpu.enqueue_dma source(%arg8 : memref<800x64xf32, #tpu.memory_space<vmem>>) target(%dma_start3A_753 : memref<800x64xf32, #tpu.memory_space<hbm>>) target_semaphore(%arg13 : memref<!tpu.dma_semaphore, #tpu.memory_space<semaphore_mem>>)
    }
    %scan3A_263 = arith.constant 15 : i32
    %add3A_264 = arith.constant 24000 : i32
    %add3A_265 = arith.addi %mul3A_2, %add3A_264 : i32
    %dma_wait3A_266 = arith.constant 0 : i32
    %dma_wait3A_267 = tpu.memref_slice %arg5[%add3A_265, %dma_wait3A_266] : memref<819200x64xf32, #tpu.memory_space<hbm>> -> memref<800x64xf32, #tpu.memory_space<hbm>>
    %dma_wait3A_268 = arith.constant 0 : i32
    %dma_wait3A_269 = tpu.memref_slice %arg5[%add3A_265, %dma_wait3A_268] : memref<819200x64xf32, #tpu.memory_space<hbm>> -> memref<800x64xf32, #tpu.memory_space<hbm>>
    tpu.wait_dma2 semaphore(%arg13 : memref<!tpu.dma_semaphore, #tpu.memory_space<semaphore_mem>>) src(%arg8 : memref<800x64xf32, #tpu.memory_space<vmem>>) dst(%dma_wait3A_269 : memref<800x64xf32, #tpu.memory_space<hbm>>)
    %dma_wait3A_270 = arith.constant 0 : i32
    %dma_wait3A_271 = arith.constant 0 : i32
    %dma_wait3A_272 = arith.constant 0 : i32
    %dma_wait3A_273 = tpu.memref_slice %arg9[%dma_wait3A_271, %dma_wait3A_272] : memref<800x64xf32, #tpu.memory_space<vmem>> -> memref<100x64xf32, #tpu.memory_space<vmem>>
    %dma_wait3A_274 = arith.constant 0 : i32
    %dma_wait3A_275 = tpu.memref_slice %arg7[%dma_wait3A_270, %dma_wait3A_274] : memref<8x100xi32, #tpu.memory_space<vmem>> -> memref<1x100xi32, #tpu.memory_space<vmem>>
    %dma_wait3A_276 = tpu.memref_squeeze %dma_wait3A_275 : memref<1x100xi32, #tpu.memory_space<vmem>> -> memref<100xi32, #tpu.memory_space<vmem>>
    %dma_wait3A_277 = arith.constant 0 : i32
    %dma_wait3A_278 = arith.constant 0 : i32
    %dma_wait3A_279 = tpu.memref_slice %arg3[%dma_wait3A_277, %dma_wait3A_278] : memref<1000000x64xf32, #tpu.memory_space<hbm>> -> memref<1000000x64xf32, #tpu.memory_space<hbm>>
    tpu.wait_indirect_dma semaphore(%arg12 : memref<!tpu.dma_semaphore, #tpu.memory_space<semaphore_mem>>) src(%dma_wait3A_279 : memref<1000000x64xf32, #tpu.memory_space<hbm>>) dst(%dma_wait3A_273 : memref<100x64xf32, #tpu.memory_space<vmem>>)
    %dma_wait3A_280 = arith.constant 1 : i32
    %dma_wait3A_281 = arith.constant 100 : i32
    %dma_wait3A_282 = arith.constant 0 : i32
    %dma_wait3A_283 = tpu.memref_slice %arg9[%dma_wait3A_281, %dma_wait3A_282] : memref<800x64xf32, #tpu.memory_space<vmem>> -> memref<100x64xf32, #tpu.memory_space<vmem>>
    %dma_wait3A_284 = arith.constant 0 : i32
    %dma_wait3A_285 = tpu.memref_slice %arg7[%dma_wait3A_280, %dma_wait3A_284] : memref<8x100xi32, #tpu.memory_space<vmem>> -> memref<1x100xi32, #tpu.memory_space<vmem>>
    %dma_wait3A_286 = tpu.memref_squeeze %dma_wait3A_285 : memref<1x100xi32, #tpu.memory_space<vmem>> -> memref<100xi32, #tpu.memory_space<vmem>>
    %dma_wait3A_287 = arith.constant 0 : i32
    %dma_wait3A_288 = arith.constant 0 : i32
    %dma_wait3A_289 = tpu.memref_slice %arg3[%dma_wait3A_287, %dma_wait3A_288] : memref<1000000x64xf32, #tpu.memory_space<hbm>> -> memref<1000000x64xf32, #tpu.memory_space<hbm>>
    tpu.wait_indirect_dma semaphore(%arg12 : memref<!tpu.dma_semaphore, #tpu.memory_space<semaphore_mem>>) src(%dma_wait3A_289 : memref<1000000x64xf32, #tpu.memory_space<hbm>>) dst(%dma_wait3A_283 : memref<100x64xf32, #tpu.memory_space<vmem>>)
    %dma_wait3A_290 = arith.constant 2 : i32
    %dma_wait3A_291 = arith.constant 200 : i32
    %dma_wait3A_292 = arith.constant 0 : i32
    %dma_wait3A_293 = tpu.memref_slice %arg9[%dma_wait3A_291, %dma_wait3A_292] : memref<800x64xf32, #tpu.memory_space<vmem>> -> memref<100x64xf32, #tpu.memory_space<vmem>>
    %dma_wait3A_294 = arith.constant 0 : i32
    %dma_wait3A_295 = tpu.memref_slice %arg7[%dma_wait3A_290, %dma_wait3A_294] : memref<8x100xi32, #tpu.memory_space<vmem>> -> memref<1x100xi32, #tpu.memory_space<vmem>>
    %dma_wait3A_296 = tpu.memref_squeeze %dma_wait3A_295 : memref<1x100xi32, #tpu.memory_space<vmem>> -> memref<100xi32, #tpu.memory_space<vmem>>
    %dma_wait3A_297 = arith.constant 0 : i32
    %dma_wait3A_298 = arith.constant 0 : i32
    %dma_wait3A_299 = tpu.memref_slice %arg3[%dma_wait3A_297, %dma_wait3A_298] : memref<1000000x64xf32, #tpu.memory_space<hbm>> -> memref<1000000x64xf32, #tpu.memory_space<hbm>>
    tpu.wait_indirect_dma semaphore(%arg12 : memref<!tpu.dma_semaphore, #tpu.memory_space<semaphore_mem>>) src(%dma_wait3A_299 : memref<1000000x64xf32, #tpu.memory_space<hbm>>) dst(%dma_wait3A_293 : memref<100x64xf32, #tpu.memory_space<vmem>>)
    %dma_wait3A_300 = arith.constant 3 : i32
    %dma_wait3A_301 = arith.constant 300 : i32
    %dma_wait3A_302 = arith.constant 0 : i32
    %dma_wait3A_303 = tpu.memref_slice %arg9[%dma_wait3A_301, %dma_wait3A_302] : memref<800x64xf32, #tpu.memory_space<vmem>> -> memref<100x64xf32, #tpu.memory_space<vmem>>
    %dma_wait3A_304 = arith.constant 0 : i32
    %dma_wait3A_305 = tpu.memref_slice %arg7[%dma_wait3A_300, %dma_wait3A_304] : memref<8x100xi32, #tpu.memory_space<vmem>> -> memref<1x100xi32, #tpu.memory_space<vmem>>
    %dma_wait3A_306 = tpu.memref_squeeze %dma_wait3A_305 : memref<1x100xi32, #tpu.memory_space<vmem>> -> memref<100xi32, #tpu.memory_space<vmem>>
    %dma_wait3A_307 = arith.constant 0 : i32
    %dma_wait3A_308 = arith.constant 0 : i32
    %dma_wait3A_309 = tpu.memref_slice %arg3[%dma_wait3A_307, %dma_wait3A_308] : memref<1000000x64xf32, #tpu.memory_space<hbm>> -> memref<1000000x64xf32, #tpu.memory_space<hbm>>
    tpu.wait_indirect_dma semaphore(%arg12 : memref<!tpu.dma_semaphore, #tpu.memory_space<semaphore_mem>>) src(%dma_wait3A_309 : memref<1000000x64xf32, #tpu.memory_space<hbm>>) dst(%dma_wait3A_303 : memref<100x64xf32, #tpu.memory_space<vmem>>)
    %dma_wait3A_310 = arith.constant 4 : i32
    %dma_wait3A_311 = arith.constant 400 : i32
    %dma_wait3A_312 = arith.constant 0 : i32
    %dma_wait3A_313 = tpu.memref_slice %arg9[%dma_wait3A_311, %dma_wait3A_312] : memref<800x64xf32, #tpu.memory_space<vmem>> -> memref<100x64xf32, #tpu.memory_space<vmem>>
    %dma_wait3A_314 = arith.constant 0 : i32
    %dma_wait3A_315 = tpu.memref_slice %arg7[%dma_wait3A_310, %dma_wait3A_314] : memref<8x100xi32, #tpu.memory_space<vmem>> -> memref<1x100xi32, #tpu.memory_space<vmem>>
    %dma_wait3A_316 = tpu.memref_squeeze %dma_wait3A_315 : memref<1x100xi32, #tpu.memory_space<vmem>> -> memref<100xi32, #tpu.memory_space<vmem>>
    %dma_wait3A_317 = arith.constant 0 : i32
    %dma_wait3A_318 = arith.constant 0 : i32
    %dma_wait3A_319 = tpu.memref_slice %arg3[%dma_wait3A_317, %dma_wait3A_318] : memref<1000000x64xf32, #tpu.memory_space<hbm>> -> memref<1000000x64xf32, #tpu.memory_space<hbm>>
    tpu.wait_indirect_dma semaphore(%arg12 : memref<!tpu.dma_semaphore, #tpu.memory_space<semaphore_mem>>) src(%dma_wait3A_319 : memref<1000000x64xf32, #tpu.memory_space<hbm>>) dst(%dma_wait3A_313 : memref<100x64xf32, #tpu.memory_space<vmem>>)
    %dma_wait3A_320 = arith.constant 5 : i32
    %dma_wait3A_321 = arith.constant 500 : i32
    %dma_wait3A_322 = arith.constant 0 : i32
    %dma_wait3A_323 = tpu.memref_slice %arg9[%dma_wait3A_321, %dma_wait3A_322] : memref<800x64xf32, #tpu.memory_space<vmem>> -> memref<100x64xf32, #tpu.memory_space<vmem>>
    %dma_wait3A_324 = arith.constant 0 : i32
    %dma_wait3A_325 = tpu.memref_slice %arg7[%dma_wait3A_320, %dma_wait3A_324] : memref<8x100xi32, #tpu.memory_space<vmem>> -> memref<1x100xi32, #tpu.memory_space<vmem>>
    %dma_wait3A_326 = tpu.memref_squeeze %dma_wait3A_325 : memref<1x100xi32, #tpu.memory_space<vmem>> -> memref<100xi32, #tpu.memory_space<vmem>>
    %dma_wait3A_327 = arith.constant 0 : i32
    %dma_wait3A_328 = arith.constant 0 : i32
    %dma_wait3A_329 = tpu.memref_slice %arg3[%dma_wait3A_327, %dma_wait3A_328] : memref<1000000x64xf32, #tpu.memory_space<hbm>> -> memref<1000000x64xf32, #tpu.memory_space<hbm>>
    tpu.wait_indirect_dma semaphore(%arg12 : memref<!tpu.dma_semaphore, #tpu.memory_space<semaphore_mem>>) src(%dma_wait3A_329 : memref<1000000x64xf32, #tpu.memory_space<hbm>>) dst(%dma_wait3A_323 : memref<100x64xf32, #tpu.memory_space<vmem>>)
    %dma_wait3A_330 = arith.constant 6 : i32
    %dma_wait3A_331 = arith.constant 600 : i32
    %dma_wait3A_332 = arith.constant 0 : i32
    %dma_wait3A_333 = tpu.memref_slice %arg9[%dma_wait3A_331, %dma_wait3A_332] : memref<800x64xf32, #tpu.memory_space<vmem>> -> memref<100x64xf32, #tpu.memory_space<vmem>>
    %dma_wait3A_334 = arith.constant 0 : i32
    %dma_wait3A_335 = tpu.memref_slice %arg7[%dma_wait3A_330, %dma_wait3A_334] : memref<8x100xi32, #tpu.memory_space<vmem>> -> memref<1x100xi32, #tpu.memory_space<vmem>>
    %dma_wait3A_336 = tpu.memref_squeeze %dma_wait3A_335 : memref<1x100xi32, #tpu.memory_space<vmem>> -> memref<100xi32, #tpu.memory_space<vmem>>
    %dma_wait3A_337 = arith.constant 0 : i32
    %dma_wait3A_338 = arith.constant 0 : i32
    %dma_wait3A_339 = tpu.memref_slice %arg3[%dma_wait3A_337, %dma_wait3A_338] : memref<1000000x64xf32, #tpu.memory_space<hbm>> -> memref<1000000x64xf32, #tpu.memory_space<hbm>>
    tpu.wait_indirect_dma semaphore(%arg12 : memref<!tpu.dma_semaphore, #tpu.memory_space<semaphore_mem>>) src(%dma_wait3A_339 : memref<1000000x64xf32, #tpu.memory_space<hbm>>) dst(%dma_wait3A_333 : memref<100x64xf32, #tpu.memory_space<vmem>>)
    %dma_wait3A_340 = arith.constant 7 : i32
    %dma_wait3A_341 = arith.constant 700 : i32
    %dma_wait3A_342 = arith.constant 0 : i32
    %dma_wait3A_343 = tpu.memref_slice %arg9[%dma_wait3A_341, %dma_wait3A_342] : memref<800x64xf32, #tpu.memory_space<vmem>> -> memref<100x64xf32, #tpu.memory_space<vmem>>
    %dma_wait3A_344 = arith.constant 0 : i32
    %dma_wait3A_345 = tpu.memref_slice %arg7[%dma_wait3A_340, %dma_wait3A_344] : memref<8x100xi32, #tpu.memory_space<vmem>> -> memref<1x100xi32, #tpu.memory_space<vmem>>
    %dma_wait3A_346 = tpu.memref_squeeze %dma_wait3A_345 : memref<1x100xi32, #tpu.memory_space<vmem>> -> memref<100xi32, #tpu.memory_space<vmem>>
    %dma_wait3A_347 = arith.constant 0 : i32
    %dma_wait3A_348 = arith.constant 0 : i32
    %dma_wait3A_349 = tpu.memref_slice %arg3[%dma_wait3A_347, %dma_wait3A_348] : memref<1000000x64xf32, #tpu.memory_space<hbm>> -> memref<1000000x64xf32, #tpu.memory_space<hbm>>
    tpu.wait_indirect_dma semaphore(%arg12 : memref<!tpu.dma_semaphore, #tpu.memory_space<semaphore_mem>>) src(%dma_wait3A_349 : memref<1000000x64xf32, #tpu.memory_space<hbm>>) dst(%dma_wait3A_343 : memref<100x64xf32, #tpu.memory_space<vmem>>)
    %scan3A_350 = arith.constant 0 : i32
    %scan3A_351 = arith.constant 0 : i32
    %scan3A_352 = arith.constant 200 : i32
    %scan3A_353 = arith.addi %scan3A_351, %scan3A_352 : i32
    %scan3A_354 = arith.constant 1 : i32
    scf.for %scan3A_368 = %scan3A_351 to %scan3A_353 step %scan3A_354  : i32 {
      %get3A = arith.index_cast %scan3A_368 : i32 to index
      %get3A_369 = arith.constant 0 : index
      %get3A_370 = tpu.vector_load %arg10[%get3A, %get3A_369] {strides = array<i32>} : memref<200x64xf32, #tpu.memory_space<vmem>>, vector<1x16xf32>,
      %get3A_371 = vector.shape_cast %get3A_370 : vector<1x16xf32> to vector<16xf32>
      %add3A_372 = arith.constant 0 : i32
      %add3A_373 = arith.addi %add3A_372, %scan3A_368 : i32
      %get3A_374 = arith.index_cast %add3A_373 : i32 to index
      %get3A_375 = arith.constant 0 : index
      %get3A_376 = tpu.vector_load %arg9[%get3A_374, %get3A_375] {strides = array<i32>} : memref<800x64xf32, #tpu.memory_space<vmem>>, vector<1x16xf32>,
      %get3A_377 = vector.shape_cast %get3A_376 : vector<1x16xf32> to vector<16xf32>
      %add3A_378 = arith.addf %get3A_377, %get3A_371 : vector<16xf32>
      %swap3A = arith.index_cast %add3A_373 : i32 to index
      %swap3A_379 = arith.constant 0 : index
      %swap3A_380 = tpu.vector_load %arg9[%swap3A, %swap3A_379] {strides = array<i32>} : memref<800x64xf32, #tpu.memory_space<vmem>>, vector<1x16xf32>,
      %swap3A_381 = vector.shape_cast %swap3A_380 : vector<1x16xf32> to vector<16xf32>
      %swap3A_382 = vector.shape_cast %add3A_378 : vector<16xf32> to vector<1x16xf32>
      tpu.vector_store %arg9[%swap3A, %swap3A_379], %swap3A_382 {strides = array<i32>} : memref<800x64xf32, #tpu.memory_space<vmem>>, vector<1x16xf32>,
      %add3A_383 = arith.constant 200 : i32
      %add3A_384 = arith.addi %add3A_383, %scan3A_368 : i32
      %get3A_385 = arith.index_cast %add3A_384 : i32 to index
      %get3A_386 = arith.constant 0 : index
      %get3A_387 = tpu.vector_load %arg9[%get3A_385, %get3A_386] {strides = array<i32>} : memref<800x64xf32, #tpu.memory_space<vmem>>, vector<1x16xf32>,
      %get3A_388 = vector.shape_cast %get3A_387 : vector<1x16xf32> to vector<16xf32>
      %add3A_389 = arith.addf %get3A_388, %get3A_371 : vector<16xf32>
      %swap3A_390 = arith.index_cast %add3A_384 : i32 to index
      %swap3A_391 = arith.constant 0 : index
      %swap3A_392 = tpu.vector_load %arg9[%swap3A_390, %swap3A_391] {strides = array<i32>} : memref<800x64xf32, #tpu.memory_space<vmem>>, vector<1x16xf32>,
      %swap3A_393 = vector.shape_cast %swap3A_392 : vector<1x16xf32> to vector<16xf32>
      %swap3A_394 = vector.shape_cast %add3A_389 : vector<16xf32> to vector<1x16xf32>
      tpu.vector_store %arg9[%swap3A_390, %swap3A_391], %swap3A_394 {strides = array<i32>} : memref<800x64xf32, #tpu.memory_space<vmem>>, vector<1x16xf32>,
      %add3A_395 = arith.constant 400 : i32
      %add3A_396 = arith.addi %add3A_395, %scan3A_368 : i32
      %get3A_397 = arith.index_cast %add3A_396 : i32 to index
      %get3A_398 = arith.constant 0 : index
      %get3A_399 = tpu.vector_load %arg9[%get3A_397, %get3A_398] {strides = array<i32>} : memref<800x64xf32, #tpu.memory_space<vmem>>, vector<1x16xf32>,
      %get3A_400 = vector.shape_cast %get3A_399 : vector<1x16xf32> to vector<16xf32>
      %add3A_401 = arith.addf %get3A_400, %get3A_371 : vector<16xf32>
      %swap3A_402 = arith.index_cast %add3A_396 : i32 to index
      %swap3A_403 = arith.constant 0 : index
      %swap3A_404 = tpu.vector_load %arg9[%swap3A_402, %swap3A_403] {strides = array<i32>} : memref<800x64xf32, #tpu.memory_space<vmem>>, vector<1x16xf32>,
      %swap3A_405 = vector.shape_cast %swap3A_404 : vector<1x16xf32> to vector<16xf32>
      %swap3A_406 = vector.shape_cast %add3A_401 : vector<16xf32> to vector<1x16xf32>
      tpu.vector_store %arg9[%swap3A_402, %swap3A_403], %swap3A_406 {strides = array<i32>} : memref<800x64xf32, #tpu.memory_space<vmem>>, vector<1x16xf32>,
      %add3A_407 = arith.constant 600 : i32
      %add3A_408 = arith.addi %add3A_407, %scan3A_368 : i32
      %get3A_409 = arith.index_cast %add3A_408 : i32 to index
      %get3A_410 = arith.constant 0 : index
      %get3A_411 = tpu.vector_load %arg9[%get3A_409, %get3A_410] {strides = array<i32>} : memref<800x64xf32, #tpu.memory_space<vmem>>, vector<1x16xf32>,
      %get3A_412 = vector.shape_cast %get3A_411 : vector<1x16xf32> to vector<16xf32>
      %add3A_413 = arith.addf %get3A_412, %get3A_371 : vector<16xf32>
      %swap3A_414 = arith.index_cast %add3A_408 : i32 to index
      %swap3A_415 = arith.constant 0 : index
      %swap3A_416 = tpu.vector_load %arg9[%swap3A_414, %swap3A_415] {strides = array<i32>} : memref<800x64xf32, #tpu.memory_space<vmem>>, vector<1x16xf32>,
      %swap3A_417 = vector.shape_cast %swap3A_416 : vector<1x16xf32> to vector<16xf32>
      %swap3A_418 = vector.shape_cast %add3A_413 : vector<16xf32> to vector<1x16xf32>
      tpu.vector_store %arg9[%swap3A_414, %swap3A_415], %swap3A_418 {strides = array<i32>} : memref<800x64xf32, #tpu.memory_space<vmem>>, vector<1x16xf32>,
      %get3A_419 = arith.index_cast %scan3A_368 : i32 to index
      %get3A_420 = arith.constant 16 : index
      %get3A_421 = tpu.vector_load %arg10[%get3A_419, %get3A_420] {strides = array<i32>} : memref<200x64xf32, #tpu.memory_space<vmem>>, vector<1x16xf32>,
      %get3A_422 = vector.shape_cast %get3A_421 : vector<1x16xf32> to vector<16xf32>
      %add3A_423 = arith.constant 0 : i32
      %add3A_424 = arith.addi %add3A_423, %scan3A_368 : i32
      %get3A_425 = arith.index_cast %add3A_424 : i32 to index
      %get3A_426 = arith.constant 16 : index
      %get3A_427 = tpu.vector_load %arg9[%get3A_425, %get3A_426] {strides = array<i32>} : memref<800x64xf32, #tpu.memory_space<vmem>>, vector<1x16xf32>,
      %get3A_428 = vector.shape_cast %get3A_427 : vector<1x16xf32> to vector<16xf32>
      %add3A_429 = arith.addf %get3A_428, %get3A_422 : vector<16xf32>
      %swap3A_430 = arith.index_cast %add3A_424 : i32 to index
      %swap3A_431 = arith.constant 16 : index
      %swap3A_432 = tpu.vector_load %arg9[%swap3A_430, %swap3A_431] {strides = array<i32>} : memref<800x64xf32, #tpu.memory_space<vmem>>, vector<1x16xf32>,
      %swap3A_433 = vector.shape_cast %swap3A_432 : vector<1x16xf32> to vector<16xf32>
      %swap3A_434 = vector.shape_cast %add3A_429 : vector<16xf32> to vector<1x16xf32>
      tpu.vector_store %arg9[%swap3A_430, %swap3A_431], %swap3A_434 {strides = array<i32>} : memref<800x64xf32, #tpu.memory_space<vmem>>, vector<1x16xf32>,
      %add3A_435 = arith.constant 200 : i32
      %add3A_436 = arith.addi %add3A_435, %scan3A_368 : i32
      %get3A_437 = arith.index_cast %add3A_436 : i32 to index
      %get3A_438 = arith.constant 16 : index
      %get3A_439 = tpu.vector_load %arg9[%get3A_437, %get3A_438] {strides = array<i32>} : memref<800x64xf32, #tpu.memory_space<vmem>>, vector<1x16xf32>,
      %get3A_440 = vector.shape_cast %get3A_439 : vector<1x16xf32> to vector<16xf32>
      %add3A_441 = arith.addf %get3A_440, %get3A_422 : vector<16xf32>
      %swap3A_442 = arith.index_cast %add3A_436 : i32 to index
      %swap3A_443 = arith.constant 16 : index
      %swap3A_444 = tpu.vector_load %arg9[%swap3A_442, %swap3A_443] {strides = array<i32>} : memref<800x64xf32, #tpu.memory_space<vmem>>, vector<1x16xf32>,
      %swap3A_445 = vector.shape_cast %swap3A_444 : vector<1x16xf32> to vector<16xf32>
      %swap3A_446 = vector.shape_cast %add3A_441 : vector<16xf32> to vector<1x16xf32>
      tpu.vector_store %arg9[%swap3A_442, %swap3A_443], %swap3A_446 {strides = array<i32>} : memref<800x64xf32, #tpu.memory_space<vmem>>, vector<1x16xf32>,
      %add3A_447 = arith.constant 400 : i32
      %add3A_448 = arith.addi %add3A_447, %scan3A_368 : i32
      %get3A_449 = arith.index_cast %add3A_448 : i32 to index
      %get3A_450 = arith.constant 16 : index
      %get3A_451 = tpu.vector_load %arg9[%get3A_449, %get3A_450] {strides = array<i32>} : memref<800x64xf32, #tpu.memory_space<vmem>>, vector<1x16xf32>,
      %get3A_452 = vector.shape_cast %get3A_451 : vector<1x16xf32> to vector<16xf32>
      %add3A_453 = arith.addf %get3A_452, %get3A_422 : vector<16xf32>
      %swap3A_454 = arith.index_cast %add3A_448 : i32 to index
      %swap3A_455 = arith.constant 16 : index
      %swap3A_456 = tpu.vector_load %arg9[%swap3A_454, %swap3A_455] {strides = array<i32>} : memref<800x64xf32, #tpu.memory_space<vmem>>, vector<1x16xf32>,
      %swap3A_457 = vector.shape_cast %swap3A_456 : vector<1x16xf32> to vector<16xf32>
      %swap3A_458 = vector.shape_cast %add3A_453 : vector<16xf32> to vector<1x16xf32>
      tpu.vector_store %arg9[%swap3A_454, %swap3A_455], %swap3A_458 {strides = array<i32>} : memref<800x64xf32, #tpu.memory_space<vmem>>, vector<1x16xf32>,
      %add3A_459 = arith.constant 600 : i32
      %add3A_460 = arith.addi %add3A_459, %scan3A_368 : i32
      %get3A_461 = arith.index_cast %add3A_460 : i32 to index
      %get3A_462 = arith.constant 16 : index
      %get3A_463 = tpu.vector_load %arg9[%get3A_461, %get3A_462] {strides = array<i32>} : memref<800x64xf32, #tpu.memory_space<vmem>>, vector<1x16xf32>,
      %get3A_464 = vector.shape_cast %get3A_463 : vector<1x16xf32> to vector<16xf32>
      %add3A_465 = arith.addf %get3A_464, %get3A_422 : vector<16xf32>
      %swap3A_466 = arith.index_cast %add3A_460 : i32 to index
      %swap3A_467 = arith.constant 16 : index
      %swap3A_468 = tpu.vector_load %arg9[%swap3A_466, %swap3A_467] {strides = array<i32>} : memref<800x64xf32, #tpu.memory_space<vmem>>, vector<1x16xf32>,
      %swap3A_469 = vector.shape_cast %swap3A_468 : vector<1x16xf32> to vector<16xf32>
      %swap3A_470 = vector.shape_cast %add3A_465 : vector<16xf32> to vector<1x16xf32>
      tpu.vector_store %arg9[%swap3A_466, %swap3A_467], %swap3A_470 {strides = array<i32>} : memref<800x64xf32, #tpu.memory_space<vmem>>, vector<1x16xf32>,
      %get3A_471 = arith.index_cast %scan3A_368 : i32 to index
      %get3A_472 = arith.constant 32 : index
      %get3A_473 = tpu.vector_load %arg10[%get3A_471, %get3A_472] {strides = array<i32>} : memref<200x64xf32, #tpu.memory_space<vmem>>, vector<1x16xf32>,
      %get3A_474 = vector.shape_cast %get3A_473 : vector<1x16xf32> to vector<16xf32>
      %add3A_475 = arith.constant 0 : i32
      %add3A_476 = arith.addi %add3A_475, %scan3A_368 : i32
      %get3A_477 = arith.index_cast %add3A_476 : i32 to index
      %get3A_478 = arith.constant 32 : index
      %get3A_479 = tpu.vector_load %arg9[%get3A_477, %get3A_478] {strides = array<i32>} : memref<800x64xf32, #tpu.memory_space<vmem>>, vector<1x16xf32>,
      %get3A_480 = vector.shape_cast %get3A_479 : vector<1x16xf32> to vector<16xf32>
      %add3A_481 = arith.addf %get3A_480, %get3A_474 : vector<16xf32>
      %swap3A_482 = arith.index_cast %add3A_476 : i32 to index
      %swap3A_483 = arith.constant 32 : index
      %swap3A_484 = tpu.vector_load %arg9[%swap3A_482, %swap3A_483] {strides = array<i32>} : memref<800x64xf32, #tpu.memory_space<vmem>>, vector<1x16xf32>,
      %swap3A_485 = vector.shape_cast %swap3A_484 : vector<1x16xf32> to vector<16xf32>
      %swap3A_486 = vector.shape_cast %add3A_481 : vector<16xf32> to vector<1x16xf32>
      tpu.vector_store %arg9[%swap3A_482, %swap3A_483], %swap3A_486 {strides = array<i32>} : memref<800x64xf32, #tpu.memory_space<vmem>>, vector<1x16xf32>,
      %add3A_487 = arith.constant 200 : i32
      %add3A_488 = arith.addi %add3A_487, %scan3A_368 : i32
      %get3A_489 = arith.index_cast %add3A_488 : i32 to index
      %get3A_490 = arith.constant 32 : index
      %get3A_491 = tpu.vector_load %arg9[%get3A_489, %get3A_490] {strides = array<i32>} : memref<800x64xf32, #tpu.memory_space<vmem>>, vector<1x16xf32>,
      %get3A_492 = vector.shape_cast %get3A_491 : vector<1x16xf32> to vector<16xf32>
      %add3A_493 = arith.addf %get3A_492, %get3A_474 : vector<16xf32>
      %swap3A_494 = arith.index_cast %add3A_488 : i32 to index
      %swap3A_495 = arith.constant 32 : index
      %swap3A_496 = tpu.vector_load %arg9[%swap3A_494, %swap3A_495] {strides = array<i32>} : memref<800x64xf32, #tpu.memory_space<vmem>>, vector<1x16xf32>,
      %swap3A_497 = vector.shape_cast %swap3A_496 : vector<1x16xf32> to vector<16xf32>
      %swap3A_498 = vector.shape_cast %add3A_493 : vector<16xf32> to vector<1x16xf32>
      tpu.vector_store %arg9[%swap3A_494, %swap3A_495], %swap3A_498 {strides = array<i32>} : memref<800x64xf32, #tpu.memory_space<vmem>>, vector<1x16xf32>,
      %add3A_499 = arith.constant 400 : i32
      %add3A_500 = arith.addi %add3A_499, %scan3A_368 : i32
      %get3A_501 = arith.index_cast %add3A_500 : i32 to index
      %get3A_502 = arith.constant 32 : index
      %get3A_503 = tpu.vector_load %arg9[%get3A_501, %get3A_502] {strides = array<i32>} : memref<800x64xf32, #tpu.memory_space<vmem>>, vector<1x16xf32>,
      %get3A_504 = vector.shape_cast %get3A_503 : vector<1x16xf32> to vector<16xf32>
      %add3A_505 = arith.addf %get3A_504, %get3A_474 : vector<16xf32>
      %swap3A_506 = arith.index_cast %add3A_500 : i32 to index
      %swap3A_507 = arith.constant 32 : index
      %swap3A_508 = tpu.vector_load %arg9[%swap3A_506, %swap3A_507] {strides = array<i32>} : memref<800x64xf32, #tpu.memory_space<vmem>>, vector<1x16xf32>,
      %swap3A_509 = vector.shape_cast %swap3A_508 : vector<1x16xf32> to vector<16xf32>
      %swap3A_510 = vector.shape_cast %add3A_505 : vector<16xf32> to vector<1x16xf32>
      tpu.vector_store %arg9[%swap3A_506, %swap3A_507], %swap3A_510 {strides = array<i32>} : memref<800x64xf32, #tpu.memory_space<vmem>>, vector<1x16xf32>,
      %add3A_511 = arith.constant 600 : i32
      %add3A_512 = arith.addi %add3A_511, %scan3A_368 : i32
      %get3A_513 = arith.index_cast %add3A_512 : i32 to index
      %get3A_514 = arith.constant 32 : index
      %get3A_515 = tpu.vector_load %arg9[%get3A_513, %get3A_514] {strides = array<i32>} : memref<800x64xf32, #tpu.memory_space<vmem>>, vector<1x16xf32>,
      %get3A_516 = vector.shape_cast %get3A_515 : vector<1x16xf32> to vector<16xf32>
      %add3A_517 = arith.addf %get3A_516, %get3A_474 : vector<16xf32>
      %swap3A_518 = arith.index_cast %add3A_512 : i32 to index
      %swap3A_519 = arith.constant 32 : index
      %swap3A_520 = tpu.vector_load %arg9[%swap3A_518, %swap3A_519] {strides = array<i32>} : memref<800x64xf32, #tpu.memory_space<vmem>>, vector<1x16xf32>,
      %swap3A_521 = vector.shape_cast %swap3A_520 : vector<1x16xf32> to vector<16xf32>
      %swap3A_522 = vector.shape_cast %add3A_517 : vector<16xf32> to vector<1x16xf32>
      tpu.vector_store %arg9[%swap3A_518, %swap3A_519], %swap3A_522 {strides = array<i32>} : memref<800x64xf32, #tpu.memory_space<vmem>>, vector<1x16xf32>,
      %get3A_523 = arith.index_cast %scan3A_368 : i32 to index
      %get3A_524 = arith.constant 48 : index
      %get3A_525 = tpu.vector_load %arg10[%get3A_523, %get3A_524] {strides = array<i32>} : memref<200x64xf32, #tpu.memory_space<vmem>>, vector<1x16xf32>,
      %get3A_526 = vector.shape_cast %get3A_525 : vector<1x16xf32> to vector<16xf32>
      %add3A_527 = arith.constant 0 : i32
      %add3A_528 = arith.addi %add3A_527, %scan3A_368 : i32
      %get3A_529 = arith.index_cast %add3A_528 : i32 to index
      %get3A_530 = arith.constant 48 : index
      %get3A_531 = tpu.vector_load %arg9[%get3A_529, %get3A_530] {strides = array<i32>} : memref<800x64xf32, #tpu.memory_space<vmem>>, vector<1x16xf32>,
      %get3A_532 = vector.shape_cast %get3A_531 : vector<1x16xf32> to vector<16xf32>
      %add3A_533 = arith.addf %get3A_532, %get3A_526 : vector<16xf32>
      %swap3A_534 = arith.index_cast %add3A_528 : i32 to index
      %swap3A_535 = arith.constant 48 : index
      %swap3A_536 = tpu.vector_load %arg9[%swap3A_534, %swap3A_535] {strides = array<i32>} : memref<800x64xf32, #tpu.memory_space<vmem>>, vector<1x16xf32>,
      %swap3A_537 = vector.shape_cast %swap3A_536 : vector<1x16xf32> to vector<16xf32>
      %swap3A_538 = vector.shape_cast %add3A_533 : vector<16xf32> to vector<1x16xf32>
      tpu.vector_store %arg9[%swap3A_534, %swap3A_535], %swap3A_538 {strides = array<i32>} : memref<800x64xf32, #tpu.memory_space<vmem>>, vector<1x16xf32>,
      %add3A_539 = arith.constant 200 : i32
      %add3A_540 = arith.addi %add3A_539, %scan3A_368 : i32
      %get3A_541 = arith.index_cast %add3A_540 : i32 to index
      %get3A_542 = arith.constant 48 : index
      %get3A_543 = tpu.vector_load %arg9[%get3A_541, %get3A_542] {strides = array<i32>} : memref<800x64xf32, #tpu.memory_space<vmem>>, vector<1x16xf32>,
      %get3A_544 = vector.shape_cast %get3A_543 : vector<1x16xf32> to vector<16xf32>
      %add3A_545 = arith.addf %get3A_544, %get3A_526 : vector<16xf32>
      %swap3A_546 = arith.index_cast %add3A_540 : i32 to index
      %swap3A_547 = arith.constant 48 : index
      %swap3A_548 = tpu.vector_load %arg9[%swap3A_546, %swap3A_547] {strides = array<i32>} : memref<800x64xf32, #tpu.memory_space<vmem>>, vector<1x16xf32>,
      %swap3A_549 = vector.shape_cast %swap3A_548 : vector<1x16xf32> to vector<16xf32>
      %swap3A_550 = vector.shape_cast %add3A_545 : vector<16xf32> to vector<1x16xf32>
      tpu.vector_store %arg9[%swap3A_546, %swap3A_547], %swap3A_550 {strides = array<i32>} : memref<800x64xf32, #tpu.memory_space<vmem>>, vector<1x16xf32>,
      %add3A_551 = arith.constant 400 : i32
      %add3A_552 = arith.addi %add3A_551, %scan3A_368 : i32
      %get3A_553 = arith.index_cast %add3A_552 : i32 to index
      %get3A_554 = arith.constant 48 : index
      %get3A_555 = tpu.vector_load %arg9[%get3A_553, %get3A_554] {strides = array<i32>} : memref<800x64xf32, #tpu.memory_space<vmem>>, vector<1x16xf32>,
      %get3A_556 = vector.shape_cast %get3A_555 : vector<1x16xf32> to vector<16xf32>
      %add3A_557 = arith.addf %get3A_556, %get3A_526 : vector<16xf32>
      %swap3A_558 = arith.index_cast %add3A_552 : i32 to index
      %swap3A_559 = arith.constant 48 : index
      %swap3A_560 = tpu.vector_load %arg9[%swap3A_558, %swap3A_559] {strides = array<i32>} : memref<800x64xf32, #tpu.memory_space<vmem>>, vector<1x16xf32>,
      %swap3A_561 = vector.shape_cast %swap3A_560 : vector<1x16xf32> to vector<16xf32>
      %swap3A_562 = vector.shape_cast %add3A_557 : vector<16xf32> to vector<1x16xf32>
      tpu.vector_store %arg9[%swap3A_558, %swap3A_559], %swap3A_562 {strides = array<i32>} : memref<800x64xf32, #tpu.memory_space<vmem>>, vector<1x16xf32>,
      %add3A_563 = arith.constant 600 : i32
      %add3A_564 = arith.addi %add3A_563, %scan3A_368 : i32
      %get3A_565 = arith.index_cast %add3A_564 : i32 to index
      %get3A_566 = arith.constant 48 : index
      %get3A_567 = tpu.vector_load %arg9[%get3A_565, %get3A_566] {strides = array<i32>} : memref<800x64xf32, #tpu.memory_space<vmem>>, vector<1x16xf32>,
      %get3A_568 = vector.shape_cast %get3A_567 : vector<1x16xf32> to vector<16xf32>
      %add3A_569 = arith.addf %get3A_568, %get3A_526 : vector<16xf32>
      %swap3A_570 = arith.index_cast %add3A_564 : i32 to index
      %swap3A_571 = arith.constant 48 : index
      %swap3A_572 = tpu.vector_load %arg9[%swap3A_570, %swap3A_571] {strides = array<i32>} : memref<800x64xf32, #tpu.memory_space<vmem>>, vector<1x16xf32>,
      %swap3A_573 = vector.shape_cast %swap3A_572 : vector<1x16xf32> to vector<16xf32>
      %swap3A_574 = vector.shape_cast %add3A_569 : vector<16xf32> to vector<1x16xf32>
      tpu.vector_store %arg9[%swap3A_570, %swap3A_571], %swap3A_574 {strides = array<i32>} : memref<800x64xf32, #tpu.memory_space<vmem>>, vector<1x16xf32>,
    }
    %scan3A_355 = arith.constant 200 : i32
    %add3A_356 = arith.constant 24800 : i32
    %add3A_357 = arith.addi %mul3A_2, %add3A_356 : i32
    %dma_start3A_358 = arith.constant 0 : i32
    %dma_start3A_359 = tpu.memref_slice %arg5[%add3A_357, %dma_start3A_358] : memref<819200x64xf32, #tpu.memory_space<hbm>> -> memref<800x64xf32, #tpu.memory_space<hbm>>
    %dma_start3A_360 = arith.constant 0 : i32
    %dma_start3A_361 = tpu.memref_slice %arg5[%add3A_357, %dma_start3A_360] : memref<819200x64xf32, #tpu.memory_space<hbm>> -> memref<800x64xf32, #tpu.memory_space<hbm>>
    tpu.enqueue_dma source(%arg9 : memref<800x64xf32, #tpu.memory_space<vmem>>) target(%dma_start3A_361 : memref<800x64xf32, #tpu.memory_space<hbm>>) target_semaphore(%arg14 : memref<!tpu.dma_semaphore, #tpu.memory_space<semaphore_mem>>)
    %add3A_362 = arith.constant 24800 : i32
    %add3A_363 = arith.addi %mul3A_2, %add3A_362 : i32
    %dma_wait3A_364 = arith.constant 0 : i32
    %dma_wait3A_365 = tpu.memref_slice %arg5[%add3A_363, %dma_wait3A_364] : memref<819200x64xf32, #tpu.memory_space<hbm>> -> memref<800x64xf32, #tpu.memory_space<hbm>>
    %dma_wait3A_366 = arith.constant 0 : i32
    %dma_wait3A_367 = tpu.memref_slice %arg5[%add3A_363, %dma_wait3A_366] : memref<819200x64xf32, #tpu.memory_space<hbm>> -> memref<800x64xf32, #tpu.memory_space<hbm>>
    tpu.wait_dma2 semaphore(%arg14 : memref<!tpu.dma_semaphore, #tpu.memory_space<semaphore_mem>>) src(%arg9 : memref<800x64xf32, #tpu.memory_space<vmem>>) dst(%dma_wait3A_367 : memref<800x64xf32, #tpu.memory_space<hbm>>)
    return
  }
}

</mosaic_0001>

<sc_bundles>
// kernel: _embed.3.cloned.1.call-start
scs
__scs_entry_jumppad:
0x0: {  	(pc) =	sbr.rel $0x88, $3  }
0x1: {  	(tag) =	ssettag $0x0;
	lr =	simm.s32 $0x1  }
0x2: {  	[smem:$0x3F9E] =	sst lr;
	_ =	strace $0xD0000000  }
0x3: {  	_ = 	snop  }
0x4: {  	_ = 	snop  }
0x5: {  	_ = 	snop  }
0x6: {  	_ = 	snop  }
0x7: {  	_ = 	snop  }
__scs_overlays_trampoline_lowered:
0x8: {  	[smem:$0x3FAD] =	sst s0  }
0x9: {  	[smem:$0x3FAE] =	sst s1  }
0xa: {  	[smem:$0x3FAF] =	sst s2  }
0xb: {  	[smem:$0x3FB0] =	sst s3  }
0xc: {  	[smem:$0x3FB1] =	sst s4  }
0xd: {  	[smem:$0x3FB2] =	sst s5  }
0xe: {  	[smem:$0x3FB3] =	sst s6  }
0xf: {  	[smem:$0x3FB4] =	sst s7  }
0x10: {  	[smem:$0x3FB5] =	sst s8  }
0x11: {  	[smem:$0x3FB6] =	sst s9;
	s0 =	simm.s32 @!p0 $0x0  }
0x12: {  	s1 =	sld [smem:$0x3F9C];
	s0 =	simm.s32 @p0 $0x1  }
0x13: {  	[smem:$0x3FB7] =	sst s0;
	s0 =	simm.s32 @!p1 $0x0  }
0x14: {  	s2 =	sld [smem:$0x3F9B];
	s0 =	simm.s32 @p1 $0x1  }
0x15: {  	[smem:$0x3FB8] =	sst s0;
	s0 =	simm.s32 @!p2 $0x0  }
0x16: {  	s3 =	sld [smem:$0x3FDB];
	s0 =	simm.s32 @p2 $0x1  }
0x17: {  	s4 =	simm.s32 $0x1BF5;
	[smem:$0x3FBA] =	sst s0  }
0x18: {  	s0 =	sld [smem:$0x3F9D];
	_ =	swait.ge [sflag:s4], $0x0  }
0x19: {  	s7 =	sld [smem:$0x3F9E]  }
0x1a: {  	s8 =	sadd.s32 $0xFFFFE003, lr  }
0x1b: {  	s9 =	sadd.s32 $0xFFFFFEF7, lr;
	s5 =	simm.s32 $0xFFFFFFFF;
	p2 =	slt.u32 s8, $0xFFFFF086  }
0x1c: {  	p1 =	slt.u32 s9, $0xF7A;
	s5 =	simm.s32 @!p2 $0x0  }
0x1d: {  	s5 =	simm.s32 @p1 $0x1;
	p0 =	seq.s32 s7, s2  }
0x1e: {  	s7 =	smul.u32 @!p0 $0xF7A, s2;
	p2 =	seq.s32 @!p0 s5, $0x0  }
0x1f: {  	s9 =	smul.u32 $0xF7A, s1;
	s8 =	simm.s32 @!p0 $0x1BF5;
	p2 =	por !p2, p0  }
0x20: {  	[sflag:s8] =	ssyncset.s32 @!p0 $0xFFFFF086;
	s6 =	sadd.s32 @!p0 s3, s7;
	s7 =	simm.s32 @!p0 $0x108  }
0x21: {  	s3 =	sadd.s32 s3, s9;
	s6 =	sadd.s32 @!p0 $0x88, s6;
	s7 =	simm.s32 @p2 $0x1082  }
0x22: {  	[simem:s7], [sflag:s8] =	dma.local @!p0 [hbm:s6], $0xF7A  }
0x23: {  	s9 =	sor.u32 $0xD0000000, s2;
	s6 =	simm.s32 $0x108;
	_ =	swait.ge @!p0 [sflag:s8], $0x0  }
0x24: {  	s3 =	sadd.s32 $0x88, s3;
	s6 =	simm.s32 @!p1 $0x1082;
	[sflag:s4] =	ssyncset.s32 $0xFFFFF086  }
0x25: {  	[simem:s6], [sflag:s4] =	dma.local [hbm:s3], $0xF7A  }
0x26: {  	[smem:$0x3F9E] =	sst s1;
	(tag) =	ssettag s2;
	_ =	strace s9  }
0x27: {  	s1 =	sld [smem:$0x3FAE]  }
0x28: {  	s2 =	sld [smem:$0x3FAF]  }
0x29: {  	s4 =	sld [smem:$0x3FB1]  }
0x2a: {  	p0 =	seq.s32 s5, $0x0;
	s5 =	sld [smem:$0x3FB2]  }
0x2b: {  	s6 =	sld [smem:$0x3FB3]  }
0x2c: {  	s7 =	sld [smem:$0x3FB4]  }
0x2d: {  	s3 =	simm.s32 $0x108;
	s8 =	sld [smem:$0x3FB5]  }
0x2e: {  	s3 =	simm.s32 @!p0 $0x1082;
	s9 =	sld [smem:$0x3FB6]  }
0x2f: {  	lr =	sadd.s32 s0, s3;
	s0 =	sld [smem:$0x3FAD]  }
0x30: {  	s3 =	sld [smem:$0x3FB0]  }
0x31: {  	[smem:$0x3FB9] =	sst s10  }
0x32: {  	s10 =	sld [smem:$0x3FB7];
	_ =	sdelay $0x3  }
0x33: {  	p0 =	seq.s32 s10, $0x1;
	s10 =	sld [smem:$0x3FB9];
	_ =	sdelay $0x3  }
0x34: {  	[smem:$0x3FB9] =	sst s10  }
0x35: {  	s10 =	sld [smem:$0x3FB8];
	_ =	sdelay $0x3  }
0x36: {  	p1 =	seq.s32 s10, $0x1;
	s10 =	sld [smem:$0x3FB9];
	_ =	sdelay $0x3  }
0x37: {  	[smem:$0x3FB9] =	sst s10  }
0x38: {  	s10 =	sld [smem:$0x3FBA]  }
0x39: {  	_ = 	snop;
	(pc) =	sbr.ind lr, $3  }
0x3a: {  	_ = 	snop  }
0x3b: {  	_ = 	snop  }
0x3c: {  	p2 =	seq.s32 s10, $0x1;
	s10 =	sld [smem:$0x3FB9]  }
0x3d: {  	_ =	shalt  }
0x3e: {  	_ =	shalt  }
0x3f: {  	_ =	shalt  }
0x40: {  	_ =	shalt  }
0x41: {  	_ =	shalt  }
0x42: {  	_ =	shalt  }
0x43: {  	_ =	shalt  }
0x44: {  	_ =	shalt  }
0x45: {  	_ =	shalt  }
0x46: {  	_ =	shalt  }
0x47: {  	_ =	shalt  }
0x48: {  	_ =	shalt  }
0x49: {  	_ =	shalt  }
0x4a: {  	_ =	shalt  }
0x4b: {  	_ =	shalt  }
0x4c: {  	_ =	shalt  }
0x4d: {  	_ =	shalt  }
0x4e: {  	_ =	shalt  }
0x4f: {  	_ =	shalt  }
0x50: {  	_ =	shalt  }
0x51: {  	_ =	shalt  }
0x52: {  	_ =	shalt  }
0x53: {  	_ =	shalt  }
0x54: {  	_ =	shalt  }
0x55: {  	_ =	shalt  }
0x56: {  	_ =	shalt  }
0x57: {  	_ =	shalt  }
0x58: {  	_ =	shalt  }
0x59: {  	_ =	shalt  }
0x5a: {  	_ =	shalt  }
0x5b: {  	_ =	shalt  }
0x5c: {  	_ =	shalt  }
0x5d: {  	_ =	shalt  }
0x5e: {  	_ =	shalt  }
0x5f: {  	_ =	shalt  }
0x60: {  	_ =	shalt  }
0x61: {  	_ =	shalt  }
0x62: {  	_ =	shalt  }
0x63: {  	_ =	shalt  }
0x64: {  	_ =	shalt  }
0x65: {  	_ =	shalt  }
0x66: {  	_ =	shalt  }
0x67: {  	_ =	shalt  }
0x68: {  	_ =	shalt  }
0x69: {  	_ =	shalt  }
0x6a: {  	_ =	shalt  }
0x6b: {  	_ =	shalt  }
0x6c: {  	_ =	shalt  }
0x6d: {  	_ =	shalt  }
0x6e: {  	_ =	shalt  }
0x6f: {  	_ =	shalt  }
0x70: {  	_ =	shalt  }
0x71: {  	_ =	shalt  }
0x72: {  	_ =	shalt  }
0x73: {  	_ =	shalt  }
0x74: {  	_ =	shalt  }
0x75: {  	_ =	shalt  }
0x76: {  	_ =	shalt  }
0x77: {  	_ =	shalt  }
0x78: {  	_ =	shalt  }
0x79: {  	_ =	shalt  }
0x7a: {  	_ =	shalt  }
0x7b: {  	_ =	shalt  }
0x7c: {  	_ =	shalt  }
0x7d: {  	_ =	shalt  }
0x7e: {  	_ =	shalt  }
0x7f: {  	_ =	shalt  }
0x80: {  	_ =	shalt  }
0x81: {  	_ =	shalt  }
0x82: {  	_ =	shalt  }
0x83: {  	_ =	shalt  }
0x84: {  	_ =	shalt  }
0x85: {  	_ =	shalt  }
0x86: {  	_ =	shalt  }
0x87: {  	_ =	shalt  }
.Lfunc_end0:
.L_simem_size_0:
called_computation.1_lowered:
.L_overlay_start_0:
0x88: {  	s2 =	sld [smem:$0x3FD9]  }
0x89: {  	s3 =	sld [smem:$0x3FFE];
	_ =	sdelay $0x1  }
0x8a: {  	s1 =	srdreg.scid  }
0x8b: {  	s0 =	sand.u32 $0x1, s1  }
0x8c: {  	s17 =	sshll.u32 s0, $0xA;
	s2 =	sadd.s32 s3, s2  }
0x8d: {  	s2 =	sadd.s32 s2, s17  }
0x8e: {  	[smem:$0x3FC5] =	sst s2  }
0x8f: {  	_ = 	snop  }
0x90: {  	s2 =	sld [smem:$0x3FD0];
	(tm) =	ssettm $0x1  }
0x91: {  	s18 =	sld [smem:$0x3FFB];
	_ =	sdelay $0x3  }
0x92: {  	_ =	strace s18  }
0x93: {  	s3 =	sld [smem:$0x3FFC];
	_ =	sdelay $0x3  }
0x94: {  	_ =	strace s3  }
0x95: {  	s3 =	sld [smem:$0x3FFD];
	_ =	sdelay $0x3  }
0x96: {  	_ =	strace s3  }
0x97: {  	_ =	strace $0x8FFFFFFF  }
0x98: {  	s19 =	sld [smem:$0x3FDB];
	_ =	sdelay $0x1  }
0x99: {  	s4 =	simm.s32 $_scs_section_size  }
0x9a: {  	s5 =	simm.s32 $_size__tile_overlayer_lowered;
	s6 =	simm.s32 $_tile_overlayer_lowered  }
0x9b: {  	s22 =	simm.s32 $0x1BFF;
	s21 =	sshll.u32 s6, $0x1;
	s3 =	sadd.s32 s4, s19  }
0x9c: {  	s7 =	simm.s32 $0x0;
	s20 =	sshll.u32 s5, $0x1;
	s5 =	sadd.s32 s21, s3  }
0x9d: {  	[timem:s7], [sflag:s22] =	dma.local [hbm:s5], s20  }
0x9e: {  	_ =	swait.ge [sflag:s22], s20  }
0x9f: {  	s4 =	ssub.s32 $0x0, s20;
	[sflag:s22] =	ssyncset.done $0x0  }
0xa0: {  	[sflag:s22] =	ssyncadd.s32 s4;
	_ =	sdelay $0x1  }
0xa1: {  	s23 =	simm.s32 $0x1B8B  }
0xa2: {  	_ =	swait.ge [sflag:s23], $0x1  }
0xa3: {  	[sflag:s23] =	ssyncset.done $0x0  }
0xa4: {  	s25 =	simm.s32 $0x1B8E;
	s24 =	sld [smem:$0x3FFE];
	[sflag:s23] =	ssyncadd.s32 $0xFFFFFFFF  }
0xa5: {  	s26 =	simm.s32 $execute0_lowered;
	[smem:$0x3FD2] =	sst s25  }
0xa6: {  	s5 =	sshll.u32 s26, $0x1;
	_ =	strace $0x80000046;
	[dreg:$0x1] =	wrdreg $0xFFFFFFFF  }
0xa7: {  	s28 =	simm.s32 $_size_execute0_lowered;
	s3 =	sadd.s32 s3, s5;
	[dreg:$0x0] =	wrdreg $0x0  }
0xa8: {  	s5 =	sshll.u32 s28, $0x1;
	[dreg:$0x2] =	wrdreg s3  }
0xa9: {  	[dreg:$0x3] =	wrdreg s5  }
0xaa: {  	[dreg:$0x4] =	wrdreg $0xC0  }
0xab: {  	_ =	task [dreg:s7], $0x5FFFF  }
0xac: {  	[dreg:$0x1] =	wrdreg $0xFFFFFFFF  }
0xad: {  	[dreg:$0x0] =	wrdreg $0x60  }
0xae: {  	[dreg:$0x2] =	wrdreg s24  }
0xaf: {  	[dreg:$0x3] =	wrdreg s2  }
0xb0: {  	[dreg:$0x4] =	wrdreg $0x9  }
0xb1: {  	_ =	task.clear_ibuf [dreg:s7], $0x5FFFF;
	_ =	strace $0x90000046  }
0xb2: {  	s29 =	simm.s32 $0x9;
	_ =	strace $0x80000048  }
0xb3: {  	_ =	swait.ge [sflag:s29], $0x1  }
0xb4: {  	[sflag:s29] =	ssyncadd.s32 $0xFFFFFFFF  }
0xb5: {  	_ =	strace $0x90000048  }
0xb6: {  	_ =	sfence  }
0xb7: {  	s30 =	sld [smem:$0x0];
	_ =	sdelay $0x2  }
0xb8: {  	s31 =	sshll.u32 s1, $0xD;
	s1 =	sshrl.u32 s1, $0x2  }
0xb9: {  	s3 =	sand.u32 $0x4000, s31;
	s1 =	sadd.s32 s1, s30  }
0xba: {  	s0 =	sor.u32 s3, s0;
	s1 =	sshll.u32 s1, $0x11  }
0xbb: {  	s0 =	sor.u32 s1, s0  }
0xbc: {  	s0 =	sadd.s32 $0x8F2B, s0  }
0xbd: {  	[sflag:s0] =	ssyncadd.remote.s32 $0x1  }
0xbe: {  	_ =	sfence.sel $0xFFFF  }
0xbf: {  	[dreg:$0x0] =	wrdreg $0xFFFFFFFF;
	(pc) =	sbr.abs _section_cstart, $3  }
0xc0: {  	[dreg:$0x1] =	wrdreg $0xFFFFFFFF  }
0xc1: {  	_ =	task.clear_ibuf [dreg:s7], $0x2FFFF;
	_ =	strace $0x9FFFFFFF  }
0xc2: {  	(tm) =	ssettm $0x7FFFFFFF  }
0xc3: {  	_ =	shalt  }
tec
execute0_lowered:
.L_overlay_start_1:
0x0: {  	(tag) =	ssettag $0x1  }
0x1: {  	s0 =	rddreg [dreg:$0x0]  }
0x2: {  	s2 =	rddreg [dreg:$0x1];
	s1 =	srdreg.scid  }
0x3: {  	s4 =	stileid.u32;
	s3 =	simm.s32 $0x0;
	s17 =	simm.s32 $0x5  }
0x4: {  	s18 =	simm.s32 $0x64;
	s19 =	simm.s32 $0x680;
	s28 =	simm.s32 $0x16480  }
0x5: {  	s29 =	simm.s32 $0x618;
	s30 =	simm.s32 $0x17D80;
	s31 =	simm.s32 $0x1  }
0x6: {  	s16 =	simm.s32 $0x4;
	s1 =	sand.u32 $0x1, s1;
	s4 =	sshll.u32 s4, $0x1  }
0x7: {  	s11 =	simm.s32 $0x0;
	[smem:$0x7FF] =	sst s3;
	s7 =	sor.u32 s1, s4  }
0x8: {  	s6 =	sadd.s32 $0xF43000, s0;
	_ =	strace $0x80000047;
	s5 =	smul.u32 $0x6400, s7  }
0x9: {  	s4 =	sadd.s32 $0xC00, s0;
	s0 =	sadd.s32 $0x1AC00, s0;
	s8 =	smul.u32 $0xD00, s7  }
0xa: {  	s1 =	ssub.s32 $0x2, s1;
	[dreg:$0x3] =	wrdreg s0;
	s10 =	smul.u32 $0x190000, s7  }
0xb: {  	s22 =	sshrl.u32 s1, $0x1;
	s23 =	smul.u32 $0x32000, s7;
	s9 =	sshll.u32 s7, $0x8  }
0xc: {  	s7 =	simm.s32 $0x340;
	s0 =	ssub.s32 s1, s22;
	s13 =	sor.u32 $0x18, s9  }
0xd: {  	s22 =	simm.s32 $0x4E0;
	s8 =	sadd.s32 s4, s8;
	s25 =	sshrl.u32 s10, $0x3  }
0xe: {  	s1 =	sadd.s32 s2, s23;
	s12 =	sor.u32 $0x320, s5;
	s0 =	smax.u32 s0, $0x1  }
0xf: {  	s10 =	simm.s32 $0xCE80;
	s23 =	simm.s32 $0x13280;
	[dreg:$0x4] =	wrdreg s8  }
0x10: {  	s24 =	sadd.s32 $0x68, s8;
	[dreg:$0x6] =	wrdreg s1;
	s26 =	sadd.s32 s2, s25  }
0x11: {  	[dreg:$0x8] =	wrdreg s0;
	s25 =	simm.s32 $0x14B80;
	s0 =	simm.s32 $0x3  }
0x12: {  	[dreg:$0x5] =	wrdreg s24;
	s1 =	sadd.s32 $0x30700, s26;
	s24 =	simm.s32 $0x548  }
0x13: {  	s26 =	simm.s32 $0x5B0;
	[dreg:$0x7] =	wrdreg s1;
	s1 =	simm.s32 $0x2  }
.LBB2_1:
0x14: {  	[dreg:$0x9] =	wrdreg s11  }
0x15: {  	s8 =	rddreg [dreg:$0x3];
	s21 =	simm.s32 $0x19680  }
0x16: {  	[tilespmem:s21], [sflag:$0x5] =	stream.linear.gather [hbm4b:s8+s3], $0x3200, $0x38;
	[tilespmem:$0x1C880] =	vst v63  }
0x17: {  	_ =	swait.ge [sflag:s17], $0x3200  }
0x18: {  	[sflag:s17] =	ssyncset.done $0x0  }
0x19: {  	s11 =	rddreg [dreg:$0x4];
	[sflag:s17] =	ssyncadd.s32 $0xFFFFCE00  }
0x1a: {  	[tilespmem:s3], [sflag:$0x5] =	stream.linear.gather [hbm4b:s11+s3], $0x340, $0x38;
	[tilespmem:$0x1C880] =	vst v63  }
0x1b: {  	_ =	swait.ge [sflag:s17], $0x340  }
0x1c: {  	[sflag:s17] =	ssyncset.done $0x0  }
0x1d: {  	[sflag:s17] =	ssyncadd.s32 $0xFFFFFCC0  }
0x1e: {  	[tilespmem:s19], [sflag:$0x1] =	stream.indirect.gather [hbm4b:s6+s18], $0x40, s3, s18, $0xb8;
	[tilespmem:$0x1C880] =	vst v63  }
0x1f: {  	s14 =	simm.s32 $0x68;
	s15 =	simm.s32 $0x1F80  }
0x20: {  	[tilespmem:s15], [sflag:$0x1] =	stream.indirect.gather [hbm4b:s6+s18], $0x40, s14, s18, $0xb8;
	[tilespmem:$0x1C880] =	vst v63  }
0x21: {  	s20 =	simm.s32 $0xD0;
	s21 =	simm.s32 $0x3880  }
0x22: {  	[tilespmem:s21], [sflag:$0x1] =	stream.indirect.gather [hbm4b:s6+s18], $0x40, s20, s18, $0xb8;
	[tilespmem:$0x1C880] =	vst v63  }
0x23: {  	s14 =	simm.s32 $0x138;
	s15 =	simm.s32 $0x5180  }
0x24: {  	[tilespmem:s15], [sflag:$0x1] =	stream.indirect.gather [hbm4b:s6+s18], $0x40, s14, s18, $0xb8;
	[tilespmem:$0x1C880] =	vst v63  }
0x25: {  	s20 =	simm.s32 $0x1A0;
	s21 =	simm.s32 $0x6A80  }
0x26: {  	[tilespmem:s21], [sflag:$0x1] =	stream.indirect.gather [hbm4b:s6+s18], $0x40, s20, s18, $0xb8;
	[tilespmem:$0x1C880] =	vst v63  }
0x27: {  	s14 =	simm.s32 $0x208;
	s15 =	simm.s32 $0x8380  }
0x28: {  	[tilespmem:s15], [sflag:$0x1] =	stream.indirect.gather [hbm4b:s6+s18], $0x40, s14, s18, $0xb8;
	[tilespmem:$0x1C880] =	vst v63  }
0x29: {  	s20 =	simm.s32 $0x270;
	s21 =	simm.s32 $0x9C80  }
0x2a: {  	[tilespmem:s21], [sflag:$0x1] =	stream.indirect.gather [hbm4b:s6+s18], $0x40, s20, s18, $0xb8;
	[tilespmem:$0x1C880] =	vst v63  }
0x2b: {  	s11 =	simm.s32 $0x2D8;
	s14 =	simm.s32 $0xB580  }
0x2c: {  	[tilespmem:s14], [sflag:$0x1] =	stream.indirect.gather [hbm4b:s6+s18], $0x40, s11, s18, $0xb8;
	[tilespmem:$0x1C880] =	vst v63  }
0x2d: {  	s15 =	rddreg [dreg:$0x5]  }
0x2e: {  	[tilespmem:s7], [sflag:$0x5] =	stream.linear.gather [hbm4b:s15+s3], $0x340, $0x38;
	[tilespmem:$0x1C880] =	vst v63  }
0x2f: {  	_ =	swait.ge [sflag:s17], $0x340  }
0x30: {  	[sflag:s17] =	ssyncset.done $0x0  }
0x31: {  	[sflag:s17] =	ssyncadd.s32 $0xFFFFFCC0  }
0x32: {  	[tilespmem:s10], [sflag:$0x2] =	stream.indirect.gather [hbm4b:s6+s18], $0x40, s7, s18, $0xb8;
	[tilespmem:$0x1C880] =	vst v63  }
0x33: {  	s20 =	simm.s32 $0x3A8;
	s21 =	simm.s32 $0xE780  }
0x34: {  	[tilespmem:s21], [sflag:$0x2] =	stream.indirect.gather [hbm4b:s6+s18], $0x40, s20, s18, $0xb8;
	[tilespmem:$0x1C880] =	vst v63  }
0x35: {  	s14 =	simm.s32 $0x410;
	s15 =	simm.s32 $0x10080  }
0x36: {  	[tilespmem:s15], [sflag:$0x2] =	stream.indirect.gather [hbm4b:s6+s18], $0x40, s14, s18, $0xb8;
	[tilespmem:$0x1C880] =	vst v63  }
0x37: {  	s20 =	simm.s32 $0x478;
	s21 =	simm.s32 $0x11980  }
0x38: {  	[tilespmem:s21], [sflag:$0x2] =	stream.indirect.gather [hbm4b:s6+s18], $0x40, s20, s18, $0xb8;
	[tilespmem:$0x1C880] =	vst v63  }
0x39: {  	_ = 	snop  }
0x3a: {  	[tilespmem:s23], [sflag:$0x2] =	stream.indirect.gather [hbm4b:s6+s18], $0x40, s22, s18, $0xb8;
	[tilespmem:$0x1C880] =	vst v63  }
0x3b: {  	_ = 	snop  }
0x3c: {  	[tilespmem:s25], [sflag:$0x2] =	stream.indirect.gather [hbm4b:s6+s18], $0x40, s24, s18, $0xb8;
	[tilespmem:$0x1C880] =	vst v63  }
0x3d: {  	_ = 	snop  }
0x3e: {  	[tilespmem:s28], [sflag:$0x2] =	stream.indirect.gather [hbm4b:s6+s18], $0x40, s26, s18, $0xb8;
	[tilespmem:$0x1C880] =	vst v63  }
0x3f: {  	_ = 	snop  }
0x40: {  	[tilespmem:s30], [sflag:$0x2] =	stream.indirect.gather [hbm4b:s6+s18], $0x40, s29, s18, $0xb8;
	[tilespmem:$0x1C880] =	vst v63  }
0x41: {  	_ =	swait.ge [sflag:s31], $0x1900  }
0x42: {  	[sflag:s31] =	ssyncset.done $0x0  }
0x43: {  	[sflag:s31] =	ssyncadd.s32 $0xFFFFE700  }
0x44: {  	_ =	swait.ge [sflag:s31], $0x1900  }
0x45: {  	[sflag:s31] =	ssyncset.done $0x0  }
0x46: {  	[sflag:s31] =	ssyncadd.s32 $0xFFFFE700  }
0x47: {  	_ =	swait.ge [sflag:s31], $0x1900  }
0x48: {  	[sflag:s31] =	ssyncset.done $0x0  }
0x49: {  	[sflag:s31] =	ssyncadd.s32 $0xFFFFE700  }
0x4a: {  	_ =	swait.ge [sflag:s31], $0x1900  }
0x4b: {  	[sflag:s31] =	ssyncset.done $0x0  }
0x4c: {  	[sflag:s31] =	ssyncadd.s32 $0xFFFFE700  }
0x4d: {  	_ =	swait.ge [sflag:s31], $0x1900  }
0x4e: {  	[sflag:s31] =	ssyncset.done $0x0  }
0x4f: {  	[sflag:s31] =	ssyncadd.s32 $0xFFFFE700  }
0x50: {  	_ =	swait.ge [sflag:s31], $0x1900  }
0x51: {  	[sflag:s31] =	ssyncset.done $0x0  }
0x52: {  	[sflag:s31] =	ssyncadd.s32 $0xFFFFE700  }
0x53: {  	_ =	swait.ge [sflag:s31], $0x1900  }
0x54: {  	[sflag:s31] =	ssyncset.done $0x0  }
0x55: {  	[sflag:s31] =	ssyncadd.s32 $0xFFFFE700  }
0x56: {  	_ =	swait.ge [sflag:s31], $0x1900  }
0x57: {  	[sflag:s31] =	ssyncset.done $0x0  }
0x58: {  	s8 =	simm.s32 $0x0;
	[sflag:s31] =	ssyncadd.s32 $0xFFFFE700  }
0x59: {  	v2 =	vld [tilespmem:s8+$0x19680]  }
0x5a: {  	v5 =	vld [tilespmem:s8+$0x19690]  }
0x5b: {  	v1 =	vld [tilespmem:s8+$0x196A0]  }
0x5c: {  	v3 =	vld [tilespmem:s8+$0x680]  }
0x5d: {  	v4 =	vld [tilespmem:s8+$0x3880]  }
0x5e: {  	v6 =	vld [tilespmem:s8+$0x6A80]  }
0x5f: {  	v7 =	vld [tilespmem:s8+$0x9C80]  }
0x60: {  	v8 =	vld [tilespmem:s8+$0x690]  }
0x61: {  	v9 =	vld [tilespmem:s8+$0x3890]  }
0x62: {  	v0 =	vld [tilespmem:s8+$0x196B0];
	v3 =	vadd.f32 v3, v2  }
0x63: {  	v11 =	vld [tilespmem:s8+$0x9C90];
	v4 =	vadd.f32 v4, v2  }
0x64: {  	v10 =	vld [tilespmem:s8+$0x6A90];
	[tilespmem:s8+$0x680] =	vst v3;
	v3 =	vadd.f32 v6, v2  }
0x65: {  	[tilespmem:s8+$0x3880] =	vst v4;
	v6 =	vld [tilespmem:s8+$0x6A0];
	v2 =	vadd.f32 v7, v2  }
0x66: {  	v7 =	vld [tilespmem:s8+$0x38A0];
	v4 =	vadd.f32 v8, v5;
	v8 =	vadd.f32 v9, v5;
	[tilespmem:s8+$0x6A80] =	vst v3  }
0x67: {  	[tilespmem:s8+$0x9C80] =	vst v2;
	v3 =	vld [tilespmem:s8+$0x6AA0]  }
0x68: {  	v2 =	vld [tilespmem:s8+$0x9CA0];
	[tilespmem:s8+$0x3890] =	vst v8;
	v8 =	vadd.f32 v11, v5  }
0x69: {  	v9 =	vadd.f32 v10, v5;
	[tilespmem:s8+$0x690] =	vst v4;
	v4 =	vld [tilespmem:s8+$0x6B0]  }
0x6a: {  	v5 =	vld [tilespmem:s8+$0x38B0];
	[tilespmem:s8+$0x9C90] =	vst v8;
	v8 =	vadd.f32 v6, v1  }
0x6b: {  	s11 =	simm.s32 $0x100;
	[tilespmem:s8+$0x6A90] =	vst v9;
	v7 =	vadd.f32 v7, v1;
	v6 =	vld [tilespmem:s8+$0x6AB0]  }
.LBB2_2:
0x6c: {  	s14 =	sshra.s32 s11, $0x2;
	p0 =	sne.s32 s11, $0xC700;
	[tilespmem:s8+$0x6A0] =	vst v8;
	v3 =	vadd.f32 v3, v1;
	v8 =	vld [tilespmem:s8+$0x9CB0]  }
0x6d: {  	v9 =	vld [tilespmem:s14+$0x19680];
	[tilespmem:s8+$0x38A0] =	vst v7;
	v2 =	vadd.f32 v2, v1  }
0x6e: {  	v7 =	vld [tilespmem:s14+$0x19690];
	[tilespmem:s8+$0x6AA0] =	vst v3;
	v3 =	vadd.f32 v4, v0  }
0x6f: {  	v1 =	vld [tilespmem:s14+$0x196A0];
	[tilespmem:s8+$0x9CA0] =	vst v2;
	v2 =	vadd.f32 v5, v0  }
0x70: {  	v4 =	vld [tilespmem:s14+$0x196B0];
	[tilespmem:s8+$0x6B0] =	vst v3;
	v3 =	vadd.f32 v6, v0  }
0x71: {  	v5 =	vld [tilespmem:s14+$0x680];
	[tilespmem:s8+$0x38B0] =	vst v2;
	v0 =	vadd.f32 v8, v0  }
0x72: {  	v2 =	vld [tilespmem:s14+$0x3880];
	[tilespmem:s8+$0x6AB0] =	vst v3  }
0x73: {  	v3 =	vld [tilespmem:s14+$0x6A80];
	[tilespmem:s8+$0x9CB0] =	vst v0;
	s8 =	smov.u32 s14  }
0x74: {  	v6 =	vld [tilespmem:s8+$0x9C80]  }
0x75: {  	v8 =	vld [tilespmem:s8+$0x690];
	v0 =	vmov v4  }
0x76: {  	v4 =	vadd.f32 v5, v9;
	v5 =	vld [tilespmem:s8+$0x3890]  }
0x77: {  	v2 =	vadd.f32 v2, v9;
	v10 =	vld [tilespmem:s8+$0x6A90]  }
0x78: {  	[tilespmem:s8+$0x680] =	vst v4;
	v3 =	vadd.f32 v3, v9;
	v4 =	vld [tilespmem:s8+$0x9C90]  }
0x79: {  	[tilespmem:s8+$0x3880] =	vst v2;
	v2 =	vadd.f32 v6, v9;
	v6 =	vld [tilespmem:s8+$0x6A0]  }
0x7a: {  	[tilespmem:s8+$0x6A80] =	vst v3;
	v8 =	vadd.f32 v8, v7;
	v9 =	vld [tilespmem:s8+$0x38A0]  }
.Ltmp0:
0x7b: {  	[tilespmem:s8+$0x9C80] =	vst v2;
	v5 =	vadd.f32 v5, v7;
	v3 =	vld [tilespmem:s8+$0x6AA0];
	(pc) =	sbr.rel @p0 .LBB2_2-.Ltmp0, $4  }
0x7c: {  	[tilespmem:s8+$0x690] =	vst v8;
	v8 =	vadd.f32 v10, v7;
	v2 =	vld [tilespmem:s8+$0x9CA0]  }
0x7d: {  	[tilespmem:s8+$0x3890] =	vst v5;
	v7 =	vadd.f32 v4, v7;
	v4 =	vld [tilespmem:s8+$0x6B0]  }
0x7e: {  	[tilespmem:s8+$0x6A90] =	vst v8;
	v8 =	vadd.f32 v6, v1;
	v5 =	vld [tilespmem:s8+$0x38B0]  }
0x7f: {  	s11 =	sadd.s32 $0x100, s11;
	[tilespmem:s8+$0x9C90] =	vst v7;
	v7 =	vadd.f32 v9, v1;
	v6 =	vld [tilespmem:s8+$0x6AB0]  }
0x80: {  	[tilespmem:s8+$0x6A0] =	vst v8;
	v3 =	vadd.f32 v3, v1;
	v58 =	vld [tilespmem:s8+$0x9CB0]  }
0x81: {  	[tilespmem:s8+$0x38A0] =	vst v7;
	v59 =	vadd.f32 v2, v1  }
0x82: {  	[tilespmem:s8+$0x6AA0] =	vst v3;
	v60 =	vadd.f32 v4, v0  }
0x83: {  	[tilespmem:s8+$0x9CA0] =	vst v59;
	v61 =	vadd.f32 v5, v0  }
0x84: {  	[tilespmem:s8+$0x6B0] =	vst v60;
	v62 =	vadd.f32 v6, v0  }
0x85: {  	[tilespmem:s8+$0x38B0] =	vst v61;
	v63 =	vadd.f32 v58, v0  }
0x86: {  	[tilespmem:s8+$0x6AB0] =	vst v62  }
0x87: {  	s11 =	simm.s32 $0x0;
	s21 =	rddreg [dreg:$0x6];
	s14 =	simm.s32 $0x0;
	[tilespmem:s8+$0x9CB0] =	vst v63  }
0x88: {  	[hbm4b:s21+s11] =	stream.linear.scatter [tilespmem:s19], [sflag:$0x3], $0xC800, $0x38;
	[tilespmem:$0x1C880] =	vst v63  }
.LBB2_4:
0x89: {  	s8 =	sshll.u32 s14, $0x1  }
0x8a: {  	s15 =	sadd.s32 $0x2, s8  }
0x8b: {  	s8 =	sshll.u32 s15, $0x3  }
0x8c: {  	s8 =	sadd.s32 s9, s8  }
0x8d: {  	_ =	swait.ge [sflag:s0], $0xC800;
	s8 =	smul.u32 $0xD, s8  }
0x8e: {  	[sflag:s0] =	ssyncset.done $0x0  }
0x8f: {  	[sflag:s0] =	ssyncadd.s32 $0xFFFF3800;
	s8 =	sadd.s32 s4, s8  }
0x90: {  	[tilespmem:s11], [sflag:$0x5] =	stream.linear.gather [hbm4b:s8+s11], $0x340, $0x38;
	[tilespmem:$0x1C880] =	vst v63  }
0x91: {  	_ =	swait.ge [sflag:s17], $0x340  }
0x92: {  	[sflag:s17] =	ssyncset.done $0x0  }
0x93: {  	[sflag:s17] =	ssyncadd.s32 $0xFFFFFCC0  }
0x94: {  	[tilespmem:s19], [sflag:$0x1] =	stream.indirect.gather [hbm4b:s6+s18], $0x40, s11, s18, $0xb8;
	[tilespmem:$0x1C880] =	vst v63  }
0x95: {  	s21 =	simm.s32 $0x68;
	s20 =	simm.s32 $0x1F80  }
0x96: {  	[tilespmem:s20], [sflag:$0x1] =	stream.indirect.gather [hbm4b:s6+s18], $0x40, s21, s18, $0xb8;
	[tilespmem:$0x1C880] =	vst v63  }
0x97: {  	s20 =	simm.s32 $0xD0;
	s21 =	simm.s32 $0x3880  }
0x98: {  	[tilespmem:s21], [sflag:$0x1] =	stream.indirect.gather [hbm4b:s6+s18], $0x40, s20, s18, $0xb8;
	[tilespmem:$0x1C880] =	vst v63  }
0x99: {  	s20 =	simm.s32 $0x138;
	s21 =	simm.s32 $0x5180  }
0x9a: {  	[tilespmem:s21], [sflag:$0x1] =	stream.indirect.gather [hbm4b:s6+s18], $0x40, s20, s18, $0xb8;
	[tilespmem:$0x1C880] =	vst v63  }
0x9b: {  	s20 =	simm.s32 $0x1A0;
	s21 =	simm.s32 $0x6A80  }
0x9c: {  	[tilespmem:s21], [sflag:$0x1] =	stream.indirect.gather [hbm4b:s6+s18], $0x40, s20, s18, $0xb8;
	[tilespmem:$0x1C880] =	vst v63  }
0x9d: {  	s20 =	simm.s32 $0x208;
	s21 =	simm.s32 $0x8380  }
0x9e: {  	[tilespmem:s21], [sflag:$0x1] =	stream.indirect.gather [hbm4b:s6+s18], $0x40, s20, s18, $0xb8;
	[tilespmem:$0x1C880] =	vst v63  }
0x9f: {  	s20 =	simm.s32 $0x270;
	s21 =	simm.s32 $0x9C80  }
0xa0: {  	[tilespmem:s21], [sflag:$0x1] =	stream.indirect.gather [hbm4b:s6+s18], $0x40, s20, s18, $0xb8;
	[tilespmem:$0x1C880] =	vst v63  }
0xa1: {  	s20 =	simm.s32 $0x2D8;
	s21 =	simm.s32 $0xB580  }
0xa2: {  	[tilespmem:s21], [sflag:$0x1] =	stream.indirect.gather [hbm4b:s6+s18], $0x40, s20, s18, $0xb8;
	[tilespmem:$0x1C880] =	vst v63  }
0xa3: {  	_ =	swait.ge [sflag:s1], $0x1900  }
0xa4: {  	[sflag:s1] =	ssyncset.done $0x0  }
0xa5: {  	[sflag:s1] =	ssyncadd.s32 $0xFFFFE700  }
0xa6: {  	_ =	swait.ge [sflag:s1], $0x1900  }
0xa7: {  	[sflag:s1] =	ssyncset.done $0x0  }
0xa8: {  	[sflag:s1] =	ssyncadd.s32 $0xFFFFE700  }
0xa9: {  	_ =	swait.ge [sflag:s1], $0x1900  }
0xaa: {  	[sflag:s1] =	ssyncset.done $0x0  }
0xab: {  	[sflag:s1] =	ssyncadd.s32 $0xFFFFE700  }
0xac: {  	_ =	swait.ge [sflag:s1], $0x1900  }
0xad: {  	[sflag:s1] =	ssyncset.done $0x0  }
0xae: {  	[sflag:s1] =	ssyncadd.s32 $0xFFFFE700  }
0xaf: {  	_ =	swait.ge [sflag:s1], $0x1900  }
0xb0: {  	[sflag:s1] =	ssyncset.done $0x0  }
0xb1: {  	[sflag:s1] =	ssyncadd.s32 $0xFFFFE700  }
0xb2: {  	_ =	swait.ge [sflag:s1], $0x1900  }
0xb3: {  	[sflag:s1] =	ssyncset.done $0x0  }
0xb4: {  	[sflag:s1] =	ssyncadd.s32 $0xFFFFE700  }
0xb5: {  	_ =	swait.ge [sflag:s1], $0x1900  }
0xb6: {  	[sflag:s1] =	ssyncset.done $0x0  }
0xb7: {  	[sflag:s1] =	ssyncadd.s32 $0xFFFFE700  }
0xb8: {  	_ =	swait.ge [sflag:s1], $0x1900  }
0xb9: {  	[sflag:s1] =	ssyncset.done $0x0  }
0xba: {  	s8 =	simm.s32 $0x0;
	[sflag:s1] =	ssyncadd.s32 $0xFFFFE700  }
0xbb: {  	v2 =	vld [tilespmem:s8+$0x19680]  }
0xbc: {  	v5 =	vld [tilespmem:s8+$0x19690]  }
0xbd: {  	v1 =	vld [tilespmem:s8+$0x196A0]  }
0xbe: {  	v3 =	vld [tilespmem:s8+$0xCE80]  }
0xbf: {  	v4 =	vld [tilespmem:s8+$0x10080]  }
0xc0: {  	v6 =	vld [tilespmem:s8+$0x13280]  }
0xc1: {  	v7 =	vld [tilespmem:s8+$0x16480]  }
0xc2: {  	v8 =	vld [tilespmem:s8+$0xCE90]  }
0xc3: {  	v9 =	vld [tilespmem:s8+$0x10090]  }
0xc4: {  	v0 =	vld [tilespmem:s8+$0x196B0];
	v3 =	vadd.f32 v3, v2  }
0xc5: {  	v11 =	vld [tilespmem:s8+$0x16490];
	v4 =	vadd.f32 v4, v2  }
0xc6: {  	v10 =	vld [tilespmem:s8+$0x13290];
	[tilespmem:s8+$0xCE80] =	vst v3;
	v3 =	vadd.f32 v6, v2  }
0xc7: {  	[tilespmem:s8+$0x10080] =	vst v4;
	v6 =	vld [tilespmem:s8+$0xCEA0];
	v2 =	vadd.f32 v7, v2  }
0xc8: {  	v7 =	vld [tilespmem:s8+$0x100A0];
	v4 =	vadd.f32 v8, v5;
	v8 =	vadd.f32 v9, v5;
	[tilespmem:s8+$0x13280] =	vst v3  }
0xc9: {  	[tilespmem:s8+$0x16480] =	vst v2;
	v3 =	vld [tilespmem:s8+$0x132A0]  }
0xca: {  	v2 =	vld [tilespmem:s8+$0x164A0];
	[tilespmem:s8+$0x10090] =	vst v8;
	v8 =	vadd.f32 v11, v5  }
0xcb: {  	v9 =	vadd.f32 v10, v5;
	[tilespmem:s8+$0xCE90] =	vst v4;
	v4 =	vld [tilespmem:s8+$0xCEB0]  }
0xcc: {  	v5 =	vld [tilespmem:s8+$0x100B0];
	[tilespmem:s8+$0x16490] =	vst v8;
	v8 =	vadd.f32 v6, v1  }
0xcd: {  	s20 =	simm.s32 $0x100;
	[tilespmem:s8+$0x13290] =	vst v9;
	v7 =	vadd.f32 v7, v1;
	v6 =	vld [tilespmem:s8+$0x132B0]  }
.LBB2_5:
0xce: {  	s21 =	sshra.s32 s20, $0x2;
	p0 =	sne.s32 s20, $0xC700;
	[tilespmem:s8+$0xCEA0] =	vst v8;
	v3 =	vadd.f32 v3, v1;
	v8 =	vld [tilespmem:s8+$0x164B0]  }
0xcf: {  	v9 =	vld [tilespmem:s21+$0x19680];
	[tilespmem:s8+$0x100A0] =	vst v7;
	v2 =	vadd.f32 v2, v1  }
0xd0: {  	v7 =	vld [tilespmem:s21+$0x19690];
	[tilespmem:s8+$0x132A0] =	vst v3;
	v3 =	vadd.f32 v4, v0  }
0xd1: {  	v1 =	vld [tilespmem:s21+$0x196A0];
	[tilespmem:s8+$0x164A0] =	vst v2;
	v2 =	vadd.f32 v5, v0  }
0xd2: {  	v4 =	vld [tilespmem:s21+$0x196B0];
	[tilespmem:s8+$0xCEB0] =	vst v3;
	v3 =	vadd.f32 v6, v0  }
0xd3: {  	v5 =	vld [tilespmem:s21+$0xCE80];
	[tilespmem:s8+$0x100B0] =	vst v2;
	v0 =	vadd.f32 v8, v0  }
0xd4: {  	v2 =	vld [tilespmem:s21+$0x10080];
	[tilespmem:s8+$0x132B0] =	vst v3  }
0xd5: {  	v3 =	vld [tilespmem:s21+$0x13280];
	[tilespmem:s8+$0x164B0] =	vst v0;
	s8 =	smov.u32 s21  }
0xd6: {  	v6 =	vld [tilespmem:s8+$0x16480]  }
0xd7: {  	v8 =	vld [tilespmem:s8+$0xCE90];
	v0 =	vmov v4  }
0xd8: {  	v4 =	vadd.f32 v5, v9;
	v5 =	vld [tilespmem:s8+$0x10090]  }
0xd9: {  	v2 =	vadd.f32 v2, v9;
	v10 =	vld [tilespmem:s8+$0x13290]  }
0xda: {  	[tilespmem:s8+$0xCE80] =	vst v4;
	v3 =	vadd.f32 v3, v9;
	v4 =	vld [tilespmem:s8+$0x16490]  }
0xdb: {  	[tilespmem:s8+$0x10080] =	vst v2;
	v2 =	vadd.f32 v6, v9;
	v6 =	vld [tilespmem:s8+$0xCEA0]  }
0xdc: {  	[tilespmem:s8+$0x13280] =	vst v3;
	v8 =	vadd.f32 v8, v7;
	v9 =	vld [tilespmem:s8+$0x100A0]  }
.Ltmp1:
0xdd: {  	[tilespmem:s8+$0x16480] =	vst v2;
	v5 =	vadd.f32 v5, v7;
	v3 =	vld [tilespmem:s8+$0x132A0];
	(pc) =	sbr.rel @p0 .LBB2_5-.Ltmp1, $4  }
0xde: {  	[tilespmem:s8+$0xCE90] =	vst v8;
	v8 =	vadd.f32 v10, v7;
	v2 =	vld [tilespmem:s8+$0x164A0]  }
0xdf: {  	[tilespmem:s8+$0x10090] =	vst v5;
	v7 =	vadd.f32 v4, v7;
	v4 =	vld [tilespmem:s8+$0xCEB0]  }
0xe0: {  	[tilespmem:s8+$0x13290] =	vst v8;
	v8 =	vadd.f32 v6, v1;
	v5 =	vld [tilespmem:s8+$0x100B0]  }
0xe1: {  	s20 =	sadd.s32 $0x100, s20;
	[tilespmem:s8+$0x16490] =	vst v7;
	v7 =	vadd.f32 v9, v1;
	v6 =	vld [tilespmem:s8+$0x132B0]  }
0xe2: {  	[tilespmem:s8+$0xCEA0] =	vst v8;
	v3 =	vadd.f32 v3, v1;
	v8 =	vld [tilespmem:s8+$0x164B0]  }
0xe3: {  	[tilespmem:s8+$0x100A0] =	vst v7;
	v1 =	vadd.f32 v2, v1  }
0xe4: {  	s20 =	smul.u32 $0x640, s14;
	[tilespmem:s8+$0x132A0] =	vst v3;
	v2 =	vadd.f32 v4, v0  }
0xe5: {  	[tilespmem:s8+$0x164A0] =	vst v1;
	v1 =	vadd.f32 v5, v0  }
0xe6: {  	s20 =	sadd.s32 s20, s12;
	[tilespmem:s8+$0xCEB0] =	vst v2;
	v2 =	vadd.f32 v6, v0  }
0xe7: {  	s20 =	sshll.u32 s20, $0x3;
	[tilespmem:s8+$0x100B0] =	vst v1;
	v0 =	vadd.f32 v8, v0  }
0xe8: {  	s20 =	sand.u32 $0x1FFFFF00, s20;
	[tilespmem:s8+$0x132B0] =	vst v2  }
0xe9: {  	s21 =	sadd.s32 s2, s20;
	s20 =	simm.s32 $0x0;
	[tilespmem:s8+$0x164B0] =	vst v0  }
0xea: {  	[hbm4b:s21+s20] =	stream.linear.scatter [tilespmem:s10], [sflag:$0x4], $0xC800, $0x38;
	[tilespmem:$0x1C880] =	vst v63  }
0xeb: {  	s21 =	sshll.u32 s14, $0x4  }
0xec: {  	s8 =	sadd.s32 s21, s13  }
0xed: {  	_ =	swait.ge [sflag:s16], $0xC800;
	s8 =	smul.u32 $0xD, s8  }
0xee: {  	[sflag:s16] =	ssyncset.done $0x0  }
0xef: {  	[sflag:s16] =	ssyncadd.s32 $0xFFFF3800;
	s8 =	sadd.s32 s4, s8  }
0xf0: {  	[tilespmem:s7], [sflag:$0x5] =	stream.linear.gather [hbm4b:s8+s20], $0x340, $0x38;
	[tilespmem:$0x1C880] =	vst v63  }
0xf1: {  	_ =	swait.ge [sflag:s17], $0x340  }
0xf2: {  	[sflag:s17] =	ssyncset.done $0x0  }
0xf3: {  	[sflag:s17] =	ssyncadd.s32 $0xFFFFFCC0  }
0xf4: {  	[tilespmem:s10], [sflag:$0x2] =	stream.indirect.gather [hbm4b:s6+s18], $0x40, s7, s18, $0xb8;
	[tilespmem:$0x1C880] =	vst v63  }
0xf5: {  	s21 =	simm.s32 $0xE780;
	s20 =	simm.s32 $0x3A8  }
0xf6: {  	[tilespmem:s21], [sflag:$0x2] =	stream.indirect.gather [hbm4b:s6+s18], $0x40, s20, s18, $0xb8;
	[tilespmem:$0x1C880] =	vst v63  }
0xf7: {  	s20 =	simm.s32 $0x410;
	s21 =	simm.s32 $0x10080  }
0xf8: {  	[tilespmem:s21], [sflag:$0x2] =	stream.indirect.gather [hbm4b:s6+s18], $0x40, s20, s18, $0xb8;
	[tilespmem:$0x1C880] =	vst v63  }
0xf9: {  	s20 =	simm.s32 $0x478;
	s21 =	simm.s32 $0x11980  }
0xfa: {  	[tilespmem:s21], [sflag:$0x2] =	stream.indirect.gather [hbm4b:s6+s18], $0x40, s20, s18, $0xb8;
	[tilespmem:$0x1C880] =	vst v63  }
0xfb: {  	_ = 	snop  }
0xfc: {  	[tilespmem:s23], [sflag:$0x2] =	stream.indirect.gather [hbm4b:s6+s18], $0x40, s22, s18, $0xb8;
	[tilespmem:$0x1C880] =	vst v63  }
0xfd: {  	_ = 	snop  }
0xfe: {  	[tilespmem:s25], [sflag:$0x2] =	stream.indirect.gather [hbm4b:s6+s18], $0x40, s24, s18, $0xb8;
	[tilespmem:$0x1C880] =	vst v63  }
0xff: {  	_ = 	snop  }
0x100: {  	[tilespmem:s28], [sflag:$0x2] =	stream.indirect.gather [hbm4b:s6+s18], $0x40, s26, s18, $0xb8;
	[tilespmem:$0x1C880] =	vst v63  }
0x101: {  	_ = 	snop  }
0x102: {  	[tilespmem:s30], [sflag:$0x2] =	stream.indirect.gather [hbm4b:s6+s18], $0x40, s29, s18, $0xb8;
	[tilespmem:$0x1C880] =	vst v63  }
0x103: {  	_ =	swait.ge [sflag:s31], $0x1900  }
0x104: {  	[sflag:s31] =	ssyncset.done $0x0  }
0x105: {  	[sflag:s31] =	ssyncadd.s32 $0xFFFFE700  }
0x106: {  	_ =	swait.ge [sflag:s31], $0x1900  }
0x107: {  	[sflag:s31] =	ssyncset.done $0x0  }
0x108: {  	[sflag:s31] =	ssyncadd.s32 $0xFFFFE700  }
0x109: {  	_ =	swait.ge [sflag:s31], $0x1900  }
0x10a: {  	[sflag:s31] =	ssyncset.done $0x0  }
0x10b: {  	[sflag:s31] =	ssyncadd.s32 $0xFFFFE700  }
0x10c: {  	_ =	swait.ge [sflag:s31], $0x1900  }
0x10d: {  	[sflag:s31] =	ssyncset.done $0x0  }
0x10e: {  	[sflag:s31] =	ssyncadd.s32 $0xFFFFE700  }
0x10f: {  	_ =	swait.ge [sflag:s31], $0x1900  }
0x110: {  	[sflag:s31] =	ssyncset.done $0x0  }
0x111: {  	[sflag:s31] =	ssyncadd.s32 $0xFFFFE700  }
0x112: {  	_ =	swait.ge [sflag:s31], $0x1900  }
0x113: {  	[sflag:s31] =	ssyncset.done $0x0  }
0x114: {  	[sflag:s31] =	ssyncadd.s32 $0xFFFFE700  }
0x115: {  	_ =	swait.ge [sflag:s31], $0x1900  }
0x116: {  	[sflag:s31] =	ssyncset.done $0x0  }
0x117: {  	[sflag:s31] =	ssyncadd.s32 $0xFFFFE700  }
0x118: {  	_ =	swait.ge [sflag:s31], $0x1900  }
0x119: {  	[sflag:s31] =	ssyncset.done $0x0  }
0x11a: {  	s8 =	simm.s32 $0x0;
	[sflag:s31] =	ssyncadd.s32 $0xFFFFE700  }
0x11b: {  	v2 =	vld [tilespmem:s8+$0x19680]  }
0x11c: {  	v5 =	vld [tilespmem:s8+$0x19690]  }
0x11d: {  	v1 =	vld [tilespmem:s8+$0x196A0]  }
0x11e: {  	v3 =	vld [tilespmem:s8+$0x680]  }
0x11f: {  	v4 =	vld [tilespmem:s8+$0x3880]  }
0x120: {  	v6 =	vld [tilespmem:s8+$0x6A80]  }
0x121: {  	v7 =	vld [tilespmem:s8+$0x9C80]  }
0x122: {  	v8 =	vld [tilespmem:s8+$0x690]  }
0x123: {  	v9 =	vld [tilespmem:s8+$0x3890]  }
0x124: {  	v0 =	vld [tilespmem:s8+$0x196B0];
	v3 =	vadd.f32 v3, v2  }
0x125: {  	v11 =	vld [tilespmem:s8+$0x9C90];
	v4 =	vadd.f32 v4, v2  }
0x126: {  	v10 =	vld [tilespmem:s8+$0x6A90];
	[tilespmem:s8+$0x680] =	vst v3;
	v3 =	vadd.f32 v6, v2  }
0x127: {  	[tilespmem:s8+$0x3880] =	vst v4;
	v6 =	vld [tilespmem:s8+$0x6A0];
	v2 =	vadd.f32 v7, v2  }
0x128: {  	v7 =	vld [tilespmem:s8+$0x38A0];
	v4 =	vadd.f32 v8, v5;
	v8 =	vadd.f32 v9, v5;
	[tilespmem:s8+$0x6A80] =	vst v3  }
0x129: {  	[tilespmem:s8+$0x9C80] =	vst v2;
	v3 =	vld [tilespmem:s8+$0x6AA0]  }
0x12a: {  	v2 =	vld [tilespmem:s8+$0x9CA0];
	[tilespmem:s8+$0x3890] =	vst v8;
	v8 =	vadd.f32 v11, v5  }
0x12b: {  	v9 =	vadd.f32 v10, v5;
	[tilespmem:s8+$0x690] =	vst v4;
	v4 =	vld [tilespmem:s8+$0x6B0]  }
0x12c: {  	v5 =	vld [tilespmem:s8+$0x38B0];
	[tilespmem:s8+$0x9C90] =	vst v8;
	v8 =	vadd.f32 v6, v1  }
0x12d: {  	s20 =	simm.s32 $0x100;
	[tilespmem:s8+$0x6A90] =	vst v9;
	v7 =	vadd.f32 v7, v1;
	v6 =	vld [tilespmem:s8+$0x6AB0]  }
.LBB2_7:
0x12e: {  	s21 =	sshra.s32 s20, $0x2;
	p0 =	sne.s32 s20, $0xC700;
	[tilespmem:s8+$0x6A0] =	vst v8;
	v3 =	vadd.f32 v3, v1;
	v8 =	vld [tilespmem:s8+$0x9CB0]  }
0x12f: {  	v9 =	vld [tilespmem:s21+$0x19680];
	[tilespmem:s8+$0x38A0] =	vst v7;
	v2 =	vadd.f32 v2, v1  }
0x130: {  	v7 =	vld [tilespmem:s21+$0x19690];
	[tilespmem:s8+$0x6AA0] =	vst v3;
	v3 =	vadd.f32 v4, v0  }
0x131: {  	v1 =	vld [tilespmem:s21+$0x196A0];
	[tilespmem:s8+$0x9CA0] =	vst v2;
	v2 =	vadd.f32 v5, v0  }
0x132: {  	v4 =	vld [tilespmem:s21+$0x196B0];
	[tilespmem:s8+$0x6B0] =	vst v3;
	v3 =	vadd.f32 v6, v0  }
0x133: {  	v5 =	vld [tilespmem:s21+$0x680];
	[tilespmem:s8+$0x38B0] =	vst v2;
	v0 =	vadd.f32 v8, v0  }
0x134: {  	v2 =	vld [tilespmem:s21+$0x3880];
	[tilespmem:s8+$0x6AB0] =	vst v3  }
0x135: {  	v3 =	vld [tilespmem:s21+$0x6A80];
	[tilespmem:s8+$0x9CB0] =	vst v0;
	s8 =	smov.u32 s21  }
0x136: {  	v6 =	vld [tilespmem:s8+$0x9C80]  }
0x137: {  	v8 =	vld [tilespmem:s8+$0x690];
	v0 =	vmov v4  }
0x138: {  	v4 =	vadd.f32 v5, v9;
	v5 =	vld [tilespmem:s8+$0x3890]  }
0x139: {  	v2 =	vadd.f32 v2, v9;
	v10 =	vld [tilespmem:s8+$0x6A90]  }
0x13a: {  	[tilespmem:s8+$0x680] =	vst v4;
	v3 =	vadd.f32 v3, v9;
	v4 =	vld [tilespmem:s8+$0x9C90]  }
0x13b: {  	[tilespmem:s8+$0x3880] =	vst v2;
	v2 =	vadd.f32 v6, v9;
	v6 =	vld [tilespmem:s8+$0x6A0]  }
0x13c: {  	[tilespmem:s8+$0x6A80] =	vst v3;
	v8 =	vadd.f32 v8, v7;
	v9 =	vld [tilespmem:s8+$0x38A0]  }
.Ltmp2:
0x13d: {  	[tilespmem:s8+$0x9C80] =	vst v2;
	v5 =	vadd.f32 v5, v7;
	v3 =	vld [tilespmem:s8+$0x6AA0];
	(pc) =	sbr.rel @p0 .LBB2_7-.Ltmp2, $4  }
0x13e: {  	[tilespmem:s8+$0x690] =	vst v8;
	v8 =	vadd.f32 v10, v7;
	v2 =	vld [tilespmem:s8+$0x9CA0]  }
0x13f: {  	[tilespmem:s8+$0x3890] =	vst v5;
	v7 =	vadd.f32 v4, v7;
	v4 =	vld [tilespmem:s8+$0x6B0]  }
0x140: {  	[tilespmem:s8+$0x6A90] =	vst v8;
	v8 =	vadd.f32 v6, v1;
	v5 =	vld [tilespmem:s8+$0x38B0]  }
0x141: {  	s20 =	sadd.s32 $0x100, s20;
	[tilespmem:s8+$0x9C90] =	vst v7;
	v7 =	vadd.f32 v9, v1;
	v6 =	vld [tilespmem:s8+$0x6AB0]  }
0x142: {  	[tilespmem:s8+$0x6A0] =	vst v8;
	v3 =	vadd.f32 v3, v1;
	v58 =	vld [tilespmem:s8+$0x9CB0]  }
0x143: {  	[tilespmem:s8+$0x38A0] =	vst v7;
	v59 =	vadd.f32 v2, v1  }
0x144: {  	s15 =	smul.u32 $0x320, s15;
	s14 =	sadd.s32 $0x1, s14;
	[tilespmem:s8+$0x6AA0] =	vst v3;
	v60 =	vadd.f32 v4, v0  }
0x145: {  	p0 =	sne.s32 s14, $0xF;
	[tilespmem:s8+$0x9CA0] =	vst v59;
	v61 =	vadd.f32 v5, v0  }
.Ltmp3:
0x146: {  	s15 =	sadd.s32 s5, s15;
	[tilespmem:s8+$0x6B0] =	vst v60;
	v62 =	vadd.f32 v6, v0;
	(pc) =	sbr.rel @p0 .LBB2_4-.Ltmp3, $4  }
0x147: {  	s15 =	sshll.u32 s15, $0x3;
	[tilespmem:s8+$0x38B0] =	vst v61;
	v63 =	vadd.f32 v58, v0  }
0x148: {  	s15 =	sand.u32 $0x1FFFFE00, s15;
	[tilespmem:s8+$0x6AB0] =	vst v62  }
0x149: {  	s21 =	sadd.s32 s2, s15;
	[tilespmem:s8+$0x9CB0] =	vst v63  }
0x14a: {  	[hbm4b:s21+s3] =	stream.linear.scatter [tilespmem:s19], [sflag:$0x3], $0xC800, $0x38;
	[tilespmem:$0x1C880] =	vst v63  }
0x14b: {  	_ =	swait.ge [sflag:s0], $0xC800  }
0x14c: {  	[sflag:s0] =	ssyncset.done $0x0  }
0x14d: {  	[sflag:s0] =	ssyncadd.s32 $0xFFFF3800  }
0x14e: {  	_ =	swait.ge [sflag:s1], $0x1900  }
0x14f: {  	[sflag:s1] =	ssyncset.done $0x0  }
0x150: {  	[sflag:s1] =	ssyncadd.s32 $0xFFFFE700  }
0x151: {  	_ =	swait.ge [sflag:s1], $0x1900  }
0x152: {  	[sflag:s1] =	ssyncset.done $0x0  }
0x153: {  	[sflag:s1] =	ssyncadd.s32 $0xFFFFE700  }
0x154: {  	_ =	swait.ge [sflag:s1], $0x1900  }
0x155: {  	[sflag:s1] =	ssyncset.done $0x0  }
0x156: {  	[sflag:s1] =	ssyncadd.s32 $0xFFFFE700  }
0x157: {  	_ =	swait.ge [sflag:s1], $0x1900  }
0x158: {  	[sflag:s1] =	ssyncset.done $0x0  }
0x159: {  	[sflag:s1] =	ssyncadd.s32 $0xFFFFE700  }
0x15a: {  	_ =	swait.ge [sflag:s1], $0x1900  }
0x15b: {  	[sflag:s1] =	ssyncset.done $0x0  }
0x15c: {  	[sflag:s1] =	ssyncadd.s32 $0xFFFFE700  }
0x15d: {  	_ =	swait.ge [sflag:s1], $0x1900  }
0x15e: {  	[sflag:s1] =	ssyncset.done $0x0  }
0x15f: {  	[sflag:s1] =	ssyncadd.s32 $0xFFFFE700  }
0x160: {  	_ =	swait.ge [sflag:s1], $0x1900  }
0x161: {  	[sflag:s1] =	ssyncset.done $0x0  }
0x162: {  	[sflag:s1] =	ssyncadd.s32 $0xFFFFE700  }
0x163: {  	_ =	swait.ge [sflag:s1], $0x1900  }
0x164: {  	[sflag:s1] =	ssyncset.done $0x0  }
0x165: {  	s8 =	simm.s32 $0x0;
	[sflag:s1] =	ssyncadd.s32 $0xFFFFE700  }
0x166: {  	v2 =	vld [tilespmem:s8+$0x19680]  }
0x167: {  	v5 =	vld [tilespmem:s8+$0x19690]  }
0x168: {  	v1 =	vld [tilespmem:s8+$0x196A0]  }
0x169: {  	v3 =	vld [tilespmem:s8+$0xCE80]  }
0x16a: {  	v4 =	vld [tilespmem:s8+$0x10080]  }
0x16b: {  	v6 =	vld [tilespmem:s8+$0x13280]  }
0x16c: {  	v7 =	vld [tilespmem:s8+$0x16480]  }
0x16d: {  	v8 =	vld [tilespmem:s8+$0xCE90]  }
0x16e: {  	v9 =	vld [tilespmem:s8+$0x10090]  }
0x16f: {  	v0 =	vld [tilespmem:s8+$0x196B0];
	v3 =	vadd.f32 v3, v2  }
0x170: {  	v11 =	vld [tilespmem:s8+$0x16490];
	v4 =	vadd.f32 v4, v2  }
0x171: {  	v10 =	vld [tilespmem:s8+$0x13290];
	[tilespmem:s8+$0xCE80] =	vst v3;
	v3 =	vadd.f32 v6, v2  }
0x172: {  	[tilespmem:s8+$0x10080] =	vst v4;
	v6 =	vld [tilespmem:s8+$0xCEA0];
	v2 =	vadd.f32 v7, v2  }
0x173: {  	v7 =	vld [tilespmem:s8+$0x100A0];
	v4 =	vadd.f32 v8, v5;
	v8 =	vadd.f32 v9, v5;
	[tilespmem:s8+$0x13280] =	vst v3  }
0x174: {  	[tilespmem:s8+$0x16480] =	vst v2;
	v3 =	vld [tilespmem:s8+$0x132A0]  }
0x175: {  	v2 =	vld [tilespmem:s8+$0x164A0];
	[tilespmem:s8+$0x10090] =	vst v8;
	v8 =	vadd.f32 v11, v5  }
0x176: {  	v9 =	vadd.f32 v10, v5;
	[tilespmem:s8+$0xCE90] =	vst v4;
	v4 =	vld [tilespmem:s8+$0xCEB0]  }
0x177: {  	v5 =	vld [tilespmem:s8+$0x100B0];
	[tilespmem:s8+$0x16490] =	vst v8;
	v8 =	vadd.f32 v6, v1  }
0x178: {  	s11 =	simm.s32 $0x100;
	[tilespmem:s8+$0x13290] =	vst v9;
	v7 =	vadd.f32 v7, v1;
	v6 =	vld [tilespmem:s8+$0x132B0]  }
.LBB2_10:
0x179: {  	s14 =	sshra.s32 s11, $0x2;
	p0 =	sne.s32 s11, $0xC700;
	[tilespmem:s8+$0xCEA0] =	vst v8;
	v3 =	vadd.f32 v3, v1;
	v8 =	vld [tilespmem:s8+$0x164B0]  }
0x17a: {  	v9 =	vld [tilespmem:s14+$0x19680];
	[tilespmem:s8+$0x100A0] =	vst v7;
	v2 =	vadd.f32 v2, v1  }
0x17b: {  	v7 =	vld [tilespmem:s14+$0x19690];
	[tilespmem:s8+$0x132A0] =	vst v3;
	v3 =	vadd.f32 v4, v0  }
0x17c: {  	v1 =	vld [tilespmem:s14+$0x196A0];
	[tilespmem:s8+$0x164A0] =	vst v2;
	v2 =	vadd.f32 v5, v0  }
0x17d: {  	v4 =	vld [tilespmem:s14+$0x196B0];
	[tilespmem:s8+$0xCEB0] =	vst v3;
	v3 =	vadd.f32 v6, v0  }
0x17e: {  	v5 =	vld [tilespmem:s14+$0xCE80];
	[tilespmem:s8+$0x100B0] =	vst v2;
	v0 =	vadd.f32 v8, v0  }
0x17f: {  	v2 =	vld [tilespmem:s14+$0x10080];
	[tilespmem:s8+$0x132B0] =	vst v3  }
0x180: {  	v3 =	vld [tilespmem:s14+$0x13280];
	[tilespmem:s8+$0x164B0] =	vst v0;
	s8 =	smov.u32 s14  }
0x181: {  	v6 =	vld [tilespmem:s8+$0x16480]  }
0x182: {  	v8 =	vld [tilespmem:s8+$0xCE90];
	v0 =	vmov v4  }
0x183: {  	v4 =	vadd.f32 v5, v9;
	v5 =	vld [tilespmem:s8+$0x10090]  }
0x184: {  	v2 =	vadd.f32 v2, v9;
	v10 =	vld [tilespmem:s8+$0x13290]  }
0x185: {  	[tilespmem:s8+$0xCE80] =	vst v4;
	v3 =	vadd.f32 v3, v9;
	v4 =	vld [tilespmem:s8+$0x16490]  }
0x186: {  	[tilespmem:s8+$0x10080] =	vst v2;
	v2 =	vadd.f32 v6, v9;
	v6 =	vld [tilespmem:s8+$0xCEA0]  }
0x187: {  	[tilespmem:s8+$0x13280] =	vst v3;
	v8 =	vadd.f32 v8, v7;
	v9 =	vld [tilespmem:s8+$0x100A0]  }
.Ltmp4:
0x188: {  	[tilespmem:s8+$0x16480] =	vst v2;
	v5 =	vadd.f32 v5, v7;
	v3 =	vld [tilespmem:s8+$0x132A0];
	(pc) =	sbr.rel @p0 .LBB2_10-.Ltmp4, $4  }
0x189: {  	[tilespmem:s8+$0xCE90] =	vst v8;
	v8 =	vadd.f32 v10, v7;
	v2 =	vld [tilespmem:s8+$0x164A0]  }
0x18a: {  	[tilespmem:s8+$0x10090] =	vst v5;
	v7 =	vadd.f32 v4, v7;
	v4 =	vld [tilespmem:s8+$0xCEB0]  }
0x18b: {  	[tilespmem:s8+$0x13290] =	vst v8;
	v8 =	vadd.f32 v6, v1;
	v5 =	vld [tilespmem:s8+$0x100B0]  }
0x18c: {  	s11 =	sadd.s32 $0x100, s11;
	[tilespmem:s8+$0x16490] =	vst v7;
	v7 =	vadd.f32 v9, v1;
	v6 =	vld [tilespmem:s8+$0x132B0]  }
0x18d: {  	[tilespmem:s8+$0xCEA0] =	vst v8;
	v3 =	vadd.f32 v3, v1;
	v58 =	vld [tilespmem:s8+$0x164B0]  }
0x18e: {  	[tilespmem:s8+$0x100A0] =	vst v7;
	v59 =	vadd.f32 v2, v1  }
0x18f: {  	[tilespmem:s8+$0x132A0] =	vst v3;
	v60 =	vadd.f32 v4, v0  }
0x190: {  	[tilespmem:s8+$0x164A0] =	vst v59;
	v61 =	vadd.f32 v5, v0  }
0x191: {  	[tilespmem:s8+$0xCEB0] =	vst v60;
	v62 =	vadd.f32 v6, v0  }
0x192: {  	[tilespmem:s8+$0x100B0] =	vst v61;
	v63 =	vadd.f32 v58, v0  }
0x193: {  	[tilespmem:s8+$0x132B0] =	vst v62  }
0x194: {  	s20 =	rddreg [dreg:$0x7];
	[tilespmem:s8+$0x164B0] =	vst v63  }
0x195: {  	[hbm4b:s20+s3] =	stream.linear.scatter [tilespmem:s10], [sflag:$0x4], $0xC800, $0x38;
	[tilespmem:$0x1C880] =	vst v63  }
0x196: {  	_ =	swait.ge [sflag:s16], $0xC800  }
0x197: {  	s11 =	rddreg [dreg:$0x9]  }
0x198: {  	s21 =	rddreg [dreg:$0x8];
	s11 =	sadd.s32 $0x1, s11  }
0x199: {  	p0 =	sne.s32 s11, s21  }
.Ltmp5:
0x19a: {  	_ = 	snop;
	(pc) =	sbr.rel @p0 .LBB2_1-.Ltmp5, $3  }
0x19b: {  	_ =	sdelay $0x1  }
0x19c: {  	[sflag:s16] =	ssyncset.done $0x0  }
0x19d: {  	[sflag:s16] =	ssyncadd.s32 $0xFFFF3800  }
0x19e: {  	_ =	sfence.sel $0x180000  }
0x19f: {  	[bflag:$0x0] =	sbarrier.arrive $0xFFFF  }
0x1a0: {  	_ =	strace $0x90000047  }
0x1a1: {  	s0 =	stileid.u32;
	[bflag:$0x2] =	sbarrier.arrive $0xFFFF  }
0x1a2: {  	p0 =	sne.s32 s0, $0x0;
	s0 =	rddreg [dreg:$0x2]  }
0x1a3: {  	s0 =	sadd.s32 @!p0 $0x100000, s0  }
0x1a4: {  	[sflag:s0] =	ssyncadd.tile.s32 @!p0 $0x1;
	_ =	shalt  }
.Lfunc_end2:
_tile_overlayer_lowered:
.L_overlay_start_2:
0x1a5: {  	(tag) =	ssettag $0x2  }
0x1a6: {  	s0 =	rddreg [dreg:$0x0];
	s2 =	stileid.u32  }
0x1a7: {  	s1 =	rddreg [dreg:$0x1];
	p0 =	sne.s32 s2, $0x0  }
0x1a8: {  	s3 =	rddreg [dreg:$0x2];
	[bflag:$0x3] =	sbarrier.arrive $0xFFFF;
	s2 =	simm.s32 @!p0 $0x1C05  }
0x1a9: {  	[timem:s3], [sflag:s2] =	dma.local @!p0 [hbm:s0], s1  }
0x1aa: {  	s0 =	simm.s32 @!p0 $0x5  }
0x1ab: {  	_ =	swait.ge @!p0 [sflag:s0], s1  }
0x1ac: {  	s1 =	ssub.s32 @!p0 $0x0, s1;
	[sflag:s0] =	ssyncset.done @!p0 $0x0  }
0x1ad: {  	[sflag:s0] =	ssyncadd.s32 @!p0 s1  }
0x1ae: {  	[bflag:$0x3] =	sbarrier.arrive $0xFFFF  }
0x1af: {  	_ =	shalt  }

// kernel: sparse-core-data-format-call.cloned.1.call-start
scs
called_computation_lowered:
.L_overlay_start_0:
0x0: {  	s2 =	sld [smem:$0x3FD9]  }
0x1: {  	s3 =	sld [smem:$0x3FFE];
	_ =	sdelay $0x1  }
0x2: {  	s1 =	srdreg.scid  }
0x3: {  	s0 =	sand.u32 $0x1, s1  }
0x4: {  	s18 =	sshll.u32 s0, $0xA;
	s2 =	sadd.s32 s3, s2  }
0x5: {  	s2 =	sadd.s32 s2, s18  }
0x6: {  	[smem:$0x3FC5] =	sst s2  }
0x7: {  	_ = 	snop  }
0x8: {  	s2 =	sld [smem:$0x3FD0];
	(tm) =	ssettm $0x1  }
0x9: {  	s19 =	sld [smem:$0x3FFB];
	_ =	sdelay $0x3  }
0xa: {  	_ =	strace s19  }
0xb: {  	s3 =	sld [smem:$0x3FFC];
	_ =	sdelay $0x3  }
0xc: {  	_ =	strace s3  }
0xd: {  	s3 =	sld [smem:$0x3FFD];
	_ =	sdelay $0x3  }
0xe: {  	_ =	strace s3  }
0xf: {  	_ =	strace $0x8FFFFFFF  }
0x10: {  	s20 =	sld [smem:$0x3FDB];
	_ =	sdelay $0x1  }
0x11: {  	s4 =	simm.s32 $_scs_section_size  }
0x12: {  	s5 =	simm.s32 $_size__tile_overlayer_lowered;
	s6 =	simm.s32 $_tile_overlayer_lowered  }
0x13: {  	s23 =	simm.s32 $0x1BFF;
	s22 =	sshll.u32 s6, $0x1;
	s3 =	sadd.s32 s4, s20  }
0x14: {  	s7 =	simm.s32 $0x0;
	s21 =	sshll.u32 s5, $0x1;
	s5 =	sadd.s32 s22, s3  }
0x15: {  	[timem:s7], [sflag:s23] =	dma.local [hbm:s5], s21  }
0x16: {  	_ =	swait.ge [sflag:s23], s21  }
0x17: {  	s4 =	ssub.s32 $0x0, s21;
	[sflag:s23] =	ssyncset.done $0x0  }
0x18: {  	[sflag:s23] =	ssyncadd.s32 s4;
	_ =	sdelay $0x1  }
0x19: {  	s24 =	simm.s32 $0x1B8B  }
0x1a: {  	_ =	swait.ge [sflag:s24], $0x1  }
0x1b: {  	[sflag:s24] =	ssyncset.done $0x0  }
0x1c: {  	s26 =	simm.s32 $0x1B8E;
	s25 =	sld [smem:$0x3FFE];
	[sflag:s24] =	ssyncadd.s32 $0xFFFFFFFF  }
0x1d: {  	s27 =	simm.s32 $execute0_lowered;
	[smem:$0x3FD2] =	sst s26  }
0x1e: {  	s5 =	sshll.u32 s27, $0x1;
	_ =	strace $0x80000049;
	[dreg:$0x1] =	wrdreg $0xFFFFFFFF  }
0x1f: {  	s28 =	simm.s32 $_size_execute0_lowered;
	s3 =	sadd.s32 s3, s5;
	[dreg:$0x0] =	wrdreg $0x0  }
0x20: {  	s5 =	sshll.u32 s28, $0x1;
	[dreg:$0x2] =	wrdreg s3  }
0x21: {  	[dreg:$0x3] =	wrdreg s5  }
0x22: {  	[dreg:$0x4] =	wrdreg $0xC0  }
0x23: {  	_ =	task [dreg:s7], $0x5FFFF  }
0x24: {  	[dreg:$0x1] =	wrdreg $0xFFFFFFFF  }
0x25: {  	[dreg:$0x0] =	wrdreg $0x60  }
0x26: {  	[dreg:$0x2] =	wrdreg s25  }
0x27: {  	[dreg:$0x3] =	wrdreg s2  }
0x28: {  	[dreg:$0x4] =	wrdreg $0x9  }
0x29: {  	_ =	task.clear_ibuf [dreg:s7], $0x5FFFF;
	_ =	strace $0x90000049  }
0x2a: {  	s29 =	simm.s32 $0x9;
	_ =	strace $0x8000004B  }
0x2b: {  	_ =	swait.ge [sflag:s29], $0x1  }
0x2c: {  	[sflag:s29] =	ssyncadd.s32 $0xFFFFFFFF  }
0x2d: {  	_ =	strace $0x9000004B  }
0x2e: {  	_ =	sfence  }
0x2f: {  	s30 =	sld [smem:$0x0];
	_ =	sdelay $0x2  }
0x30: {  	s31 =	sshll.u32 s1, $0xD;
	s1 =	sshrl.u32 s1, $0x2  }
0x31: {  	s3 =	sand.u32 $0x4000, s31;
	s1 =	sadd.s32 s1, s30  }
0x32: {  	s0 =	sor.u32 s3, s0;
	s1 =	sshll.u32 s1, $0x11  }
0x33: {  	s0 =	sor.u32 s1, s0  }
0x34: {  	s0 =	sadd.s32 $0x8F2B, s0  }
0x35: {  	[sflag:s0] =	ssyncadd.remote.s32 $0x1  }
0x36: {  	_ =	sfence.sel $0xFFFF  }
0x37: {  	[dreg:$0x0] =	wrdreg $0xFFFFFFFF;
	(pc) =	sbr.abs _section_cstart, $3  }
0x38: {  	[dreg:$0x1] =	wrdreg $0xFFFFFFFF  }
0x39: {  	_ =	task.clear_ibuf [dreg:s7], $0x2FFFF;
	_ =	strace $0x9FFFFFFF  }
0x3a: {  	(tm) =	ssettm $0x7FFFFFFF  }
0x3b: {  	_ =	shalt  }
tec
execute0_lowered:
.L_overlay_start_1:
0x0: {  	(tag) =	ssettag $0x1  }
0x1: {  	s0 =	srdreg.scid  }
0x2: {  	s1 =	sshll.u32 s0, $0x4  }
0x3: {  	s4 =	rddreg [dreg:$0x0];
	s0 =	stileid.u32;
	s1 =	sand.u32 $0x10, s1  }
0x4: {  	s2 =	rddreg [dreg:$0x1];
	s7 =	simm.s32 $0x1;
	s1 =	sor.u32 s0, s1  }
0x5: {  	s8 =	simm.s32 $0x2;
	s11 =	simm.s32 $0x0;
	s3 =	sshll.u32 s1, $0x7  }
0x6: {  	s10 =	simm.s32 $0x0;
	s4 =	sadd.s32 $0xC00, s4;
	s6 =	ssub.s32 $0xC8000, s3  }
.Ltmp0:
0x7: {  	s1 =	rddreg [dreg:$0x2];
	s5 =	sand.u32 $0xF80, s6;
	(pc) =	sbr.rel .LBB1_1-.Ltmp0, $4  }
0x8: {  	_ =	strace $0x8000004A;
	s9 =	smov.u32 s3;
	p0 =	sne.s32 s5, $0x0  }
0x9: {  	s6 =	sshrl.u32 s6, $0xC;
	s5 =	simm.s32 $0x1;
	s7 =	simm.s32 @!p0 $0x0  }
0xa: {  	[sflag:s5] =	ssyncpa.u1 $0x0;
	p0 =	por $0x0, $0x0;
	s6 =	sadd.s32 s7, s6  }
0xb: {  	[sflag:s8] =	ssyncpa.u1 $0x0;
	s8 =	simm.s32 $0x640000;
	s7 =	sadd.s32 $0x1, s6  }
.LBB1_4:
0xc: {  	s14 =	sshll.u32 s11, $0x3  }
0xd: {  	s30 =	sand.u32 $0x7F, s11;
	s15 =	sand.u32 $0xFFFFFC00, s14  }
0xe: {  	s11 =	sor.u32 s30, s15  }
0xf: {  	s15 =	smulhi.u32 $0x51EB851F, s11  }
0x10: {  	s14 =	smulhi.u32 $0x51EB851F, s14  }
0x11: {  	s15 =	sshrl.u32 s15, $0x12  }
0x12: {  	s14 =	sshrl.u32 s14, $0x12;
	s15 =	smul.u32 $0xC8000, s15  }
0x13: {  	s14 =	sand.u32 $0x3F, s14  }
0x14: {  	s14 =	smul.u32 $0x19000, s14;
	s11 =	ssub.s32 s11, s15  }
0x15: {  	[tilespmem:s13+$0x810 ss:$0x81] =	vst.msk $0xffff, v2;
	s15 =	sand.u32 $0x7, s11  }
0x16: {  	[tilespmem:s13+$0x1020 ss:$0x81] =	vst.msk $0xffff, v0;
	s14 =	sadd.s32 s2, s14;
	s11 =	sshrl.u32 s11, $0x3;
	s15 =	sshll.u32 s15, $0x12  }
0x17: {  	[tilespmem:s13+$0x0 ss:$0x81] =	vst.msk $0xffff, v1;
	s11 =	sadd.s32 s11, s14;
	s31 =	sor.u32 $0x400, s15  }
0x18: {  	[hbm4b:s11+s31] =	stream.strided.scatter [tilespmem:s12], [sflag:$0x2], $0x2000, s8, s31, $0x20;
	[tilespmem:$0x8080] =	vst v63  }
.LBB1_5:
0x19: {  	s13 =	sadd.s32 $0x1000, s9  }
0x1a: {  	p2 =	sgt.s32 s13, $0xC7FFF  }
0x1b: {  	s13 =	smov.u32 @p2 s3;
	p2 =	sne.s32 s10, s7  }
.Ltmp1:
0x1c: {  	p1 =	slt.u32 s10, $0x2;
	(pc) =	sbr.rel @!p2 .LBB1_6-.Ltmp1, $4  }
0x1d: {  	s12 =	simm.s32 @!p1 $0x2  }
0x1e: {  	s14 =	sadd.s32 $0x1, s10;
	_ =	swait.ge @!p1 [sflag:s12], $0x2000  }
0x1f: {  	s11 =	smov.u32 s9;
	p0 =	por !p0, !p0;
	[sflag:s12] =	ssyncset.done @!p1 $0x0  }
0x20: {  	s10 =	smov.u32 s14;
	s9 =	smov.u32 s13;
	[sflag:s12] =	ssyncadd.s32 @!p1 $0xFFFFE000  }
.LBB1_1:
0x21: {  	p1 =	sge.u32 s10, s6  }
0x22: {  	s12 =	sand.u32 @!p1 $0x1FFFFFF, s9  }
0x23: {  	s13 =	smulhi.u32 @!p1 $0x147AE15, s12;
	_ =	sdelay $0x1  }
0x24: {  	s13 =	sshrl.u32 @!p1 s13, $0xC  }
0x25: {  	s13 =	smul.u32 @!p1 $0xC8000, s13;
	_ =	sdelay $0x1  }
0x26: {  	s31 =	sadd.s32 $0xFFFFFFFF, s10;
	s14 =	sxor.u32 @!p1 $0xFFFFFFFF, s10;
	s12 =	ssub.s32 @!p1 s12, s13  }
0x27: {  	s15 =	simm.s32 @!p1 $0x80;
	s14 =	sshll.u32 @!p1 s14, $0xD;
	s12 =	sshll.u32 @!p1 s12, $0x4  }
0x28: {  	s13 =	sand.u32 @!p1 $0x2000, s14;
	s14 =	simm.s32 @!p1 $0x40;
	s12 =	sadd.s32 @!p1 s4, s12  }
0x29: {  	[tilespmem:s13], [sflag:$0x1] =	stream.strided.gather @!p1 [hbm4b:s12+s14], $0x2000, s15, s14, $0x38;
	[tilespmem:$0x8080] =	vst v63  }
0x2a: {  	p1 =	sge.u32 s31, s6  }
.Ltmp2:
0x2b: {  	_ = 	snop;
	(pc) =	sbr.rel @p1 .LBB1_5-.Ltmp2, $1  }
0x2c: {  	_ =	sdelay $0x3  }
0x2d: {  	s12 =	simm.s32 $0x1  }
0x2e: {  	_ =	swait.ge [sflag:s5], $0x2000;
	s12 =	simm.s32 @!p0 $0x0  }
0x2f: {  	[sflag:s5] =	ssyncset.done $0x0;
	s13 =	sshll.u32 s12, $0xD  }
0x30: {  	[sflag:s5] =	ssyncadd.s32 $0xFFFFE000;
	s16 =	sor.u32 $0x20, s13  }
0x31: {  	s12 =	smul.u32 $0x8100, s12;
	v3 =	vld [tilespmem:s16+$0x10]  }
0x32: {  	s30 =	sand.u32 $0x1, s10;
	v2 =	vld [tilespmem:s16+$0xFFFFFFF0]  }
0x33: {  	s13 =	smul.u32 $0x8100, s30;
	s12 =	sshrl.u32 s12, $0x2;
	v0 =	vld [tilespmem:s16+$0x0]  }
0x34: {  	v1 =	vld [tilespmem:s16+$0xFFFFFFE0];
	s14 =	sor.u32 $0x4000, s12  }
0x35: {  	s31 =	sshrl.u32 s13, $0x2;
	s13 =	sadd.s32 $0x0, s14  }
0x36: {  	s15 =	simm.s32 $0x4;
	s16 =	sadd.s32 $0x40, s16;
	s12 =	sor.u32 $0x4000, s31;
	[tilespmem:s13+$0x1830 ss:$0x81] =	vst.msk $0xffff, v3  }
.LBB1_3:
0x37: {  	v3 =	vld [tilespmem:s16+$0x10];
	p1 =	sne.s32 s15, $0x1FC;
	[tilespmem:s13+$0x810 ss:$0x81] =	vst.msk $0xffff, v2;
	s17 =	smov.u32 s15;
	s15 =	sadd.s32 $0x4, s15  }
.Ltmp3:
0x38: {  	v2 =	vld [tilespmem:s16+$0xFFFFFFF0];
	[tilespmem:s13+$0x1020 ss:$0x81] =	vst.msk $0xffff, v0;
	(pc) =	sbr.rel @p1 .LBB1_3-.Ltmp3, $4  }
0x39: {  	v0 =	vld [tilespmem:s16+$0x0];
	[tilespmem:s13+$0x0 ss:$0x81] =	vst.msk $0xffff, v1  }
0x3a: {  	s13 =	sshra.s32 s17, $0x2;
	v1 =	vld [tilespmem:s16+$0xFFFFFFE0]  }
0x3b: {  	s13 =	sadd.s32 s13, s14  }
0x3c: {  	s16 =	sadd.s32 $0x40, s16;
	[tilespmem:s13+$0x1830 ss:$0x81] =	vst.msk $0xffff, v3  }
.Ltmp4:
0x3d: {  	_ = 	snop;
	(pc) =	sbr.rel .LBB1_4-.Ltmp4, $1  }
0x3e: {  	_ =	sdelay $0x3  }
.LBB1_6:
0x3f: {  	_ =	sfence.sel $0x180000  }
0x40: {  	s2 =	simm.s32 $0x1;
	[bflag:$0x0] =	sbarrier.arrive $0xFFFF  }
0x41: {  	s31 =	simm.s32 $0x2;
	[sflag:s2] =	ssyncpa.u1 $0x1  }
0x42: {  	[sflag:s31] =	ssyncpa.u1 $0x1  }
0x43: {  	p0 =	sne.s32 s0, $0x0;
	_ =	strace $0x9000004A  }
0x44: {  	s0 =	sadd.s32 @!p0 $0x100000, s1;
	[bflag:$0x2] =	sbarrier.arrive $0xFFFF  }
0x45: {  	[sflag:s0] =	ssyncadd.tile.s32 @!p0 $0x1;
	_ =	shalt  }
.Lfunc_end1:
_tile_overlayer_lowered:
.L_overlay_start_2:
0x46: {  	(tag) =	ssettag $0x2  }
0x47: {  	s0 =	rddreg [dreg:$0x0];
	s2 =	stileid.u32  }
0x48: {  	s1 =	rddreg [dreg:$0x1];
	p0 =	sne.s32 s2, $0x0  }
0x49: {  	s3 =	rddreg [dreg:$0x2];
	[bflag:$0x3] =	sbarrier.arrive $0xFFFF;
	s2 =	simm.s32 @!p0 $0x1C01  }
0x4a: {  	[timem:s3], [sflag:s2] =	dma.local @!p0 [hbm:s0], s1  }
0x4b: {  	s0 =	simm.s32 @!p0 $0x1  }
0x4c: {  	_ =	swait.ge @!p0 [sflag:s0], s1  }
0x4d: {  	s1 =	ssub.s32 @!p0 $0x0, s1;
	[sflag:s0] =	ssyncset.done @!p0 $0x0  }
0x4e: {  	[sflag:s0] =	ssyncadd.s32 @!p0 s1  }
0x4f: {  	[bflag:$0x3] =	sbarrier.arrive $0xFFFF  }
0x50: {  	_ =	shalt  }

</sc_bundles>
